<compile_context>
chip_gen: v7x
topology: tpu7x:2x2x1
jax: 0.10.2.dev20260603
libtpu: 0.0.44.dev20260713+nightly
codegen_flags: <defaults>
</compile_context>

<pallas_src>
import functools

import jax
import jax.numpy as jnp
from jax import lax
from jax.experimental import pallas as pl
from jax.experimental.pallas import tpu as pltpu
from jax.experimental.pallas import tpu_sc as plsc

B = 16384
F = 26
V = 100000
D = 16
H = 128
BF = B * F
EMBED_OUT = F * D
TOTAL_ROWS = F * V

NC = 2
NS = 16
NW = NC * NS

RPW = B // NW
IPW = RPW * F
GCH = 128
NG = IPW // GCH
GROUPS = IPW // 16
OFF_PERIOD_GROUPS = 13
OFF_PERIOD = OFF_PERIOD_GROUPS * 16


CW = 1024
NBLK = TOTAL_ROWS // CW
TAIL = TOTAL_ROWS - NBLK * CW
WPR = D // 2
TR_BASE = NBLK // NW
TR_EXTRA = NBLK - TR_BASE * NW


def _sc_transpose(embT_hbm, tail_hbm, out_hbm,
                  blk_v0, blk_v1, row_v0, row_v1,
                  sem_i0, sem_i1, sem_o0, sem_o1):
    w = lax.axis_index("s") * NC + lax.axis_index("c")
    nblk = TR_BASE + jnp.where(w < TR_EXTRA, 1, 0)
    start = w * TR_BASE + jnp.minimum(w, TR_EXTRA)
    iot16 = lax.iota(jnp.int32, 16) * WPR

    blks = (blk_v0, blk_v1)
    rows = (row_v0, row_v1)
    semi = (sem_i0, sem_i1)
    semo = (sem_o0, sem_o1)

    def start_in(b, slot):
        c0 = (start + b) * CW
        pltpu.async_copy(embT_hbm.at[:, pl.ds(c0, CW)], blks[slot], semi[slot])

    def step(b, slot):
        blk, row = blks[slot], rows[slot]
        pltpu.make_async_copy(embT_hbm.at[:, pl.ds(0, CW)], blk,
                              semi[slot]).wait()

        @pl.when(b >= 2)
        def _():
            pltpu.make_async_copy(row, out_hbm.at[pl.ds(0, CW * WPR)],
                                  semo[slot]).wait()

        @plsc.parallel_loop(0, CW // 16, unroll=2)
        def col_grp(c):
            cbase = c * 16
            for k2 in range(D // 2):
                va = blk[2 * k2, pl.ds(cbase, 16)]
                vb = blk[2 * k2 + 1, pl.ds(cbase, 16)]
                wd = plsc.bitcast(
                    plsc.pack(va, vb, format=plsc.PackFormat.INTERLEAVED),
                    jnp.int32)
                plsc.store_scatter(row, [iot16 + (cbase * WPR + k2)], wd)

        @pl.when(b + 2 < nblk)
        def _():
            start_in(b + 2, slot)

        c0 = (start + b) * CW
        pltpu.async_copy(row, out_hbm.at[pl.ds(c0 * WPR, CW * WPR)],
                         semo[slot])

    start_in(0, 0)
    start_in(1, 1)

    def pair(i, _):
        b = i * 2

        @pl.when(b < nblk)
        def _():
            step(b, 0)

        @pl.when(b + 1 < nblk)
        def _():
            step(b + 1, 1)

        return 0

    lax.fori_loop(0, (TR_BASE + 2) // 2, pair, 0,
                  unroll=False)

    pltpu.make_async_copy(rows[0], out_hbm.at[pl.ds(0, CW * WPR)],
                          semo[0]).wait()
    pltpu.make_async_copy(rows[1], out_hbm.at[pl.ds(0, CW * WPR)],
                          semo[1]).wait()

    @pl.when(w == NW - 1)
    def _():
        pltpu.sync_copy(tail_hbm, row_v0.at[pl.ds(0, TAIL * WPR)])
        pltpu.sync_copy(row_v0.at[pl.ds(0, TAIL * WPR)],
                        out_hbm.at[pl.ds(NBLK * CW * WPR, TAIL * WPR)])


def _tr_call(embT, tail_flat):
    mesh = plsc.VectorSubcoreMesh(core_axis_name="c", subcore_axis_name="s",
                                  num_cores=NC, num_subcores=NS)
    return pl.kernel(
        _sc_transpose,
        out_type=jax.ShapeDtypeStruct((TOTAL_ROWS * WPR,), jnp.int32),
        mesh=mesh,
        scratch_types=[
            pltpu.VMEM((D, CW), jnp.float32),
            pltpu.VMEM((D, CW), jnp.float32),
            pltpu.VMEM((CW * WPR,), jnp.int32),
            pltpu.VMEM((CW * WPR,), jnp.int32),
            pltpu.SemaphoreType.DMA,
            pltpu.SemaphoreType.DMA,
            pltpu.SemaphoreType.DMA,
            pltpu.SemaphoreType.DMA,
        ],
        compiler_params=pltpu.CompilerParams(use_tc_tiling_on_sc=True,
                                             needs_layout_passes=False),
    )(embT, tail_flat)


def _sc_gather(x_hbm, offs_hbm, emb_hbm, lin_hbm, out_hbm, linout_hbm,
               idx_v, offs_v, row_v0, row_v1, row_v2, row_v3, lin_v, wide_v,
               sem_e0, sem_e1, sem_e2, sem_e3,
               sem_o0, sem_o1, sem_o2, sem_o3, sem_l):
    wid = lax.axis_index("s") * NC + lax.axis_index("c")
    base_i = wid * IPW
    rows = (row_v0, row_v1, row_v2, row_v3)
    seme = (sem_e0, sem_e1, sem_e2, sem_e3)
    semo = (sem_o0, sem_o1, sem_o2, sem_o3)

    pltpu.sync_copy(x_hbm.at[pl.ds(base_i, IPW)], idx_v)
    pltpu.sync_copy(offs_hbm, offs_v)

    @plsc.parallel_loop(0, GROUPS // OFF_PERIOD_GROUPS, unroll=2)
    def add_body(i):
        for j in range(OFF_PERIOD_GROUPS):
            s = pl.ds(i * OFF_PERIOD + j * 16, 16)
            idx_v[s] = idx_v[s] + offs_v[pl.ds(j * 16, 16)]

    def issue(g, j):
        pltpu.async_copy(emb_hbm.at[idx_v.at[pl.ds(g * GCH, GCH)]],
                         rows[j], seme[j])

    for j in range(4):
        issue(j, j)

    def gather_body(g, _):
        for j in range(4):
            gg = g * 4 + j
            pltpu.make_async_copy(emb_hbm.at[idx_v.at[pl.ds(0, GCH)]],
                                  rows[j], seme[j]).wait()
            pltpu.async_copy(lin_hbm.at[idx_v.at[pl.ds(gg * GCH, GCH)]],
                             lin_v.at[pl.ds(gg * GCH, GCH)], sem_l)
            pltpu.async_copy(rows[j], out_hbm.at[pl.ds(base_i + gg * GCH, GCH)],
                             semo[j])

            @pl.when(gg >= 8)
            def _():
                pltpu.make_async_copy(lin_hbm.at[pl.ds(0, GCH)],
                                      lin_v.at[pl.ds(0, GCH)], sem_l).wait()

            @pl.when(gg + 4 < NG)
            def _():
                pltpu.make_async_copy(rows[j], out_hbm.at[pl.ds(0, GCH)],
                                      semo[j]).wait()
                issue(gg + 4, j)

        return 0

    lax.fori_loop(0, NG // 4, gather_body, 0)

    for j in range(4):
        pltpu.make_async_copy(rows[j], out_hbm.at[pl.ds(0, GCH)],
                              semo[j]).wait()
    pltpu.make_async_copy(lin_hbm.at[pl.ds(0, 8 * GCH)],
                          lin_v.at[pl.ds(0, 8 * GCH)], sem_l).wait()

    row_idx = lax.iota(jnp.int32, 16) * F

    @plsc.parallel_loop(0, RPW // 16, unroll=2)
    def wide_body(grp):
        base = grp * (16 * F)
        acc = plsc.load_gather(lin_v, [row_idx + base])
        for f in range(1, F):
            acc = acc + plsc.load_gather(lin_v, [row_idx + (base + f)])
        wide_v[pl.ds(grp * 16, 16)] = acc

    pltpu.sync_copy(wide_v, linout_hbm.at[pl.ds(wid * RPW, RPW)])


def _sc_call(x_flat, offs, emb, lin_flat):
    mesh = plsc.VectorSubcoreMesh(core_axis_name="c", subcore_axis_name="s",
                                  num_cores=NC, num_subcores=NS)
    return pl.kernel(
        _sc_gather,
        out_type=(jax.ShapeDtypeStruct((BF, WPR), jnp.int32),
                  jax.ShapeDtypeStruct((B,), jnp.float32)),
        mesh=mesh,
        scratch_types=[
            pltpu.VMEM((IPW,), jnp.int32),
            pltpu.VMEM((OFF_PERIOD,), jnp.int32),
            pltpu.VMEM((GCH, WPR), jnp.int32),
            pltpu.VMEM((GCH, WPR), jnp.int32),
            pltpu.VMEM((GCH, WPR), jnp.int32),
            pltpu.VMEM((GCH, WPR), jnp.int32),
            pltpu.VMEM((IPW,), jnp.float32),
            pltpu.VMEM((RPW,), jnp.float32),
            pltpu.SemaphoreType.DMA,
            pltpu.SemaphoreType.DMA,
            pltpu.SemaphoreType.DMA,
            pltpu.SemaphoreType.DMA,
            pltpu.SemaphoreType.DMA,
            pltpu.SemaphoreType.DMA,
            pltpu.SemaphoreType.DMA,
            pltpu.SemaphoreType.DMA,
            pltpu.SemaphoreType.DMA,
        ],
        compiler_params=pltpu.CompilerParams(use_tc_tiling_on_sc=False,
                                             needs_layout_passes=False),
    )(x_flat, offs, emb, lin_flat)


BB = 2048


def _mlp_body(flat_ref, wide_ref, w1_ref, b1_ref, w2t_ref, bias_ref, out_ref):
    h = jnp.dot(flat_ref[...], w1_ref[...],
                preferred_element_type=jnp.float32)
    h = jnp.maximum(h + b1_ref[...], 0.0)
    deep = jnp.sum(h * w2t_ref[...], axis=1, keepdims=True)
    out_ref[...] = jax.nn.sigmoid(deep + wide_ref[...] + bias_ref[...])


def _mlp_call(flat, wide2d, W1, b1r, W2t, bias):
    grid = (B // BB,)
    return pl.pallas_call(
        _mlp_body,
        grid=grid,
        in_specs=[
            pl.BlockSpec((BB, EMBED_OUT), lambda i: (i, 0)),
            pl.BlockSpec((BB, 1), lambda i: (i, 0)),
            pl.BlockSpec((EMBED_OUT, H), lambda i: (0, 0)),
            pl.BlockSpec((1, H), lambda i: (0, 0)),
            pl.BlockSpec((1, H), lambda i: (0, 0)),
            pl.BlockSpec((1, 1), lambda i: (0, 0)),
        ],
        out_specs=pl.BlockSpec((BB, 1), lambda i: (i, 0)),
        out_shape=jax.ShapeDtypeStruct((B, 1), jnp.float32),
    )(flat, wide2d, W1, b1r, W2t, bias)


def kernel(x, emb, lin_w, lin_b, W1, b1, W2, b2):
    x_flat = x.astype(jnp.int32).reshape(BF)
    offs = ((jnp.arange(OFF_PERIOD, dtype=jnp.int32) % F) * V)
    lin_flat = lin_w.reshape(-1)
    tail_bf = emb[NBLK * CW:].astype(jnp.bfloat16).reshape(TAIL * WPR, 2)
    tail_flat = lax.bitcast_convert_type(tail_bf, jnp.int32).reshape(-1)
    emb_rows = _tr_call(emb.T, tail_flat).reshape(TOTAL_ROWS, WPR)
    gathered, wide = _sc_call(x_flat, offs, emb_rows, lin_flat)
    flat = lax.bitcast_convert_type(gathered, jnp.bfloat16).reshape(
        B, EMBED_OUT)
    wide2d = wide.reshape(B, 1)
    bias = (b2 + lin_b).reshape(1, 1)
    out = _mlp_call(flat, wide2d, W1.astype(jnp.bfloat16),
                    b1.reshape(1, H), W2.reshape(1, H), bias)
    return out.reshape(B)

# --- scband reference (transcript-rebuilt; emitter-appended) ---
"""Pipeline reference for scband-wide-and-deep-68478958567862 (READ-ONLY COPY).

The authoritative reference and input builder live on the scoring server;
editing this copy changes nothing except your own understanding.
"""

import jax, jax.numpy as jnp
import numpy as np

B = 16384
F = 26
V = 100000
D = 16
H = 128
TOTAL = F * V
EMBED_OUT = F * D


def setup_inputs(seed: int = 0) -> dict:
    key = jax.random.key(seed)
    ks = jax.random.split(key, 8)
    x = jax.random.randint(ks[0], (B, F), 0, V, dtype=jnp.int64) if jax.config.jax_enable_x64 else jax.random.randint(ks[0], (B, F), 0, V, dtype=jnp.int32)
    emb = jax.random.normal(ks[1], (TOTAL, D), dtype=jnp.float32) * 0.01
    lin_w = jax.random.normal(ks[2], (TOTAL, 1), dtype=jnp.float32) * 0.01
    lin_b = jnp.zeros((1,), dtype=jnp.float32)
    W1 = jax.random.normal(ks[3], (EMBED_OUT, H), dtype=jnp.float32) * (1.0 / np.sqrt(EMBED_OUT))
    b1 = jnp.zeros((H,), dtype=jnp.float32)
    W2 = jax.random.normal(ks[4], (H, 1), dtype=jnp.float32) * (1.0 / np.sqrt(H))
    b2 = jnp.zeros((1,), dtype=jnp.float32)
    return {"x": x, "emb": emb, "lin_w": lin_w, "lin_b": lin_b, "W1": W1, "b1": b1, "W2": W2, "b2": b2}


def reference(x, emb, lin_w, lin_b, W1, b1, W2, b2):
    # offsets map per-field indices into the flat concatenated embedding table
    offsets = (jnp.arange(F, dtype=x.dtype) * V)[None, :]
    idx = x + offsets  # [B, F]
    # deep part: embedding lookup (SparseCore gather) then MLP
    embed_x = jnp.take(emb, idx, axis=0)  # [B, F, D]
    flat = embed_x.reshape(embed_x.shape[0], EMBED_OUT)  # [B, F*D]
    h = jax.nn.relu(flat @ W1 + b1)  # dropout p=0.0 (eval) is identity
    deep = h @ W2 + b2  # [B, 1]
    # wide part: per-field scalar embedding summed + bias
    wide = jnp.take(lin_w, idx, axis=0).sum(axis=1) + lin_b  # [B, 1]
    logits = wide + deep  # [B, 1]
    label_logits = jax.nn.sigmoid(jnp.squeeze(logits, axis=1))  # [B]
    return label_logits

if __name__ == "__main__":
    import jax
    _d = setup_inputs()
    print(jax.jit(kernel)(*tuple(_d.values())))

</pallas_src>

<mosaic_0001>
#map = affine_map<(d0, d1) -> (0, 0)>
#map1 = affine_map<(d0, d1) -> (0)>
module attributes {stable_mosaic.version = 14 : i64} {
  func.func @_sc_transpose(%arg0: i32, %arg1: i32, %arg2: memref<16x2600000xf32, #tpu.memory_space<hbm>>, %arg3: memref<512xi32, #tpu.memory_space<hbm>>, %arg4: memref<20800000xi32, #tpu.memory_space<hbm>>, %arg5: memref<16x1024xf32, #tpu.memory_space<vmem>>, %arg6: memref<16x1024xf32, #tpu.memory_space<vmem>>, %arg7: memref<8192xi32, #tpu.memory_space<vmem>>, %arg8: memref<8192xi32, #tpu.memory_space<vmem>>, %arg9: memref<!tpu.dma_semaphore, #tpu.memory_space<semaphore_mem>>, %arg10: memref<!tpu.dma_semaphore, #tpu.memory_space<semaphore_mem>>, %arg11: memref<!tpu.dma_semaphore, #tpu.memory_space<semaphore_mem>>, %arg12: memref<!tpu.dma_semaphore, #tpu.memory_space<semaphore_mem>>) attributes {dimension_semantics = [#tpu.dimension_semantics<core_parallel>, #tpu.dimension_semantics<subcore_parallel>], iteration_bounds = array<i64: 2, 16>, scalar_prefetch = 0 : i64, scratch_operands = 8 : i64, tpu.core_type = #tpu.core_type<sc_vector_subcore>, window_params = [{transform_indices = #map}, {transform_indices = #map1}, {transform_indices = #map1}]} {
    %mul3A = arith.constant 2 : i32
    %mul3A_0 = arith.muli %arg1, %mul3A : i32
    %add3A = arith.addi %mul3A_0, %arg0 : i32
    %lt3A = arith.constant 11 : i32
    %lt3A_1 = arith.cmpi slt, %add3A, %lt3A : i32
    %jit3A = arith.constant 1 : i32
    %jit3A_2 = arith.constant 0 : i32
    %select_n3A = arith.select %lt3A_1, %jit3A, %jit3A_2 : i32
    %add3A_3 = arith.constant 79 : i32
    %add3A_4 = arith.addi %add3A_3, %select_n3A : i32
    %mul3A_5 = arith.constant 79 : i32
    %mul3A_6 = arith.muli %add3A, %mul3A_5 : i32
    %min3A = arith.constant 11 : i32
    %min3A_7 = arith.minsi %add3A, %min3A : i32
    %add3A_8 = arith.addi %mul3A_6, %min3A_7 : i32
    %iota3A = tpu.iota {dimensions = array<i32: 0>} : vector<16xi32>
    %mul3A_9 = arith.constant 8 : i32
    %mul3A_10 = vector.broadcast %mul3A_9 : i32 to vector<16xi32>
    %mul3A_11 = arith.muli %iota3A, %mul3A_10 : vector<16xi32>
    %add3A_12 = arith.constant 0 : i32
    %add3A_13 = arith.addi %add3A_8, %add3A_12 : i32
    %mul3A_14 = arith.constant 1024 : i32
    %mul3A_15 = arith.muli %add3A_13, %mul3A_14 : i32
    %dma_start3A = arith.constant 0 : i32
    %dma_start3A_16 = tpu.memref_slice %arg2[%dma_start3A, %mul3A_15] : memref<16x2600000xf32, #tpu.memory_space<hbm>> -> memref<16x1024xf32, #tpu.memory_space<hbm>>
    %dma_start3A_17 = arith.constant 0 : i32
    %dma_start3A_18 = tpu.memref_slice %arg2[%dma_start3A_17, %mul3A_15] : memref<16x2600000xf32, #tpu.memory_space<hbm>> -> memref<16x1024xf32, #tpu.memory_space<hbm>>
    tpu.enqueue_dma source(%dma_start3A_18 : memref<16x1024xf32, #tpu.memory_space<hbm>>) target(%arg5 : memref<16x1024xf32, #tpu.memory_space<vmem>>) target_semaphore(%arg9 : memref<!tpu.dma_semaphore, #tpu.memory_space<semaphore_mem>>)
    %add3A_19 = arith.constant 1 : i32
    %add3A_20 = arith.addi %add3A_8, %add3A_19 : i32
    %mul3A_21 = arith.constant 1024 : i32
    %mul3A_22 = arith.muli %add3A_20, %mul3A_21 : i32
    %dma_start3A_23 = arith.constant 0 : i32
    %dma_start3A_24 = tpu.memref_slice %arg2[%dma_start3A_23, %mul3A_22] : memref<16x2600000xf32, #tpu.memory_space<hbm>> -> memref<16x1024xf32, #tpu.memory_space<hbm>>
    %dma_start3A_25 = arith.constant 0 : i32
    %dma_start3A_26 = tpu.memref_slice %arg2[%dma_start3A_25, %mul3A_22] : memref<16x2600000xf32, #tpu.memory_space<hbm>> -> memref<16x1024xf32, #tpu.memory_space<hbm>>
    tpu.enqueue_dma source(%dma_start3A_26 : memref<16x1024xf32, #tpu.memory_space<hbm>>) target(%arg6 : memref<16x1024xf32, #tpu.memory_space<vmem>>) target_semaphore(%arg10 : memref<!tpu.dma_semaphore, #tpu.memory_space<semaphore_mem>>)
    %scan3A = arith.constant 0 : i32
    %scan3A_27 = arith.constant 0 : i32
    %scan3A_28 = arith.constant 40 : i32
    %scan3A_29 = arith.addi %scan3A_27, %scan3A_28 : i32
    %scan3A_30 = arith.constant 1 : i32
    %scan3A_31 = scf.for %scan3A_42 = %scan3A_27 to %scan3A_29 step %scan3A_30 iter_args(%scan3A_43 = %scan3A) -> (i32)  : i32 {
      %mul3A_44 = arith.constant 2 : i32
      %mul3A_45 = arith.muli %scan3A_42, %mul3A_44 : i32
      %lt3A_46 = arith.cmpi slt, %mul3A_45, %add3A_4 : i32
      %convert_element_type3A_47 = arith.extui %lt3A_46 : i1 to i32
      %cond3A_48 = arith.constant 0 : i32
      %cond3A_49 = arith.cmpi ne, %convert_element_type3A_47, %cond3A_48 : i32
      scf.if %cond3A_49 {
        %dma_wait3A_57 = arith.constant 0 : i32
        %dma_wait3A_58 = arith.constant 0 : i32
        %dma_wait3A_59 = tpu.memref_slice %arg2[%dma_wait3A_57, %dma_wait3A_58] : memref<16x2600000xf32, #tpu.memory_space<hbm>> -> memref<16x1024xf32, #tpu.memory_space<hbm>>
        %dma_wait3A_60 = arith.constant 0 : i32
        %dma_wait3A_61 = arith.constant 0 : i32
        %dma_wait3A_62 = tpu.memref_slice %arg2[%dma_wait3A_60, %dma_wait3A_61] : memref<16x2600000xf32, #tpu.memory_space<hbm>> -> memref<16x1024xf32, #tpu.memory_space<hbm>>
        tpu.wait_dma2 semaphore(%arg9 : memref<!tpu.dma_semaphore, #tpu.memory_space<semaphore_mem>>) src(%dma_wait3A_62 : memref<16x1024xf32, #tpu.memory_space<hbm>>) dst(%arg5 : memref<16x1024xf32, #tpu.memory_space<vmem>>)
        %ge3A = arith.constant 2 : i32
        %ge3A_63 = arith.cmpi sge, %mul3A_45, %ge3A : i32
        %convert_element_type3A_64 = arith.extui %ge3A_63 : i1 to i32
        %cond3A_65 = arith.constant 0 : i32
        %cond3A_66 = arith.cmpi ne, %convert_element_type3A_64, %cond3A_65 : i32
        scf.if %cond3A_66 {
          %dma_wait3A_82 = arith.constant 0 : i32
          %dma_wait3A_83 = tpu.memref_slice %arg4[%dma_wait3A_82] : memref<20800000xi32, #tpu.memory_space<hbm>> -> memref<8192xi32, #tpu.memory_space<hbm>>
          %dma_wait3A_84 = arith.constant 0 : i32
          %dma_wait3A_85 = tpu.memref_slice %arg4[%dma_wait3A_84] : memref<20800000xi32, #tpu.memory_space<hbm>> -> memref<8192xi32, #tpu.memory_space<hbm>>
          tpu.wait_dma2 semaphore(%arg11 : memref<!tpu.dma_semaphore, #tpu.memory_space<semaphore_mem>>) src(%arg7 : memref<8192xi32, #tpu.memory_space<vmem>>) dst(%dma_wait3A_85 : memref<8192xi32, #tpu.memory_space<hbm>>)
        } else {
        }
        %parallel_loop3A = arith.constant 0 : i32
        %parallel_loop3A_67 = arith.constant 64 : i32
        %parallel_loop3A_68 = arith.constant 1 : i32
        scf.for %parallel_loop3A_82 = %parallel_loop3A to %parallel_loop3A_67 step %parallel_loop3A_68  : i32 {
          %parallel_loop3A_83 = arith.constant 16 : i32
          %parallel_loop3A_84 = arith.muli %parallel_loop3A_82, %parallel_loop3A_83 : i32
          %parallel_loop3A_85 = arith.constant 0 : i32
          %parallel_loop3A_86 = arith.index_cast %parallel_loop3A_85 : i32 to index
          %parallel_loop3A_87 = arith.index_cast %parallel_loop3A_84 : i32 to index
          %parallel_loop3A_88 = tpu.vector_load %arg5[%parallel_loop3A_86, %parallel_loop3A_87] {strides = array<i32>} : memref<16x1024xf32, #tpu.memory_space<vmem>>, vector<16xf32>,
          %parallel_loop3A_89 = arith.constant 1 : i32
          %parallel_loop3A_90 = arith.index_cast %parallel_loop3A_89 : i32 to index
          %parallel_loop3A_91 = arith.index_cast %parallel_loop3A_84 : i32 to index
          %parallel_loop3A_92 = tpu.vector_load %arg5[%parallel_loop3A_90, %parallel_loop3A_91] {strides = array<i32>} : memref<16x1024xf32, #tpu.memory_space<vmem>>, vector<16xf32>,
          %parallel_loop3A_93 = tpu.pack_subelements %parallel_loop3A_88, %parallel_loop3A_92 {pack_format = #tpu.pack_format<interleaved>, positions = array<i32: 0, 1>} : vector<16xf32>, vector<16xf32> -> vector<32xbf16>
          %parallel_loop3A_94 = vector.bitcast %parallel_loop3A_93 : vector<32xbf16> to vector<16xi32>
          %parallel_loop3A_95 = arith.constant 8 : i32
          %parallel_loop3A_96 = arith.muli %parallel_loop3A_84, %parallel_loop3A_95 : i32
          %parallel_loop3A_97 = arith.constant 0 : i32
          %parallel_loop3A_98 = arith.addi %parallel_loop3A_96, %parallel_loop3A_97 : i32
          %parallel_loop3A_99 = vector.broadcast %parallel_loop3A_98 : i32 to vector<16xi32>
          %parallel_loop3A_100 = arith.addi %mul3A_11, %parallel_loop3A_99 : vector<16xi32>
          tpu.vector_store_idx %arg7[%parallel_loop3A_100], %parallel_loop3A_94 : memref<8192xi32, #tpu.memory_space<vmem>>[vector<16xi32>], vector<16xi32>,
          %parallel_loop3A_101 = arith.constant 2 : i32
          %parallel_loop3A_102 = arith.index_cast %parallel_loop3A_101 : i32 to index
          %parallel_loop3A_103 = arith.index_cast %parallel_loop3A_84 : i32 to index
          %parallel_loop3A_104 = tpu.vector_load %arg5[%parallel_loop3A_102, %parallel_loop3A_103] {strides = array<i32>} : memref<16x1024xf32, #tpu.memory_space<vmem>>, vector<16xf32>,
          %parallel_loop3A_105 = arith.constant 3 : i32
          %parallel_loop3A_106 = arith.index_cast %parallel_loop3A_105 : i32 to index
          %parallel_loop3A_107 = arith.index_cast %parallel_loop3A_84 : i32 to index
          %parallel_loop3A_108 = tpu.vector_load %arg5[%parallel_loop3A_106, %parallel_loop3A_107] {strides = array<i32>} : memref<16x1024xf32, #tpu.memory_space<vmem>>, vector<16xf32>,
          %parallel_loop3A_109 = tpu.pack_subelements %parallel_loop3A_104, %parallel_loop3A_108 {pack_format = #tpu.pack_format<interleaved>, positions = array<i32: 0, 1>} : vector<16xf32>, vector<16xf32> -> vector<32xbf16>
          %parallel_loop3A_110 = vector.bitcast %parallel_loop3A_109 : vector<32xbf16> to vector<16xi32>
          %parallel_loop3A_111 = arith.constant 8 : i32
          %parallel_loop3A_112 = arith.muli %parallel_loop3A_84, %parallel_loop3A_111 : i32
          %parallel_loop3A_113 = arith.constant 1 : i32
          %parallel_loop3A_114 = arith.addi %parallel_loop3A_112, %parallel_loop3A_113 : i32
          %parallel_loop3A_115 = vector.broadcast %parallel_loop3A_114 : i32 to vector<16xi32>
          %parallel_loop3A_116 = arith.addi %mul3A_11, %parallel_loop3A_115 : vector<16xi32>
          tpu.vector_store_idx %arg7[%parallel_loop3A_116], %parallel_loop3A_110 : memref<8192xi32, #tpu.memory_space<vmem>>[vector<16xi32>], vector<16xi32>,
          %parallel_loop3A_117 = arith.constant 4 : i32
          %parallel_loop3A_118 = arith.index_cast %parallel_loop3A_117 : i32 to index
          %parallel_loop3A_119 = arith.index_cast %parallel_loop3A_84 : i32 to index
          %parallel_loop3A_120 = tpu.vector_load %arg5[%parallel_loop3A_118, %parallel_loop3A_119] {strides = array<i32>} : memref<16x1024xf32, #tpu.memory_space<vmem>>, vector<16xf32>,
          %parallel_loop3A_121 = arith.constant 5 : i32
          %parallel_loop3A_122 = arith.index_cast %parallel_loop3A_121 : i32 to index
          %parallel_loop3A_123 = arith.index_cast %parallel_loop3A_84 : i32 to index
          %parallel_loop3A_124 = tpu.vector_load %arg5[%parallel_loop3A_122, %parallel_loop3A_123] {strides = array<i32>} : memref<16x1024xf32, #tpu.memory_space<vmem>>, vector<16xf32>,
          %parallel_loop3A_125 = tpu.pack_subelements %parallel_loop3A_120, %parallel_loop3A_124 {pack_format = #tpu.pack_format<interleaved>, positions = array<i32: 0, 1>} : vector<16xf32>, vector<16xf32> -> vector<32xbf16>
          %parallel_loop3A_126 = vector.bitcast %parallel_loop3A_125 : vector<32xbf16> to vector<16xi32>
          %parallel_loop3A_127 = arith.constant 8 : i32
          %parallel_loop3A_128 = arith.muli %parallel_loop3A_84, %parallel_loop3A_127 : i32
          %parallel_loop3A_129 = arith.constant 2 : i32
          %parallel_loop3A_130 = arith.addi %parallel_loop3A_128, %parallel_loop3A_129 : i32
          %parallel_loop3A_131 = vector.broadcast %parallel_loop3A_130 : i32 to vector<16xi32>
          %parallel_loop3A_132 = arith.addi %mul3A_11, %parallel_loop3A_131 : vector<16xi32>
          tpu.vector_store_idx %arg7[%parallel_loop3A_132], %parallel_loop3A_126 : memref<8192xi32, #tpu.memory_space<vmem>>[vector<16xi32>], vector<16xi32>,
          %parallel_loop3A_133 = arith.constant 6 : i32
          %parallel_loop3A_134 = arith.index_cast %parallel_loop3A_133 : i32 to index
          %parallel_loop3A_135 = arith.index_cast %parallel_loop3A_84 : i32 to index
          %parallel_loop3A_136 = tpu.vector_load %arg5[%parallel_loop3A_134, %parallel_loop3A_135] {strides = array<i32>} : memref<16x1024xf32, #tpu.memory_space<vmem>>, vector<16xf32>,
          %parallel_loop3A_137 = arith.constant 7 : i32
          %parallel_loop3A_138 = arith.index_cast %parallel_loop3A_137 : i32 to index
          %parallel_loop3A_139 = arith.index_cast %parallel_loop3A_84 : i32 to index
          %parallel_loop3A_140 = tpu.vector_load %arg5[%parallel_loop3A_138, %parallel_loop3A_139] {strides = array<i32>} : memref<16x1024xf32, #tpu.memory_space<vmem>>, vector<16xf32>,
          %parallel_loop3A_141 = tpu.pack_subelements %parallel_loop3A_136, %parallel_loop3A_140 {pack_format = #tpu.pack_format<interleaved>, positions = array<i32: 0, 1>} : vector<16xf32>, vector<16xf32> -> vector<32xbf16>
          %parallel_loop3A_142 = vector.bitcast %parallel_loop3A_141 : vector<32xbf16> to vector<16xi32>
          %parallel_loop3A_143 = arith.constant 8 : i32
          %parallel_loop3A_144 = arith.muli %parallel_loop3A_84, %parallel_loop3A_143 : i32
          %parallel_loop3A_145 = arith.constant 3 : i32
          %parallel_loop3A_146 = arith.addi %parallel_loop3A_144, %parallel_loop3A_145 : i32
          %parallel_loop3A_147 = vector.broadcast %parallel_loop3A_146 : i32 to vector<16xi32>
          %parallel_loop3A_148 = arith.addi %mul3A_11, %parallel_loop3A_147 : vector<16xi32>
          tpu.vector_store_idx %arg7[%parallel_loop3A_148], %parallel_loop3A_142 : memref<8192xi32, #tpu.memory_space<vmem>>[vector<16xi32>], vector<16xi32>,
          %parallel_loop3A_149 = arith.constant 8 : i32
          %parallel_loop3A_150 = arith.index_cast %parallel_loop3A_149 : i32 to index
          %parallel_loop3A_151 = arith.index_cast %parallel_loop3A_84 : i32 to index
          %parallel_loop3A_152 = tpu.vector_load %arg5[%parallel_loop3A_150, %parallel_loop3A_151] {strides = array<i32>} : memref<16x1024xf32, #tpu.memory_space<vmem>>, vector<16xf32>,
          %parallel_loop3A_153 = arith.constant 9 : i32
          %parallel_loop3A_154 = arith.index_cast %parallel_loop3A_153 : i32 to index
          %parallel_loop3A_155 = arith.index_cast %parallel_loop3A_84 : i32 to index
          %parallel_loop3A_156 = tpu.vector_load %arg5[%parallel_loop3A_154, %parallel_loop3A_155] {strides = array<i32>} : memref<16x1024xf32, #tpu.memory_space<vmem>>, vector<16xf32>,
          %parallel_loop3A_157 = tpu.pack_subelements %parallel_loop3A_152, %parallel_loop3A_156 {pack_format = #tpu.pack_format<interleaved>, positions = array<i32: 0, 1>} : vector<16xf32>, vector<16xf32> -> vector<32xbf16>
          %parallel_loop3A_158 = vector.bitcast %parallel_loop3A_157 : vector<32xbf16> to vector<16xi32>
          %parallel_loop3A_159 = arith.constant 8 : i32
          %parallel_loop3A_160 = arith.muli %parallel_loop3A_84, %parallel_loop3A_159 : i32
          %parallel_loop3A_161 = arith.constant 4 : i32
          %parallel_loop3A_162 = arith.addi %parallel_loop3A_160, %parallel_loop3A_161 : i32
          %parallel_loop3A_163 = vector.broadcast %parallel_loop3A_162 : i32 to vector<16xi32>
          %parallel_loop3A_164 = arith.addi %mul3A_11, %parallel_loop3A_163 : vector<16xi32>
          tpu.vector_store_idx %arg7[%parallel_loop3A_164], %parallel_loop3A_158 : memref<8192xi32, #tpu.memory_space<vmem>>[vector<16xi32>], vector<16xi32>,
          %parallel_loop3A_165 = arith.constant 10 : i32
          %parallel_loop3A_166 = arith.index_cast %parallel_loop3A_165 : i32 to index
          %parallel_loop3A_167 = arith.index_cast %parallel_loop3A_84 : i32 to index
          %parallel_loop3A_168 = tpu.vector_load %arg5[%parallel_loop3A_166, %parallel_loop3A_167] {strides = array<i32>} : memref<16x1024xf32, #tpu.memory_space<vmem>>, vector<16xf32>,
          %parallel_loop3A_169 = arith.constant 11 : i32
          %parallel_loop3A_170 = arith.index_cast %parallel_loop3A_169 : i32 to index
          %parallel_loop3A_171 = arith.index_cast %parallel_loop3A_84 : i32 to index
          %parallel_loop3A_172 = tpu.vector_load %arg5[%parallel_loop3A_170, %parallel_loop3A_171] {strides = array<i32>} : memref<16x1024xf32, #tpu.memory_space<vmem>>, vector<16xf32>,
          %parallel_loop3A_173 = tpu.pack_subelements %parallel_loop3A_168, %parallel_loop3A_172 {pack_format = #tpu.pack_format<interleaved>, positions = array<i32: 0, 1>} : vector<16xf32>, vector<16xf32> -> vector<32xbf16>
          %parallel_loop3A_174 = vector.bitcast %parallel_loop3A_173 : vector<32xbf16> to vector<16xi32>
          %parallel_loop3A_175 = arith.constant 8 : i32
          %parallel_loop3A_176 = arith.muli %parallel_loop3A_84, %parallel_loop3A_175 : i32
          %parallel_loop3A_177 = arith.constant 5 : i32
          %parallel_loop3A_178 = arith.addi %parallel_loop3A_176, %parallel_loop3A_177 : i32
          %parallel_loop3A_179 = vector.broadcast %parallel_loop3A_178 : i32 to vector<16xi32>
          %parallel_loop3A_180 = arith.addi %mul3A_11, %parallel_loop3A_179 : vector<16xi32>
          tpu.vector_store_idx %arg7[%parallel_loop3A_180], %parallel_loop3A_174 : memref<8192xi32, #tpu.memory_space<vmem>>[vector<16xi32>], vector<16xi32>,
          %parallel_loop3A_181 = arith.constant 12 : i32
          %parallel_loop3A_182 = arith.index_cast %parallel_loop3A_181 : i32 to index
          %parallel_loop3A_183 = arith.index_cast %parallel_loop3A_84 : i32 to index
          %parallel_loop3A_184 = tpu.vector_load %arg5[%parallel_loop3A_182, %parallel_loop3A_183] {strides = array<i32>} : memref<16x1024xf32, #tpu.memory_space<vmem>>, vector<16xf32>,
          %parallel_loop3A_185 = arith.constant 13 : i32
          %parallel_loop3A_186 = arith.index_cast %parallel_loop3A_185 : i32 to index
          %parallel_loop3A_187 = arith.index_cast %parallel_loop3A_84 : i32 to index
          %parallel_loop3A_188 = tpu.vector_load %arg5[%parallel_loop3A_186, %parallel_loop3A_187] {strides = array<i32>} : memref<16x1024xf32, #tpu.memory_space<vmem>>, vector<16xf32>,
          %parallel_loop3A_189 = tpu.pack_subelements %parallel_loop3A_184, %parallel_loop3A_188 {pack_format = #tpu.pack_format<interleaved>, positions = array<i32: 0, 1>} : vector<16xf32>, vector<16xf32> -> vector<32xbf16>
          %parallel_loop3A_190 = vector.bitcast %parallel_loop3A_189 : vector<32xbf16> to vector<16xi32>
          %parallel_loop3A_191 = arith.constant 8 : i32
          %parallel_loop3A_192 = arith.muli %parallel_loop3A_84, %parallel_loop3A_191 : i32
          %parallel_loop3A_193 = arith.constant 6 : i32
          %parallel_loop3A_194 = arith.addi %parallel_loop3A_192, %parallel_loop3A_193 : i32
          %parallel_loop3A_195 = vector.broadcast %parallel_loop3A_194 : i32 to vector<16xi32>
          %parallel_loop3A_196 = arith.addi %mul3A_11, %parallel_loop3A_195 : vector<16xi32>
          tpu.vector_store_idx %arg7[%parallel_loop3A_196], %parallel_loop3A_190 : memref<8192xi32, #tpu.memory_space<vmem>>[vector<16xi32>], vector<16xi32>,
          %parallel_loop3A_197 = arith.constant 14 : i32
          %parallel_loop3A_198 = arith.index_cast %parallel_loop3A_197 : i32 to index
          %parallel_loop3A_199 = arith.index_cast %parallel_loop3A_84 : i32 to index
          %parallel_loop3A_200 = tpu.vector_load %arg5[%parallel_loop3A_198, %parallel_loop3A_199] {strides = array<i32>} : memref<16x1024xf32, #tpu.memory_space<vmem>>, vector<16xf32>,
          %parallel_loop3A_201 = arith.constant 15 : i32
          %parallel_loop3A_202 = arith.index_cast %parallel_loop3A_201 : i32 to index
          %parallel_loop3A_203 = arith.index_cast %parallel_loop3A_84 : i32 to index
          %parallel_loop3A_204 = tpu.vector_load %arg5[%parallel_loop3A_202, %parallel_loop3A_203] {strides = array<i32>} : memref<16x1024xf32, #tpu.memory_space<vmem>>, vector<16xf32>,
          %parallel_loop3A_205 = tpu.pack_subelements %parallel_loop3A_200, %parallel_loop3A_204 {pack_format = #tpu.pack_format<interleaved>, positions = array<i32: 0, 1>} : vector<16xf32>, vector<16xf32> -> vector<32xbf16>
          %parallel_loop3A_206 = vector.bitcast %parallel_loop3A_205 : vector<32xbf16> to vector<16xi32>
          %parallel_loop3A_207 = arith.constant 8 : i32
          %parallel_loop3A_208 = arith.muli %parallel_loop3A_84, %parallel_loop3A_207 : i32
          %parallel_loop3A_209 = arith.constant 7 : i32
          %parallel_loop3A_210 = arith.addi %parallel_loop3A_208, %parallel_loop3A_209 : i32
          %parallel_loop3A_211 = vector.broadcast %parallel_loop3A_210 : i32 to vector<16xi32>
          %parallel_loop3A_212 = arith.addi %mul3A_11, %parallel_loop3A_211 : vector<16xi32>
          tpu.vector_store_idx %arg7[%parallel_loop3A_212], %parallel_loop3A_206 : memref<8192xi32, #tpu.memory_space<vmem>>[vector<16xi32>], vector<16xi32>,
        } {sc.loop_unroll_factor = 2 : i64, sc.parallel_access}
        %add3A_69 = arith.constant 2 : i32
        %add3A_70 = arith.addi %mul3A_45, %add3A_69 : i32
        %lt3A_71 = arith.cmpi slt, %add3A_70, %add3A_4 : i32
        %convert_element_type3A_72 = arith.extui %lt3A_71 : i1 to i32
        %cond3A_73 = arith.constant 0 : i32
        %cond3A_74 = arith.cmpi ne, %convert_element_type3A_72, %cond3A_73 : i32
        scf.if %cond3A_74 {
          %add3A_82 = arith.constant 2 : i32
          %add3A_83 = arith.addi %mul3A_45, %add3A_82 : i32
          %add3A_84 = arith.addi %add3A_8, %add3A_83 : i32
          %mul3A_85 = arith.constant 1024 : i32
          %mul3A_86 = arith.muli %add3A_84, %mul3A_85 : i32
          %dma_start3A_87 = arith.constant 0 : i32
          %dma_start3A_88 = tpu.memref_slice %arg2[%dma_start3A_87, %mul3A_86] : memref<16x2600000xf32, #tpu.memory_space<hbm>> -> memref<16x1024xf32, #tpu.memory_space<hbm>>
          %dma_start3A_89 = arith.constant 0 : i32
          %dma_start3A_90 = tpu.memref_slice %arg2[%dma_start3A_89, %mul3A_86] : memref<16x2600000xf32, #tpu.memory_space<hbm>> -> memref<16x1024xf32, #tpu.memory_space<hbm>>
          tpu.enqueue_dma source(%dma_start3A_90 : memref<16x1024xf32, #tpu.memory_space<hbm>>) target(%arg5 : memref<16x1024xf32, #tpu.memory_space<vmem>>) target_semaphore(%arg9 : memref<!tpu.dma_semaphore, #tpu.memory_space<semaphore_mem>>)
        } else {
        }
        %add3A_75 = arith.addi %add3A_8, %mul3A_45 : i32
        %mul3A_76 = arith.constant 1024 : i32
        %mul3A_77 = arith.muli %add3A_75, %mul3A_76 : i32
        %mul3A_78 = arith.constant 8 : i32
        %mul3A_79 = arith.muli %mul3A_77, %mul3A_78 : i32
        %dma_start3A_80 = tpu.memref_slice %arg4[%mul3A_79] : memref<20800000xi32, #tpu.memory_space<hbm>> -> memref<8192xi32, #tpu.memory_space<hbm>>
        %dma_start3A_81 = tpu.memref_slice %arg4[%mul3A_79] : memref<20800000xi32, #tpu.memory_space<hbm>> -> memref<8192xi32, #tpu.memory_space<hbm>>
        tpu.enqueue_dma source(%arg7 : memref<8192xi32, #tpu.memory_space<vmem>>) target(%dma_start3A_81 : memref<8192xi32, #tpu.memory_space<hbm>>) target_semaphore(%arg11 : memref<!tpu.dma_semaphore, #tpu.memory_space<semaphore_mem>>)
      } else {
      }
      %add3A_50 = arith.constant 1 : i32
      %add3A_51 = arith.addi %mul3A_45, %add3A_50 : i32
      %lt3A_52 = arith.cmpi slt, %add3A_51, %add3A_4 : i32
      %convert_element_type3A_53 = arith.extui %lt3A_52 : i1 to i32
      %cond3A_54 = arith.constant 0 : i32
      %cond3A_55 = arith.cmpi ne, %convert_element_type3A_53, %cond3A_54 : i32
      scf.if %cond3A_55 {
        %add3A_57 = arith.constant 1 : i32
        %add3A_58 = arith.addi %mul3A_45, %add3A_57 : i32
        %dma_wait3A_59 = arith.constant 0 : i32
        %dma_wait3A_60 = arith.constant 0 : i32
        %dma_wait3A_61 = tpu.memref_slice %arg2[%dma_wait3A_59, %dma_wait3A_60] : memref<16x2600000xf32, #tpu.memory_space<hbm>> -> memref<16x1024xf32, #tpu.memory_space<hbm>>
        %dma_wait3A_62 = arith.constant 0 : i32
        %dma_wait3A_63 = arith.constant 0 : i32
        %dma_wait3A_64 = tpu.memref_slice %arg2[%dma_wait3A_62, %dma_wait3A_63] : memref<16x2600000xf32, #tpu.memory_space<hbm>> -> memref<16x1024xf32, #tpu.memory_space<hbm>>
        tpu.wait_dma2 semaphore(%arg10 : memref<!tpu.dma_semaphore, #tpu.memory_space<semaphore_mem>>) src(%dma_wait3A_64 : memref<16x1024xf32, #tpu.memory_space<hbm>>) dst(%arg6 : memref<16x1024xf32, #tpu.memory_space<vmem>>)
        %ge3A = arith.constant 2 : i32
        %ge3A_65 = arith.cmpi sge, %add3A_58, %ge3A : i32
        %convert_element_type3A_66 = arith.extui %ge3A_65 : i1 to i32
        %cond3A_67 = arith.constant 0 : i32
        %cond3A_68 = arith.cmpi ne, %convert_element_type3A_66, %cond3A_67 : i32
        scf.if %cond3A_68 {
          %dma_wait3A_84 = arith.constant 0 : i32
          %dma_wait3A_85 = tpu.memref_slice %arg4[%dma_wait3A_84] : memref<20800000xi32, #tpu.memory_space<hbm>> -> memref<8192xi32, #tpu.memory_space<hbm>>
          %dma_wait3A_86 = arith.constant 0 : i32
          %dma_wait3A_87 = tpu.memref_slice %arg4[%dma_wait3A_86] : memref<20800000xi32, #tpu.memory_space<hbm>> -> memref<8192xi32, #tpu.memory_space<hbm>>
          tpu.wait_dma2 semaphore(%arg12 : memref<!tpu.dma_semaphore, #tpu.memory_space<semaphore_mem>>) src(%arg8 : memref<8192xi32, #tpu.memory_space<vmem>>) dst(%dma_wait3A_87 : memref<8192xi32, #tpu.memory_space<hbm>>)
        } else {
        }
        %parallel_loop3A = arith.constant 0 : i32
        %parallel_loop3A_69 = arith.constant 64 : i32
        %parallel_loop3A_70 = arith.constant 1 : i32
        scf.for %parallel_loop3A_84 = %parallel_loop3A to %parallel_loop3A_69 step %parallel_loop3A_70  : i32 {
          %parallel_loop3A_85 = arith.constant 16 : i32
          %parallel_loop3A_86 = arith.muli %parallel_loop3A_84, %parallel_loop3A_85 : i32
          %parallel_loop3A_87 = arith.constant 0 : i32
          %parallel_loop3A_88 = arith.index_cast %parallel_loop3A_87 : i32 to index
          %parallel_loop3A_89 = arith.index_cast %parallel_loop3A_86 : i32 to index
          %parallel_loop3A_90 = tpu.vector_load %arg6[%parallel_loop3A_88, %parallel_loop3A_89] {strides = array<i32>} : memref<16x1024xf32, #tpu.memory_space<vmem>>, vector<16xf32>,
          %parallel_loop3A_91 = arith.constant 1 : i32
          %parallel_loop3A_92 = arith.index_cast %parallel_loop3A_91 : i32 to index
          %parallel_loop3A_93 = arith.index_cast %parallel_loop3A_86 : i32 to index
          %parallel_loop3A_94 = tpu.vector_load %arg6[%parallel_loop3A_92, %parallel_loop3A_93] {strides = array<i32>} : memref<16x1024xf32, #tpu.memory_space<vmem>>, vector<16xf32>,
          %parallel_loop3A_95 = tpu.pack_subelements %parallel_loop3A_90, %parallel_loop3A_94 {pack_format = #tpu.pack_format<interleaved>, positions = array<i32: 0, 1>} : vector<16xf32>, vector<16xf32> -> vector<32xbf16>
          %parallel_loop3A_96 = vector.bitcast %parallel_loop3A_95 : vector<32xbf16> to vector<16xi32>
          %parallel_loop3A_97 = arith.constant 8 : i32
          %parallel_loop3A_98 = arith.muli %parallel_loop3A_86, %parallel_loop3A_97 : i32
          %parallel_loop3A_99 = arith.constant 0 : i32
          %parallel_loop3A_100 = arith.addi %parallel_loop3A_98, %parallel_loop3A_99 : i32
          %parallel_loop3A_101 = vector.broadcast %parallel_loop3A_100 : i32 to vector<16xi32>
          %parallel_loop3A_102 = arith.addi %mul3A_11, %parallel_loop3A_101 : vector<16xi32>
          tpu.vector_store_idx %arg8[%parallel_loop3A_102], %parallel_loop3A_96 : memref<8192xi32, #tpu.memory_space<vmem>>[vector<16xi32>], vector<16xi32>,
          %parallel_loop3A_103 = arith.constant 2 : i32
          %parallel_loop3A_104 = arith.index_cast %parallel_loop3A_103 : i32 to index
          %parallel_loop3A_105 = arith.index_cast %parallel_loop3A_86 : i32 to index
          %parallel_loop3A_106 = tpu.vector_load %arg6[%parallel_loop3A_104, %parallel_loop3A_105] {strides = array<i32>} : memref<16x1024xf32, #tpu.memory_space<vmem>>, vector<16xf32>,
          %parallel_loop3A_107 = arith.constant 3 : i32
          %parallel_loop3A_108 = arith.index_cast %parallel_loop3A_107 : i32 to index
          %parallel_loop3A_109 = arith.index_cast %parallel_loop3A_86 : i32 to index
          %parallel_loop3A_110 = tpu.vector_load %arg6[%parallel_loop3A_108, %parallel_loop3A_109] {strides = array<i32>} : memref<16x1024xf32, #tpu.memory_space<vmem>>, vector<16xf32>,
          %parallel_loop3A_111 = tpu.pack_subelements %parallel_loop3A_106, %parallel_loop3A_110 {pack_format = #tpu.pack_format<interleaved>, positions = array<i32: 0, 1>} : vector<16xf32>, vector<16xf32> -> vector<32xbf16>
          %parallel_loop3A_112 = vector.bitcast %parallel_loop3A_111 : vector<32xbf16> to vector<16xi32>
          %parallel_loop3A_113 = arith.constant 8 : i32
          %parallel_loop3A_114 = arith.muli %parallel_loop3A_86, %parallel_loop3A_113 : i32
          %parallel_loop3A_115 = arith.constant 1 : i32
          %parallel_loop3A_116 = arith.addi %parallel_loop3A_114, %parallel_loop3A_115 : i32
          %parallel_loop3A_117 = vector.broadcast %parallel_loop3A_116 : i32 to vector<16xi32>
          %parallel_loop3A_118 = arith.addi %mul3A_11, %parallel_loop3A_117 : vector<16xi32>
          tpu.vector_store_idx %arg8[%parallel_loop3A_118], %parallel_loop3A_112 : memref<8192xi32, #tpu.memory_space<vmem>>[vector<16xi32>], vector<16xi32>,
          %parallel_loop3A_119 = arith.constant 4 : i32
          %parallel_loop3A_120 = arith.index_cast %parallel_loop3A_119 : i32 to index
          %parallel_loop3A_121 = arith.index_cast %parallel_loop3A_86 : i32 to index
          %parallel_loop3A_122 = tpu.vector_load %arg6[%parallel_loop3A_120, %parallel_loop3A_121] {strides = array<i32>} : memref<16x1024xf32, #tpu.memory_space<vmem>>, vector<16xf32>,
          %parallel_loop3A_123 = arith.constant 5 : i32
          %parallel_loop3A_124 = arith.index_cast %parallel_loop3A_123 : i32 to index
          %parallel_loop3A_125 = arith.index_cast %parallel_loop3A_86 : i32 to index
          %parallel_loop3A_126 = tpu.vector_load %arg6[%parallel_loop3A_124, %parallel_loop3A_125] {strides = array<i32>} : memref<16x1024xf32, #tpu.memory_space<vmem>>, vector<16xf32>,
          %parallel_loop3A_127 = tpu.pack_subelements %parallel_loop3A_122, %parallel_loop3A_126 {pack_format = #tpu.pack_format<interleaved>, positions = array<i32: 0, 1>} : vector<16xf32>, vector<16xf32> -> vector<32xbf16>
          %parallel_loop3A_128 = vector.bitcast %parallel_loop3A_127 : vector<32xbf16> to vector<16xi32>
          %parallel_loop3A_129 = arith.constant 8 : i32
          %parallel_loop3A_130 = arith.muli %parallel_loop3A_86, %parallel_loop3A_129 : i32
          %parallel_loop3A_131 = arith.constant 2 : i32
          %parallel_loop3A_132 = arith.addi %parallel_loop3A_130, %parallel_loop3A_131 : i32
          %parallel_loop3A_133 = vector.broadcast %parallel_loop3A_132 : i32 to vector<16xi32>
          %parallel_loop3A_134 = arith.addi %mul3A_11, %parallel_loop3A_133 : vector<16xi32>
          tpu.vector_store_idx %arg8[%parallel_loop3A_134], %parallel_loop3A_128 : memref<8192xi32, #tpu.memory_space<vmem>>[vector<16xi32>], vector<16xi32>,
          %parallel_loop3A_135 = arith.constant 6 : i32
          %parallel_loop3A_136 = arith.index_cast %parallel_loop3A_135 : i32 to index
          %parallel_loop3A_137 = arith.index_cast %parallel_loop3A_86 : i32 to index
          %parallel_loop3A_138 = tpu.vector_load %arg6[%parallel_loop3A_136, %parallel_loop3A_137] {strides = array<i32>} : memref<16x1024xf32, #tpu.memory_space<vmem>>, vector<16xf32>,
          %parallel_loop3A_139 = arith.constant 7 : i32
          %parallel_loop3A_140 = arith.index_cast %parallel_loop3A_139 : i32 to index
          %parallel_loop3A_141 = arith.index_cast %parallel_loop3A_86 : i32 to index
          %parallel_loop3A_142 = tpu.vector_load %arg6[%parallel_loop3A_140, %parallel_loop3A_141] {strides = array<i32>} : memref<16x1024xf32, #tpu.memory_space<vmem>>, vector<16xf32>,
          %parallel_loop3A_143 = tpu.pack_subelements %parallel_loop3A_138, %parallel_loop3A_142 {pack_format = #tpu.pack_format<interleaved>, positions = array<i32: 0, 1>} : vector<16xf32>, vector<16xf32> -> vector<32xbf16>
          %parallel_loop3A_144 = vector.bitcast %parallel_loop3A_143 : vector<32xbf16> to vector<16xi32>
          %parallel_loop3A_145 = arith.constant 8 : i32
          %parallel_loop3A_146 = arith.muli %parallel_loop3A_86, %parallel_loop3A_145 : i32
          %parallel_loop3A_147 = arith.constant 3 : i32
          %parallel_loop3A_148 = arith.addi %parallel_loop3A_146, %parallel_loop3A_147 : i32
          %parallel_loop3A_149 = vector.broadcast %parallel_loop3A_148 : i32 to vector<16xi32>
          %parallel_loop3A_150 = arith.addi %mul3A_11, %parallel_loop3A_149 : vector<16xi32>
          tpu.vector_store_idx %arg8[%parallel_loop3A_150], %parallel_loop3A_144 : memref<8192xi32, #tpu.memory_space<vmem>>[vector<16xi32>], vector<16xi32>,
          %parallel_loop3A_151 = arith.constant 8 : i32
          %parallel_loop3A_152 = arith.index_cast %parallel_loop3A_151 : i32 to index
          %parallel_loop3A_153 = arith.index_cast %parallel_loop3A_86 : i32 to index
          %parallel_loop3A_154 = tpu.vector_load %arg6[%parallel_loop3A_152, %parallel_loop3A_153] {strides = array<i32>} : memref<16x1024xf32, #tpu.memory_space<vmem>>, vector<16xf32>,
          %parallel_loop3A_155 = arith.constant 9 : i32
          %parallel_loop3A_156 = arith.index_cast %parallel_loop3A_155 : i32 to index
          %parallel_loop3A_157 = arith.index_cast %parallel_loop3A_86 : i32 to index
          %parallel_loop3A_158 = tpu.vector_load %arg6[%parallel_loop3A_156, %parallel_loop3A_157] {strides = array<i32>} : memref<16x1024xf32, #tpu.memory_space<vmem>>, vector<16xf32>,
          %parallel_loop3A_159 = tpu.pack_subelements %parallel_loop3A_154, %parallel_loop3A_158 {pack_format = #tpu.pack_format<interleaved>, positions = array<i32: 0, 1>} : vector<16xf32>, vector<16xf32> -> vector<32xbf16>
          %parallel_loop3A_160 = vector.bitcast %parallel_loop3A_159 : vector<32xbf16> to vector<16xi32>
          %parallel_loop3A_161 = arith.constant 8 : i32
          %parallel_loop3A_162 = arith.muli %parallel_loop3A_86, %parallel_loop3A_161 : i32
          %parallel_loop3A_163 = arith.constant 4 : i32
          %parallel_loop3A_164 = arith.addi %parallel_loop3A_162, %parallel_loop3A_163 : i32
          %parallel_loop3A_165 = vector.broadcast %parallel_loop3A_164 : i32 to vector<16xi32>
          %parallel_loop3A_166 = arith.addi %mul3A_11, %parallel_loop3A_165 : vector<16xi32>
          tpu.vector_store_idx %arg8[%parallel_loop3A_166], %parallel_loop3A_160 : memref<8192xi32, #tpu.memory_space<vmem>>[vector<16xi32>], vector<16xi32>,
          %parallel_loop3A_167 = arith.constant 10 : i32
          %parallel_loop3A_168 = arith.index_cast %parallel_loop3A_167 : i32 to index
          %parallel_loop3A_169 = arith.index_cast %parallel_loop3A_86 : i32 to index
          %parallel_loop3A_170 = tpu.vector_load %arg6[%parallel_loop3A_168, %parallel_loop3A_169] {strides = array<i32>} : memref<16x1024xf32, #tpu.memory_space<vmem>>, vector<16xf32>,
          %parallel_loop3A_171 = arith.constant 11 : i32
          %parallel_loop3A_172 = arith.index_cast %parallel_loop3A_171 : i32 to index
          %parallel_loop3A_173 = arith.index_cast %parallel_loop3A_86 : i32 to index
          %parallel_loop3A_174 = tpu.vector_load %arg6[%parallel_loop3A_172, %parallel_loop3A_173] {strides = array<i32>} : memref<16x1024xf32, #tpu.memory_space<vmem>>, vector<16xf32>,
          %parallel_loop3A_175 = tpu.pack_subelements %parallel_loop3A_170, %parallel_loop3A_174 {pack_format = #tpu.pack_format<interleaved>, positions = array<i32: 0, 1>} : vector<16xf32>, vector<16xf32> -> vector<32xbf16>
          %parallel_loop3A_176 = vector.bitcast %parallel_loop3A_175 : vector<32xbf16> to vector<16xi32>
          %parallel_loop3A_177 = arith.constant 8 : i32
          %parallel_loop3A_178 = arith.muli %parallel_loop3A_86, %parallel_loop3A_177 : i32
          %parallel_loop3A_179 = arith.constant 5 : i32
          %parallel_loop3A_180 = arith.addi %parallel_loop3A_178, %parallel_loop3A_179 : i32
          %parallel_loop3A_181 = vector.broadcast %parallel_loop3A_180 : i32 to vector<16xi32>
          %parallel_loop3A_182 = arith.addi %mul3A_11, %parallel_loop3A_181 : vector<16xi32>
          tpu.vector_store_idx %arg8[%parallel_loop3A_182], %parallel_loop3A_176 : memref<8192xi32, #tpu.memory_space<vmem>>[vector<16xi32>], vector<16xi32>,
          %parallel_loop3A_183 = arith.constant 12 : i32
          %parallel_loop3A_184 = arith.index_cast %parallel_loop3A_183 : i32 to index
          %parallel_loop3A_185 = arith.index_cast %parallel_loop3A_86 : i32 to index
          %parallel_loop3A_186 = tpu.vector_load %arg6[%parallel_loop3A_184, %parallel_loop3A_185] {strides = array<i32>} : memref<16x1024xf32, #tpu.memory_space<vmem>>, vector<16xf32>,
          %parallel_loop3A_187 = arith.constant 13 : i32
          %parallel_loop3A_188 = arith.index_cast %parallel_loop3A_187 : i32 to index
          %parallel_loop3A_189 = arith.index_cast %parallel_loop3A_86 : i32 to index
          %parallel_loop3A_190 = tpu.vector_load %arg6[%parallel_loop3A_188, %parallel_loop3A_189] {strides = array<i32>} : memref<16x1024xf32, #tpu.memory_space<vmem>>, vector<16xf32>,
          %parallel_loop3A_191 = tpu.pack_subelements %parallel_loop3A_186, %parallel_loop3A_190 {pack_format = #tpu.pack_format<interleaved>, positions = array<i32: 0, 1>} : vector<16xf32>, vector<16xf32> -> vector<32xbf16>
          %parallel_loop3A_192 = vector.bitcast %parallel_loop3A_191 : vector<32xbf16> to vector<16xi32>
          %parallel_loop3A_193 = arith.constant 8 : i32
          %parallel_loop3A_194 = arith.muli %parallel_loop3A_86, %parallel_loop3A_193 : i32
          %parallel_loop3A_195 = arith.constant 6 : i32
          %parallel_loop3A_196 = arith.addi %parallel_loop3A_194, %parallel_loop3A_195 : i32
          %parallel_loop3A_197 = vector.broadcast %parallel_loop3A_196 : i32 to vector<16xi32>
          %parallel_loop3A_198 = arith.addi %mul3A_11, %parallel_loop3A_197 : vector<16xi32>
          tpu.vector_store_idx %arg8[%parallel_loop3A_198], %parallel_loop3A_192 : memref<8192xi32, #tpu.memory_space<vmem>>[vector<16xi32>], vector<16xi32>,
          %parallel_loop3A_199 = arith.constant 14 : i32
          %parallel_loop3A_200 = arith.index_cast %parallel_loop3A_199 : i32 to index
          %parallel_loop3A_201 = arith.index_cast %parallel_loop3A_86 : i32 to index
          %parallel_loop3A_202 = tpu.vector_load %arg6[%parallel_loop3A_200, %parallel_loop3A_201] {strides = array<i32>} : memref<16x1024xf32, #tpu.memory_space<vmem>>, vector<16xf32>,
          %parallel_loop3A_203 = arith.constant 15 : i32
          %parallel_loop3A_204 = arith.index_cast %parallel_loop3A_203 : i32 to index
          %parallel_loop3A_205 = arith.index_cast %parallel_loop3A_86 : i32 to index
          %parallel_loop3A_206 = tpu.vector_load %arg6[%parallel_loop3A_204, %parallel_loop3A_205] {strides = array<i32>} : memref<16x1024xf32, #tpu.memory_space<vmem>>, vector<16xf32>,
          %parallel_loop3A_207 = tpu.pack_subelements %parallel_loop3A_202, %parallel_loop3A_206 {pack_format = #tpu.pack_format<interleaved>, positions = array<i32: 0, 1>} : vector<16xf32>, vector<16xf32> -> vector<32xbf16>
          %parallel_loop3A_208 = vector.bitcast %parallel_loop3A_207 : vector<32xbf16> to vector<16xi32>
          %parallel_loop3A_209 = arith.constant 8 : i32
          %parallel_loop3A_210 = arith.muli %parallel_loop3A_86, %parallel_loop3A_209 : i32
          %parallel_loop3A_211 = arith.constant 7 : i32
          %parallel_loop3A_212 = arith.addi %parallel_loop3A_210, %parallel_loop3A_211 : i32
          %parallel_loop3A_213 = vector.broadcast %parallel_loop3A_212 : i32 to vector<16xi32>
          %parallel_loop3A_214 = arith.addi %mul3A_11, %parallel_loop3A_213 : vector<16xi32>
          tpu.vector_store_idx %arg8[%parallel_loop3A_214], %parallel_loop3A_208 : memref<8192xi32, #tpu.memory_space<vmem>>[vector<16xi32>], vector<16xi32>,
        } {sc.loop_unroll_factor = 2 : i64, sc.parallel_access}
        %add3A_71 = arith.constant 2 : i32
        %add3A_72 = arith.addi %add3A_58, %add3A_71 : i32
        %lt3A_73 = arith.cmpi slt, %add3A_72, %add3A_4 : i32
        %convert_element_type3A_74 = arith.extui %lt3A_73 : i1 to i32
        %cond3A_75 = arith.constant 0 : i32
        %cond3A_76 = arith.cmpi ne, %convert_element_type3A_74, %cond3A_75 : i32
        scf.if %cond3A_76 {
          %add3A_84 = arith.constant 2 : i32
          %add3A_85 = arith.addi %add3A_58, %add3A_84 : i32
          %add3A_86 = arith.addi %add3A_8, %add3A_85 : i32
          %mul3A_87 = arith.constant 1024 : i32
          %mul3A_88 = arith.muli %add3A_86, %mul3A_87 : i32
          %dma_start3A_89 = arith.constant 0 : i32
          %dma_start3A_90 = tpu.memref_slice %arg2[%dma_start3A_89, %mul3A_88] : memref<16x2600000xf32, #tpu.memory_space<hbm>> -> memref<16x1024xf32, #tpu.memory_space<hbm>>
          %dma_start3A_91 = arith.constant 0 : i32
          %dma_start3A_92 = tpu.memref_slice %arg2[%dma_start3A_91, %mul3A_88] : memref<16x2600000xf32, #tpu.memory_space<hbm>> -> memref<16x1024xf32, #tpu.memory_space<hbm>>
          tpu.enqueue_dma source(%dma_start3A_92 : memref<16x1024xf32, #tpu.memory_space<hbm>>) target(%arg6 : memref<16x1024xf32, #tpu.memory_space<vmem>>) target_semaphore(%arg10 : memref<!tpu.dma_semaphore, #tpu.memory_space<semaphore_mem>>)
        } else {
        }
        %add3A_77 = arith.addi %add3A_8, %add3A_58 : i32
        %mul3A_78 = arith.constant 1024 : i32
        %mul3A_79 = arith.muli %add3A_77, %mul3A_78 : i32
        %mul3A_80 = arith.constant 8 : i32
        %mul3A_81 = arith.muli %mul3A_79, %mul3A_80 : i32
        %dma_start3A_82 = tpu.memref_slice %arg4[%mul3A_81] : memref<20800000xi32, #tpu.memory_space<hbm>> -> memref<8192xi32, #tpu.memory_space<hbm>>
        %dma_start3A_83 = tpu.memref_slice %arg4[%mul3A_81] : memref<20800000xi32, #tpu.memory_space<hbm>> -> memref<8192xi32, #tpu.memory_space<hbm>>
        tpu.enqueue_dma source(%arg8 : memref<8192xi32, #tpu.memory_space<vmem>>) target(%dma_start3A_83 : memref<8192xi32, #tpu.memory_space<hbm>>) target_semaphore(%arg12 : memref<!tpu.dma_semaphore, #tpu.memory_space<semaphore_mem>>)
      } else {
      }
      %scan3A_56 = arith.constant 0 : i32
      scf.yield %scan3A_56 : i32
    }
    %scan3A_32 = arith.constant 40 : i32
    %dma_wait3A = arith.constant 0 : i32
    %dma_wait3A_33 = tpu.memref_slice %arg4[%dma_wait3A] : memref<20800000xi32, #tpu.memory_space<hbm>> -> memref<8192xi32, #tpu.memory_space<hbm>>
    %dma_wait3A_34 = arith.constant 0 : i32
    %dma_wait3A_35 = tpu.memref_slice %arg4[%dma_wait3A_34] : memref<20800000xi32, #tpu.memory_space<hbm>> -> memref<8192xi32, #tpu.memory_space<hbm>>
    tpu.wait_dma2 semaphore(%arg11 : memref<!tpu.dma_semaphore, #tpu.memory_space<semaphore_mem>>) src(%arg7 : memref<8192xi32, #tpu.memory_space<vmem>>) dst(%dma_wait3A_35 : memref<8192xi32, #tpu.memory_space<hbm>>)
    %dma_wait3A_36 = arith.constant 0 : i32
    %dma_wait3A_37 = tpu.memref_slice %arg4[%dma_wait3A_36] : memref<20800000xi32, #tpu.memory_space<hbm>> -> memref<8192xi32, #tpu.memory_space<hbm>>
    %dma_wait3A_38 = arith.constant 0 : i32
    %dma_wait3A_39 = tpu.memref_slice %arg4[%dma_wait3A_38] : memref<20800000xi32, #tpu.memory_space<hbm>> -> memref<8192xi32, #tpu.memory_space<hbm>>
    tpu.wait_dma2 semaphore(%arg12 : memref<!tpu.dma_semaphore, #tpu.memory_space<semaphore_mem>>) src(%arg8 : memref<8192xi32, #tpu.memory_space<vmem>>) dst(%dma_wait3A_39 : memref<8192xi32, #tpu.memory_space<hbm>>)
    %eq3A = arith.constant 31 : i32
    %eq3A_40 = arith.cmpi eq, %add3A, %eq3A : i32
    %convert_element_type3A = arith.extui %eq3A_40 : i1 to i32
    %cond3A = arith.constant 0 : i32
    %cond3A_41 = arith.cmpi ne, %convert_element_type3A, %cond3A : i32
    scf.if %cond3A_41 {
      "tpu.region"() ({
        %run_scoped3A = tpu.sem_alloc : memref<!tpu.dma_semaphore, #tpu.memory_space<semaphore_mem>>
        %dma_start3A_42 = arith.constant 0 : i32
        %dma_start3A_43 = tpu.memref_slice %arg7[%dma_start3A_42] : memref<8192xi32, #tpu.memory_space<vmem>> -> memref<512xi32, #tpu.memory_space<vmem>>
        %dma_start3A_44 = arith.constant 0 : i32
        %dma_start3A_45 = tpu.memref_slice %arg7[%dma_start3A_44] : memref<8192xi32, #tpu.memory_space<vmem>> -> memref<512xi32, #tpu.memory_space<vmem>>
        tpu.enqueue_dma source(%arg3 : memref<512xi32, #tpu.memory_space<hbm>>) target(%dma_start3A_45 : memref<512xi32, #tpu.memory_space<vmem>>) target_semaphore(%run_scoped3A : memref<!tpu.dma_semaphore, #tpu.memory_space<semaphore_mem>>)
        %dma_wait3A_46 = arith.constant 0 : i32
        %dma_wait3A_47 = tpu.memref_slice %arg7[%dma_wait3A_46] : memref<8192xi32, #tpu.memory_space<vmem>> -> memref<512xi32, #tpu.memory_space<vmem>>
        %dma_wait3A_48 = arith.constant 0 : i32
        %dma_wait3A_49 = tpu.memref_slice %arg7[%dma_wait3A_48] : memref<8192xi32, #tpu.memory_space<vmem>> -> memref<512xi32, #tpu.memory_space<vmem>>
        tpu.wait_dma2 semaphore(%run_scoped3A : memref<!tpu.dma_semaphore, #tpu.memory_space<semaphore_mem>>) src(%arg3 : memref<512xi32, #tpu.memory_space<hbm>>) dst(%dma_wait3A_49 : memref<512xi32, #tpu.memory_space<vmem>>)
        tpu.yield
      }) : () -> ()
      "tpu.region"() ({
        %run_scoped3A = tpu.sem_alloc : memref<!tpu.dma_semaphore, #tpu.memory_space<semaphore_mem>>
        %dma_start3A_42 = arith.constant 0 : i32
        %dma_start3A_43 = tpu.memref_slice %arg7[%dma_start3A_42] : memref<8192xi32, #tpu.memory_space<vmem>> -> memref<512xi32, #tpu.memory_space<vmem>>
        %dma_start3A_44 = arith.constant 20799488 : i32
        %dma_start3A_45 = tpu.memref_slice %arg4[%dma_start3A_44] : memref<20800000xi32, #tpu.memory_space<hbm>> -> memref<512xi32, #tpu.memory_space<hbm>>
        %dma_start3A_46 = arith.constant 20799488 : i32
        %dma_start3A_47 = tpu.memref_slice %arg4[%dma_start3A_46] : memref<20800000xi32, #tpu.memory_space<hbm>> -> memref<512xi32, #tpu.memory_space<hbm>>
        %dma_start3A_48 = arith.constant 0 : i32
        %dma_start3A_49 = tpu.memref_slice %arg7[%dma_start3A_48] : memref<8192xi32, #tpu.memory_space<vmem>> -> memref<512xi32, #tpu.memory_space<vmem>>
        tpu.enqueue_dma source(%dma_start3A_49 : memref<512xi32, #tpu.memory_space<vmem>>) target(%dma_start3A_47 : memref<512xi32, #tpu.memory_space<hbm>>) target_semaphore(%run_scoped3A : memref<!tpu.dma_semaphore, #tpu.memory_space<semaphore_mem>>)
        %dma_wait3A_50 = arith.constant 0 : i32
        %dma_wait3A_51 = tpu.memref_slice %arg7[%dma_wait3A_50] : memref<8192xi32, #tpu.memory_space<vmem>> -> memref<512xi32, #tpu.memory_space<vmem>>
        %dma_wait3A_52 = arith.constant 20799488 : i32
        %dma_wait3A_53 = tpu.memref_slice %arg4[%dma_wait3A_52] : memref<20800000xi32, #tpu.memory_space<hbm>> -> memref<512xi32, #tpu.memory_space<hbm>>
        %dma_wait3A_54 = arith.constant 20799488 : i32
        %dma_wait3A_55 = tpu.memref_slice %arg4[%dma_wait3A_54] : memref<20800000xi32, #tpu.memory_space<hbm>> -> memref<512xi32, #tpu.memory_space<hbm>>
        %dma_wait3A_56 = arith.constant 0 : i32
        %dma_wait3A_57 = tpu.memref_slice %arg7[%dma_wait3A_56] : memref<8192xi32, #tpu.memory_space<vmem>> -> memref<512xi32, #tpu.memory_space<vmem>>
        tpu.wait_dma2 semaphore(%run_scoped3A : memref<!tpu.dma_semaphore, #tpu.memory_space<semaphore_mem>>) src(%dma_wait3A_57 : memref<512xi32, #tpu.memory_space<vmem>>) dst(%dma_wait3A_55 : memref<512xi32, #tpu.memory_space<hbm>>)
        tpu.yield
      }) : () -> ()
    } else {
    }
    return
  }
}

#map = affine_map<(d0, d1) -> (0)>
#map1 = affine_map<(d0, d1) -> (0, 0)>
module attributes {stable_mosaic.version = 14 : i64} {
  func.func @_sc_gather(%arg0: i32, %arg1: i32, %arg2: memref<425984xi32, #tpu.memory_space<hbm>>, %arg3: memref<208xi32, #tpu.memory_space<hbm>>, %arg4: memref<2600000x8xi32, #tpu.memory_space<hbm>>, %arg5: memref<2600000xf32, #tpu.memory_space<hbm>>, %arg6: memref<425984x8xi32, #tpu.memory_space<hbm>>, %arg7: memref<16384xf32, #tpu.memory_space<hbm>>, %arg8: memref<13312xi32, #tpu.memory_space<vmem>>, %arg9: memref<208xi32, #tpu.memory_space<vmem>>, %arg10: memref<128x8xi32, #tpu.memory_space<vmem>>, %arg11: memref<128x8xi32, #tpu.memory_space<vmem>>, %arg12: memref<128x8xi32, #tpu.memory_space<vmem>>, %arg13: memref<128x8xi32, #tpu.memory_space<vmem>>, %arg14: memref<13312xf32, #tpu.memory_space<vmem>>, %arg15: memref<512xf32, #tpu.memory_space<vmem>>, %arg16: memref<!tpu.dma_semaphore, #tpu.memory_space<semaphore_mem>>, %arg17: memref<!tpu.dma_semaphore, #tpu.memory_space<semaphore_mem>>, %arg18: memref<!tpu.dma_semaphore, #tpu.memory_space<semaphore_mem>>, %arg19: memref<!tpu.dma_semaphore, #tpu.memory_space<semaphore_mem>>, %arg20: memref<!tpu.dma_semaphore, #tpu.memory_space<semaphore_mem>>, %arg21: memref<!tpu.dma_semaphore, #tpu.memory_space<semaphore_mem>>, %arg22: memref<!tpu.dma_semaphore, #tpu.memory_space<semaphore_mem>>, %arg23: memref<!tpu.dma_semaphore, #tpu.memory_space<semaphore_mem>>, %arg24: memref<!tpu.dma_semaphore, #tpu.memory_space<semaphore_mem>>) attributes {dimension_semantics = [#tpu.dimension_semantics<core_parallel>, #tpu.dimension_semantics<subcore_parallel>], iteration_bounds = array<i64: 2, 16>, scalar_prefetch = 0 : i64, scratch_operands = 17 : i64, tpu.core_type = #tpu.core_type<sc_vector_subcore>, window_params = [{transform_indices = #map}, {transform_indices = #map}, {transform_indices = #map1}, {transform_indices = #map}, {transform_indices = #map1}, {transform_indices = #map}]} {
    %mul3A = arith.constant 2 : i32
    %mul3A_0 = arith.muli %arg1, %mul3A : i32
    %add3A = arith.addi %mul3A_0, %arg0 : i32
    %mul3A_1 = arith.constant 13312 : i32
    %mul3A_2 = arith.muli %add3A, %mul3A_1 : i32
    "tpu.region"() ({
      %run_scoped3A = tpu.sem_alloc : memref<!tpu.dma_semaphore, #tpu.memory_space<semaphore_mem>>
      %dma_start3A_69 = tpu.memref_slice %arg2[%mul3A_2] : memref<425984xi32, #tpu.memory_space<hbm>> -> memref<13312xi32, #tpu.memory_space<hbm>>
      %dma_start3A_70 = tpu.memref_slice %arg2[%mul3A_2] : memref<425984xi32, #tpu.memory_space<hbm>> -> memref<13312xi32, #tpu.memory_space<hbm>>
      tpu.enqueue_dma source(%dma_start3A_70 : memref<13312xi32, #tpu.memory_space<hbm>>) target(%arg8 : memref<13312xi32, #tpu.memory_space<vmem>>) target_semaphore(%run_scoped3A : memref<!tpu.dma_semaphore, #tpu.memory_space<semaphore_mem>>)
      %dma_wait3A_71 = tpu.memref_slice %arg2[%mul3A_2] : memref<425984xi32, #tpu.memory_space<hbm>> -> memref<13312xi32, #tpu.memory_space<hbm>>
      %dma_wait3A_72 = tpu.memref_slice %arg2[%mul3A_2] : memref<425984xi32, #tpu.memory_space<hbm>> -> memref<13312xi32, #tpu.memory_space<hbm>>
      tpu.wait_dma2 semaphore(%run_scoped3A : memref<!tpu.dma_semaphore, #tpu.memory_space<semaphore_mem>>) src(%dma_wait3A_72 : memref<13312xi32, #tpu.memory_space<hbm>>) dst(%arg8 : memref<13312xi32, #tpu.memory_space<vmem>>)
      tpu.yield
    }) : () -> ()
    "tpu.region"() ({
      %run_scoped3A = tpu.sem_alloc : memref<!tpu.dma_semaphore, #tpu.memory_space<semaphore_mem>>
      tpu.enqueue_dma source(%arg3 : memref<208xi32, #tpu.memory_space<hbm>>) target(%arg9 : memref<208xi32, #tpu.memory_space<vmem>>) target_semaphore(%run_scoped3A : memref<!tpu.dma_semaphore, #tpu.memory_space<semaphore_mem>>)
      tpu.wait_dma2 semaphore(%run_scoped3A : memref<!tpu.dma_semaphore, #tpu.memory_space<semaphore_mem>>) src(%arg3 : memref<208xi32, #tpu.memory_space<hbm>>) dst(%arg9 : memref<208xi32, #tpu.memory_space<vmem>>)
      tpu.yield
    }) : () -> ()
    %parallel_loop3A = arith.constant 0 : i32
    %parallel_loop3A_3 = arith.constant 64 : i32
    %parallel_loop3A_4 = arith.constant 1 : i32
    scf.for %parallel_loop3A_69 = %parallel_loop3A to %parallel_loop3A_3 step %parallel_loop3A_4  : i32 {
      %parallel_loop3A_70 = arith.constant 208 : i32
      %parallel_loop3A_71 = arith.muli %parallel_loop3A_69, %parallel_loop3A_70 : i32
      %parallel_loop3A_72 = arith.constant 0 : i32
      %parallel_loop3A_73 = arith.addi %parallel_loop3A_71, %parallel_loop3A_72 : i32
      %parallel_loop3A_74 = arith.index_cast %parallel_loop3A_73 : i32 to index
      %parallel_loop3A_75 = tpu.vector_load %arg8[%parallel_loop3A_74] {strides = array<i32>} : memref<13312xi32, #tpu.memory_space<vmem>>, vector<16xi32>,
      %parallel_loop3A_76 = arith.constant 0 : index
      %parallel_loop3A_77 = tpu.vector_load %arg9[%parallel_loop3A_76] {strides = array<i32>} : memref<208xi32, #tpu.memory_space<vmem>>, vector<16xi32>,
      %parallel_loop3A_78 = arith.addi %parallel_loop3A_75, %parallel_loop3A_77 : vector<16xi32>
      %parallel_loop3A_79 = arith.index_cast %parallel_loop3A_73 : i32 to index
      %parallel_loop3A_80 = tpu.vector_load %arg8[%parallel_loop3A_79] {strides = array<i32>} : memref<13312xi32, #tpu.memory_space<vmem>>, vector<16xi32>,
      tpu.vector_store %arg8[%parallel_loop3A_79], %parallel_loop3A_78 {strides = array<i32>} : memref<13312xi32, #tpu.memory_space<vmem>>, vector<16xi32>,
      %parallel_loop3A_81 = arith.constant 208 : i32
      %parallel_loop3A_82 = arith.muli %parallel_loop3A_69, %parallel_loop3A_81 : i32
      %parallel_loop3A_83 = arith.constant 16 : i32
      %parallel_loop3A_84 = arith.addi %parallel_loop3A_82, %parallel_loop3A_83 : i32
      %parallel_loop3A_85 = arith.index_cast %parallel_loop3A_84 : i32 to index
      %parallel_loop3A_86 = tpu.vector_load %arg8[%parallel_loop3A_85] {strides = array<i32>} : memref<13312xi32, #tpu.memory_space<vmem>>, vector<16xi32>,
      %parallel_loop3A_87 = arith.constant 16 : index
      %parallel_loop3A_88 = tpu.vector_load %arg9[%parallel_loop3A_87] {strides = array<i32>} : memref<208xi32, #tpu.memory_space<vmem>>, vector<16xi32>,
      %parallel_loop3A_89 = arith.addi %parallel_loop3A_86, %parallel_loop3A_88 : vector<16xi32>
      %parallel_loop3A_90 = arith.index_cast %parallel_loop3A_84 : i32 to index
      %parallel_loop3A_91 = tpu.vector_load %arg8[%parallel_loop3A_90] {strides = array<i32>} : memref<13312xi32, #tpu.memory_space<vmem>>, vector<16xi32>,
      tpu.vector_store %arg8[%parallel_loop3A_90], %parallel_loop3A_89 {strides = array<i32>} : memref<13312xi32, #tpu.memory_space<vmem>>, vector<16xi32>,
      %parallel_loop3A_92 = arith.constant 208 : i32
      %parallel_loop3A_93 = arith.muli %parallel_loop3A_69, %parallel_loop3A_92 : i32
      %parallel_loop3A_94 = arith.constant 32 : i32
      %parallel_loop3A_95 = arith.addi %parallel_loop3A_93, %parallel_loop3A_94 : i32
      %parallel_loop3A_96 = arith.index_cast %parallel_loop3A_95 : i32 to index
      %parallel_loop3A_97 = tpu.vector_load %arg8[%parallel_loop3A_96] {strides = array<i32>} : memref<13312xi32, #tpu.memory_space<vmem>>, vector<16xi32>,
      %parallel_loop3A_98 = arith.constant 32 : index
      %parallel_loop3A_99 = tpu.vector_load %arg9[%parallel_loop3A_98] {strides = array<i32>} : memref<208xi32, #tpu.memory_space<vmem>>, vector<16xi32>,
      %parallel_loop3A_100 = arith.addi %parallel_loop3A_97, %parallel_loop3A_99 : vector<16xi32>
      %parallel_loop3A_101 = arith.index_cast %parallel_loop3A_95 : i32 to index
      %parallel_loop3A_102 = tpu.vector_load %arg8[%parallel_loop3A_101] {strides = array<i32>} : memref<13312xi32, #tpu.memory_space<vmem>>, vector<16xi32>,
      tpu.vector_store %arg8[%parallel_loop3A_101], %parallel_loop3A_100 {strides = array<i32>} : memref<13312xi32, #tpu.memory_space<vmem>>, vector<16xi32>,
      %parallel_loop3A_103 = arith.constant 208 : i32
      %parallel_loop3A_104 = arith.muli %parallel_loop3A_69, %parallel_loop3A_103 : i32
      %parallel_loop3A_105 = arith.constant 48 : i32
      %parallel_loop3A_106 = arith.addi %parallel_loop3A_104, %parallel_loop3A_105 : i32
      %parallel_loop3A_107 = arith.index_cast %parallel_loop3A_106 : i32 to index
      %parallel_loop3A_108 = tpu.vector_load %arg8[%parallel_loop3A_107] {strides = array<i32>} : memref<13312xi32, #tpu.memory_space<vmem>>, vector<16xi32>,
      %parallel_loop3A_109 = arith.constant 48 : index
      %parallel_loop3A_110 = tpu.vector_load %arg9[%parallel_loop3A_109] {strides = array<i32>} : memref<208xi32, #tpu.memory_space<vmem>>, vector<16xi32>,
      %parallel_loop3A_111 = arith.addi %parallel_loop3A_108, %parallel_loop3A_110 : vector<16xi32>
      %parallel_loop3A_112 = arith.index_cast %parallel_loop3A_106 : i32 to index
      %parallel_loop3A_113 = tpu.vector_load %arg8[%parallel_loop3A_112] {strides = array<i32>} : memref<13312xi32, #tpu.memory_space<vmem>>, vector<16xi32>,
      tpu.vector_store %arg8[%parallel_loop3A_112], %parallel_loop3A_111 {strides = array<i32>} : memref<13312xi32, #tpu.memory_space<vmem>>, vector<16xi32>,
      %parallel_loop3A_114 = arith.constant 208 : i32
      %parallel_loop3A_115 = arith.muli %parallel_loop3A_69, %parallel_loop3A_114 : i32
      %parallel_loop3A_116 = arith.constant 64 : i32
      %parallel_loop3A_117 = arith.addi %parallel_loop3A_115, %parallel_loop3A_116 : i32
      %parallel_loop3A_118 = arith.index_cast %parallel_loop3A_117 : i32 to index
      %parallel_loop3A_119 = tpu.vector_load %arg8[%parallel_loop3A_118] {strides = array<i32>} : memref<13312xi32, #tpu.memory_space<vmem>>, vector<16xi32>,
      %parallel_loop3A_120 = arith.constant 64 : index
      %parallel_loop3A_121 = tpu.vector_load %arg9[%parallel_loop3A_120] {strides = array<i32>} : memref<208xi32, #tpu.memory_space<vmem>>, vector<16xi32>,
      %parallel_loop3A_122 = arith.addi %parallel_loop3A_119, %parallel_loop3A_121 : vector<16xi32>
      %parallel_loop3A_123 = arith.index_cast %parallel_loop3A_117 : i32 to index
      %parallel_loop3A_124 = tpu.vector_load %arg8[%parallel_loop3A_123] {strides = array<i32>} : memref<13312xi32, #tpu.memory_space<vmem>>, vector<16xi32>,
      tpu.vector_store %arg8[%parallel_loop3A_123], %parallel_loop3A_122 {strides = array<i32>} : memref<13312xi32, #tpu.memory_space<vmem>>, vector<16xi32>,
      %parallel_loop3A_125 = arith.constant 208 : i32
      %parallel_loop3A_126 = arith.muli %parallel_loop3A_69, %parallel_loop3A_125 : i32
      %parallel_loop3A_127 = arith.constant 80 : i32
      %parallel_loop3A_128 = arith.addi %parallel_loop3A_126, %parallel_loop3A_127 : i32
      %parallel_loop3A_129 = arith.index_cast %parallel_loop3A_128 : i32 to index
      %parallel_loop3A_130 = tpu.vector_load %arg8[%parallel_loop3A_129] {strides = array<i32>} : memref<13312xi32, #tpu.memory_space<vmem>>, vector<16xi32>,
      %parallel_loop3A_131 = arith.constant 80 : index
      %parallel_loop3A_132 = tpu.vector_load %arg9[%parallel_loop3A_131] {strides = array<i32>} : memref<208xi32, #tpu.memory_space<vmem>>, vector<16xi32>,
      %parallel_loop3A_133 = arith.addi %parallel_loop3A_130, %parallel_loop3A_132 : vector<16xi32>
      %parallel_loop3A_134 = arith.index_cast %parallel_loop3A_128 : i32 to index
      %parallel_loop3A_135 = tpu.vector_load %arg8[%parallel_loop3A_134] {strides = array<i32>} : memref<13312xi32, #tpu.memory_space<vmem>>, vector<16xi32>,
      tpu.vector_store %arg8[%parallel_loop3A_134], %parallel_loop3A_133 {strides = array<i32>} : memref<13312xi32, #tpu.memory_space<vmem>>, vector<16xi32>,
      %parallel_loop3A_136 = arith.constant 208 : i32
      %parallel_loop3A_137 = arith.muli %parallel_loop3A_69, %parallel_loop3A_136 : i32
      %parallel_loop3A_138 = arith.constant 96 : i32
      %parallel_loop3A_139 = arith.addi %parallel_loop3A_137, %parallel_loop3A_138 : i32
      %parallel_loop3A_140 = arith.index_cast %parallel_loop3A_139 : i32 to index
      %parallel_loop3A_141 = tpu.vector_load %arg8[%parallel_loop3A_140] {strides = array<i32>} : memref<13312xi32, #tpu.memory_space<vmem>>, vector<16xi32>,
      %parallel_loop3A_142 = arith.constant 96 : index
      %parallel_loop3A_143 = tpu.vector_load %arg9[%parallel_loop3A_142] {strides = array<i32>} : memref<208xi32, #tpu.memory_space<vmem>>, vector<16xi32>,
      %parallel_loop3A_144 = arith.addi %parallel_loop3A_141, %parallel_loop3A_143 : vector<16xi32>
      %parallel_loop3A_145 = arith.index_cast %parallel_loop3A_139 : i32 to index
      %parallel_loop3A_146 = tpu.vector_load %arg8[%parallel_loop3A_145] {strides = array<i32>} : memref<13312xi32, #tpu.memory_space<vmem>>, vector<16xi32>,
      tpu.vector_store %arg8[%parallel_loop3A_145], %parallel_loop3A_144 {strides = array<i32>} : memref<13312xi32, #tpu.memory_space<vmem>>, vector<16xi32>,
      %parallel_loop3A_147 = arith.constant 208 : i32
      %parallel_loop3A_148 = arith.muli %parallel_loop3A_69, %parallel_loop3A_147 : i32
      %parallel_loop3A_149 = arith.constant 112 : i32
      %parallel_loop3A_150 = arith.addi %parallel_loop3A_148, %parallel_loop3A_149 : i32
      %parallel_loop3A_151 = arith.index_cast %parallel_loop3A_150 : i32 to index
      %parallel_loop3A_152 = tpu.vector_load %arg8[%parallel_loop3A_151] {strides = array<i32>} : memref<13312xi32, #tpu.memory_space<vmem>>, vector<16xi32>,
      %parallel_loop3A_153 = arith.constant 112 : index
      %parallel_loop3A_154 = tpu.vector_load %arg9[%parallel_loop3A_153] {strides = array<i32>} : memref<208xi32, #tpu.memory_space<vmem>>, vector<16xi32>,
      %parallel_loop3A_155 = arith.addi %parallel_loop3A_152, %parallel_loop3A_154 : vector<16xi32>
      %parallel_loop3A_156 = arith.index_cast %parallel_loop3A_150 : i32 to index
      %parallel_loop3A_157 = tpu.vector_load %arg8[%parallel_loop3A_156] {strides = array<i32>} : memref<13312xi32, #tpu.memory_space<vmem>>, vector<16xi32>,
      tpu.vector_store %arg8[%parallel_loop3A_156], %parallel_loop3A_155 {strides = array<i32>} : memref<13312xi32, #tpu.memory_space<vmem>>, vector<16xi32>,
      %parallel_loop3A_158 = arith.constant 208 : i32
      %parallel_loop3A_159 = arith.muli %parallel_loop3A_69, %parallel_loop3A_158 : i32
      %parallel_loop3A_160 = arith.constant 128 : i32
      %parallel_loop3A_161 = arith.addi %parallel_loop3A_159, %parallel_loop3A_160 : i32
      %parallel_loop3A_162 = arith.index_cast %parallel_loop3A_161 : i32 to index
      %parallel_loop3A_163 = tpu.vector_load %arg8[%parallel_loop3A_162] {strides = array<i32>} : memref<13312xi32, #tpu.memory_space<vmem>>, vector<16xi32>,
      %parallel_loop3A_164 = arith.constant 128 : index
      %parallel_loop3A_165 = tpu.vector_load %arg9[%parallel_loop3A_164] {strides = array<i32>} : memref<208xi32, #tpu.memory_space<vmem>>, vector<16xi32>,
      %parallel_loop3A_166 = arith.addi %parallel_loop3A_163, %parallel_loop3A_165 : vector<16xi32>
      %parallel_loop3A_167 = arith.index_cast %parallel_loop3A_161 : i32 to index
      %parallel_loop3A_168 = tpu.vector_load %arg8[%parallel_loop3A_167] {strides = array<i32>} : memref<13312xi32, #tpu.memory_space<vmem>>, vector<16xi32>,
      tpu.vector_store %arg8[%parallel_loop3A_167], %parallel_loop3A_166 {strides = array<i32>} : memref<13312xi32, #tpu.memory_space<vmem>>, vector<16xi32>,
      %parallel_loop3A_169 = arith.constant 208 : i32
      %parallel_loop3A_170 = arith.muli %parallel_loop3A_69, %parallel_loop3A_169 : i32
      %parallel_loop3A_171 = arith.constant 144 : i32
      %parallel_loop3A_172 = arith.addi %parallel_loop3A_170, %parallel_loop3A_171 : i32
      %parallel_loop3A_173 = arith.index_cast %parallel_loop3A_172 : i32 to index
      %parallel_loop3A_174 = tpu.vector_load %arg8[%parallel_loop3A_173] {strides = array<i32>} : memref<13312xi32, #tpu.memory_space<vmem>>, vector<16xi32>,
      %parallel_loop3A_175 = arith.constant 144 : index
      %parallel_loop3A_176 = tpu.vector_load %arg9[%parallel_loop3A_175] {strides = array<i32>} : memref<208xi32, #tpu.memory_space<vmem>>, vector<16xi32>,
      %parallel_loop3A_177 = arith.addi %parallel_loop3A_174, %parallel_loop3A_176 : vector<16xi32>
      %parallel_loop3A_178 = arith.index_cast %parallel_loop3A_172 : i32 to index
      %parallel_loop3A_179 = tpu.vector_load %arg8[%parallel_loop3A_178] {strides = array<i32>} : memref<13312xi32, #tpu.memory_space<vmem>>, vector<16xi32>,
      tpu.vector_store %arg8[%parallel_loop3A_178], %parallel_loop3A_177 {strides = array<i32>} : memref<13312xi32, #tpu.memory_space<vmem>>, vector<16xi32>,
      %parallel_loop3A_180 = arith.constant 208 : i32
      %parallel_loop3A_181 = arith.muli %parallel_loop3A_69, %parallel_loop3A_180 : i32
      %parallel_loop3A_182 = arith.constant 160 : i32
      %parallel_loop3A_183 = arith.addi %parallel_loop3A_181, %parallel_loop3A_182 : i32
      %parallel_loop3A_184 = arith.index_cast %parallel_loop3A_183 : i32 to index
      %parallel_loop3A_185 = tpu.vector_load %arg8[%parallel_loop3A_184] {strides = array<i32>} : memref<13312xi32, #tpu.memory_space<vmem>>, vector<16xi32>,
      %parallel_loop3A_186 = arith.constant 160 : index
      %parallel_loop3A_187 = tpu.vector_load %arg9[%parallel_loop3A_186] {strides = array<i32>} : memref<208xi32, #tpu.memory_space<vmem>>, vector<16xi32>,
      %parallel_loop3A_188 = arith.addi %parallel_loop3A_185, %parallel_loop3A_187 : vector<16xi32>
      %parallel_loop3A_189 = arith.index_cast %parallel_loop3A_183 : i32 to index
      %parallel_loop3A_190 = tpu.vector_load %arg8[%parallel_loop3A_189] {strides = array<i32>} : memref<13312xi32, #tpu.memory_space<vmem>>, vector<16xi32>,
      tpu.vector_store %arg8[%parallel_loop3A_189], %parallel_loop3A_188 {strides = array<i32>} : memref<13312xi32, #tpu.memory_space<vmem>>, vector<16xi32>,
      %parallel_loop3A_191 = arith.constant 208 : i32
      %parallel_loop3A_192 = arith.muli %parallel_loop3A_69, %parallel_loop3A_191 : i32
      %parallel_loop3A_193 = arith.constant 176 : i32
      %parallel_loop3A_194 = arith.addi %parallel_loop3A_192, %parallel_loop3A_193 : i32
      %parallel_loop3A_195 = arith.index_cast %parallel_loop3A_194 : i32 to index
      %parallel_loop3A_196 = tpu.vector_load %arg8[%parallel_loop3A_195] {strides = array<i32>} : memref<13312xi32, #tpu.memory_space<vmem>>, vector<16xi32>,
      %parallel_loop3A_197 = arith.constant 176 : index
      %parallel_loop3A_198 = tpu.vector_load %arg9[%parallel_loop3A_197] {strides = array<i32>} : memref<208xi32, #tpu.memory_space<vmem>>, vector<16xi32>,
      %parallel_loop3A_199 = arith.addi %parallel_loop3A_196, %parallel_loop3A_198 : vector<16xi32>
      %parallel_loop3A_200 = arith.index_cast %parallel_loop3A_194 : i32 to index
      %parallel_loop3A_201 = tpu.vector_load %arg8[%parallel_loop3A_200] {strides = array<i32>} : memref<13312xi32, #tpu.memory_space<vmem>>, vector<16xi32>,
      tpu.vector_store %arg8[%parallel_loop3A_200], %parallel_loop3A_199 {strides = array<i32>} : memref<13312xi32, #tpu.memory_space<vmem>>, vector<16xi32>,
      %parallel_loop3A_202 = arith.constant 208 : i32
      %parallel_loop3A_203 = arith.muli %parallel_loop3A_69, %parallel_loop3A_202 : i32
      %parallel_loop3A_204 = arith.constant 192 : i32
      %parallel_loop3A_205 = arith.addi %parallel_loop3A_203, %parallel_loop3A_204 : i32
      %parallel_loop3A_206 = arith.index_cast %parallel_loop3A_205 : i32 to index
      %parallel_loop3A_207 = tpu.vector_load %arg8[%parallel_loop3A_206] {strides = array<i32>} : memref<13312xi32, #tpu.memory_space<vmem>>, vector<16xi32>,
      %parallel_loop3A_208 = arith.constant 192 : index
      %parallel_loop3A_209 = tpu.vector_load %arg9[%parallel_loop3A_208] {strides = array<i32>} : memref<208xi32, #tpu.memory_space<vmem>>, vector<16xi32>,
      %parallel_loop3A_210 = arith.addi %parallel_loop3A_207, %parallel_loop3A_209 : vector<16xi32>
      %parallel_loop3A_211 = arith.index_cast %parallel_loop3A_205 : i32 to index
      %parallel_loop3A_212 = tpu.vector_load %arg8[%parallel_loop3A_211] {strides = array<i32>} : memref<13312xi32, #tpu.memory_space<vmem>>, vector<16xi32>,
      tpu.vector_store %arg8[%parallel_loop3A_211], %parallel_loop3A_210 {strides = array<i32>} : memref<13312xi32, #tpu.memory_space<vmem>>, vector<16xi32>,
    } {sc.loop_unroll_factor = 2 : i64, sc.parallel_access}
    %dma_start3A = arith.constant 0 : i32
    %dma_start3A_5 = tpu.memref_slice %arg8[%dma_start3A] : memref<13312xi32, #tpu.memory_space<vmem>> -> memref<128xi32, #tpu.memory_space<vmem>>
    %dma_start3A_6 = arith.constant 0 : i32
    %dma_start3A_7 = arith.constant 0 : i32
    %dma_start3A_8 = tpu.memref_slice %arg4[%dma_start3A_6, %dma_start3A_7] : memref<2600000x8xi32, #tpu.memory_space<hbm>> -> memref<2600000x8xi32, #tpu.memory_space<hbm>>
    tpu.enqueue_indirect_dma source(%dma_start3A_8 : memref<2600000x8xi32, #tpu.memory_space<hbm>>) target(%arg10 : memref<128x8xi32, #tpu.memory_space<vmem>>) offsets(%dma_start3A_5 : memref<128xi32, #tpu.memory_space<vmem>>) semaphore(%arg16 : memref<!tpu.dma_semaphore, #tpu.memory_space<semaphore_mem>>)
    %dma_start3A_9 = arith.constant 128 : i32
    %dma_start3A_10 = tpu.memref_slice %arg8[%dma_start3A_9] : memref<13312xi32, #tpu.memory_space<vmem>> -> memref<128xi32, #tpu.memory_space<vmem>>
    %dma_start3A_11 = arith.constant 0 : i32
    %dma_start3A_12 = arith.constant 0 : i32
    %dma_start3A_13 = tpu.memref_slice %arg4[%dma_start3A_11, %dma_start3A_12] : memref<2600000x8xi32, #tpu.memory_space<hbm>> -> memref<2600000x8xi32, #tpu.memory_space<hbm>>
    tpu.enqueue_indirect_dma source(%dma_start3A_13 : memref<2600000x8xi32, #tpu.memory_space<hbm>>) target(%arg11 : memref<128x8xi32, #tpu.memory_space<vmem>>) offsets(%dma_start3A_10 : memref<128xi32, #tpu.memory_space<vmem>>) semaphore(%arg17 : memref<!tpu.dma_semaphore, #tpu.memory_space<semaphore_mem>>)
    %dma_start3A_14 = arith.constant 256 : i32
    %dma_start3A_15 = tpu.memref_slice %arg8[%dma_start3A_14] : memref<13312xi32, #tpu.memory_space<vmem>> -> memref<128xi32, #tpu.memory_space<vmem>>
    %dma_start3A_16 = arith.constant 0 : i32
    %dma_start3A_17 = arith.constant 0 : i32
    %dma_start3A_18 = tpu.memref_slice %arg4[%dma_start3A_16, %dma_start3A_17] : memref<2600000x8xi32, #tpu.memory_space<hbm>> -> memref<2600000x8xi32, #tpu.memory_space<hbm>>
    tpu.enqueue_indirect_dma source(%dma_start3A_18 : memref<2600000x8xi32, #tpu.memory_space<hbm>>) target(%arg12 : memref<128x8xi32, #tpu.memory_space<vmem>>) offsets(%dma_start3A_15 : memref<128xi32, #tpu.memory_space<vmem>>) semaphore(%arg18 : memref<!tpu.dma_semaphore, #tpu.memory_space<semaphore_mem>>)
    %dma_start3A_19 = arith.constant 384 : i32
    %dma_start3A_20 = tpu.memref_slice %arg8[%dma_start3A_19] : memref<13312xi32, #tpu.memory_space<vmem>> -> memref<128xi32, #tpu.memory_space<vmem>>
    %dma_start3A_21 = arith.constant 0 : i32
    %dma_start3A_22 = arith.constant 0 : i32
    %dma_start3A_23 = tpu.memref_slice %arg4[%dma_start3A_21, %dma_start3A_22] : memref<2600000x8xi32, #tpu.memory_space<hbm>> -> memref<2600000x8xi32, #tpu.memory_space<hbm>>
    tpu.enqueue_indirect_dma source(%dma_start3A_23 : memref<2600000x8xi32, #tpu.memory_space<hbm>>) target(%arg13 : memref<128x8xi32, #tpu.memory_space<vmem>>) offsets(%dma_start3A_20 : memref<128xi32, #tpu.memory_space<vmem>>) semaphore(%arg19 : memref<!tpu.dma_semaphore, #tpu.memory_space<semaphore_mem>>)
    %scan3A = arith.constant 0 : i32
    %scan3A_24 = arith.constant 0 : i32
    %scan3A_25 = arith.constant 26 : i32
    %scan3A_26 = arith.addi %scan3A_24, %scan3A_25 : i32
    %scan3A_27 = arith.constant 1 : i32
    %scan3A_28 = scf.for %scan3A_69 = %scan3A_24 to %scan3A_26 step %scan3A_27 iter_args(%scan3A_70 = %scan3A) -> (i32)  : i32 {
      %mul3A_71 = arith.constant 4 : i32
      %mul3A_72 = arith.muli %scan3A_69, %mul3A_71 : i32
      %add3A_73 = arith.constant 0 : i32
      %add3A_74 = arith.addi %mul3A_72, %add3A_73 : i32
      %dma_wait3A_75 = arith.constant 0 : i32
      %dma_wait3A_76 = tpu.memref_slice %arg8[%dma_wait3A_75] : memref<13312xi32, #tpu.memory_space<vmem>> -> memref<128xi32, #tpu.memory_space<vmem>>
      %dma_wait3A_77 = arith.constant 0 : i32
      %dma_wait3A_78 = arith.constant 0 : i32
      %dma_wait3A_79 = tpu.memref_slice %arg4[%dma_wait3A_77, %dma_wait3A_78] : memref<2600000x8xi32, #tpu.memory_space<hbm>> -> memref<2600000x8xi32, #tpu.memory_space<hbm>>
      tpu.wait_indirect_dma semaphore(%arg16 : memref<!tpu.dma_semaphore, #tpu.memory_space<semaphore_mem>>) src(%dma_wait3A_79 : memref<2600000x8xi32, #tpu.memory_space<hbm>>) dst(%arg10 : memref<128x8xi32, #tpu.memory_space<vmem>>)
      %mul3A_80 = arith.constant 128 : i32
      %mul3A_81 = arith.muli %add3A_74, %mul3A_80 : i32
      %mul3A_82 = arith.constant 128 : i32
      %mul3A_83 = arith.muli %add3A_74, %mul3A_82 : i32
      %dma_start3A_84 = tpu.memref_slice %arg14[%mul3A_83] : memref<13312xf32, #tpu.memory_space<vmem>> -> memref<128xf32, #tpu.memory_space<vmem>>
      %dma_start3A_85 = tpu.memref_slice %arg8[%mul3A_81] : memref<13312xi32, #tpu.memory_space<vmem>> -> memref<128xi32, #tpu.memory_space<vmem>>
      %dma_start3A_86 = arith.constant 0 : i32
      %dma_start3A_87 = tpu.memref_slice %arg5[%dma_start3A_86] : memref<2600000xf32, #tpu.memory_space<hbm>> -> memref<2600000xf32, #tpu.memory_space<hbm>>
      tpu.enqueue_indirect_dma source(%dma_start3A_87 : memref<2600000xf32, #tpu.memory_space<hbm>>) target(%dma_start3A_84 : memref<128xf32, #tpu.memory_space<vmem>>) offsets(%dma_start3A_85 : memref<128xi32, #tpu.memory_space<vmem>>) semaphore(%arg24 : memref<!tpu.dma_semaphore, #tpu.memory_space<semaphore_mem>>)
      %mul3A_88 = arith.constant 128 : i32
      %mul3A_89 = arith.muli %add3A_74, %mul3A_88 : i32
      %add3A_90 = arith.addi %mul3A_2, %mul3A_89 : i32
      %dma_start3A_91 = arith.constant 0 : i32
      %dma_start3A_92 = tpu.memref_slice %arg6[%add3A_90, %dma_start3A_91] : memref<425984x8xi32, #tpu.memory_space<hbm>> -> memref<128x8xi32, #tpu.memory_space<hbm>>
      %dma_start3A_93 = arith.constant 0 : i32
      %dma_start3A_94 = tpu.memref_slice %arg6[%add3A_90, %dma_start3A_93] : memref<425984x8xi32, #tpu.memory_space<hbm>> -> memref<128x8xi32, #tpu.memory_space<hbm>>
      tpu.enqueue_dma source(%arg10 : memref<128x8xi32, #tpu.memory_space<vmem>>) target(%dma_start3A_94 : memref<128x8xi32, #tpu.memory_space<hbm>>) target_semaphore(%arg20 : memref<!tpu.dma_semaphore, #tpu.memory_space<semaphore_mem>>)
      %ge3A = arith.constant 8 : i32
      %ge3A_95 = arith.cmpi sge, %add3A_74, %ge3A : i32
      %convert_element_type3A = arith.extui %ge3A_95 : i1 to i32
      %cond3A = arith.constant 0 : i32
      %cond3A_96 = arith.cmpi ne, %convert_element_type3A, %cond3A : i32
      scf.if %cond3A_96 {
        %dma_wait3A_212 = arith.constant 0 : i32
        %dma_wait3A_213 = tpu.memref_slice %arg14[%dma_wait3A_212] : memref<13312xf32, #tpu.memory_space<vmem>> -> memref<128xf32, #tpu.memory_space<vmem>>
        %dma_wait3A_214 = arith.constant 0 : i32
        %dma_wait3A_215 = tpu.memref_slice %arg5[%dma_wait3A_214] : memref<2600000xf32, #tpu.memory_space<hbm>> -> memref<128xf32, #tpu.memory_space<hbm>>
        %dma_wait3A_216 = arith.constant 0 : i32
        %dma_wait3A_217 = tpu.memref_slice %arg14[%dma_wait3A_216] : memref<13312xf32, #tpu.memory_space<vmem>> -> memref<128xf32, #tpu.memory_space<vmem>>
        %dma_wait3A_218 = arith.constant 0 : i32
        %dma_wait3A_219 = tpu.memref_slice %arg5[%dma_wait3A_218] : memref<2600000xf32, #tpu.memory_space<hbm>> -> memref<128xf32, #tpu.memory_space<hbm>>
        tpu.wait_dma2 semaphore(%arg24 : memref<!tpu.dma_semaphore, #tpu.memory_space<semaphore_mem>>) src(%dma_wait3A_219 : memref<128xf32, #tpu.memory_space<hbm>>) dst(%dma_wait3A_217 : memref<128xf32, #tpu.memory_space<vmem>>)
      } else {
      }
      %add3A_97 = arith.constant 4 : i32
      %add3A_98 = arith.addi %add3A_74, %add3A_97 : i32
      %lt3A = arith.constant 104 : i32
      %lt3A_99 = arith.cmpi slt, %add3A_98, %lt3A : i32
      %convert_element_type3A_100 = arith.extui %lt3A_99 : i1 to i32
      %cond3A_101 = arith.constant 0 : i32
      %cond3A_102 = arith.cmpi ne, %convert_element_type3A_100, %cond3A_101 : i32
      scf.if %cond3A_102 {
        %dma_wait3A_212 = arith.constant 0 : i32
        %dma_wait3A_213 = arith.constant 0 : i32
        %dma_wait3A_214 = tpu.memref_slice %arg6[%dma_wait3A_212, %dma_wait3A_213] : memref<425984x8xi32, #tpu.memory_space<hbm>> -> memref<128x8xi32, #tpu.memory_space<hbm>>
        %dma_wait3A_215 = arith.constant 0 : i32
        %dma_wait3A_216 = arith.constant 0 : i32
        %dma_wait3A_217 = tpu.memref_slice %arg6[%dma_wait3A_215, %dma_wait3A_216] : memref<425984x8xi32, #tpu.memory_space<hbm>> -> memref<128x8xi32, #tpu.memory_space<hbm>>
        tpu.wait_dma2 semaphore(%arg20 : memref<!tpu.dma_semaphore, #tpu.memory_space<semaphore_mem>>) src(%arg10 : memref<128x8xi32, #tpu.memory_space<vmem>>) dst(%dma_wait3A_217 : memref<128x8xi32, #tpu.memory_space<hbm>>)
        %add3A_218 = arith.constant 4 : i32
        %add3A_219 = arith.addi %add3A_74, %add3A_218 : i32
        %mul3A_220 = arith.constant 128 : i32
        %mul3A_221 = arith.muli %add3A_219, %mul3A_220 : i32
        %dma_start3A_222 = tpu.memref_slice %arg8[%mul3A_221] : memref<13312xi32, #tpu.memory_space<vmem>> -> memref<128xi32, #tpu.memory_space<vmem>>
        %dma_start3A_223 = arith.constant 0 : i32
        %dma_start3A_224 = arith.constant 0 : i32
        %dma_start3A_225 = tpu.memref_slice %arg4[%dma_start3A_223, %dma_start3A_224] : memref<2600000x8xi32, #tpu.memory_space<hbm>> -> memref<2600000x8xi32, #tpu.memory_space<hbm>>
        tpu.enqueue_indirect_dma source(%dma_start3A_225 : memref<2600000x8xi32, #tpu.memory_space<hbm>>) target(%arg10 : memref<128x8xi32, #tpu.memory_space<vmem>>) offsets(%dma_start3A_222 : memref<128xi32, #tpu.memory_space<vmem>>) semaphore(%arg16 : memref<!tpu.dma_semaphore, #tpu.memory_space<semaphore_mem>>)
      } else {
      }
      %mul3A_103 = arith.constant 4 : i32
      %mul3A_104 = arith.muli %scan3A_69, %mul3A_103 : i32
      %add3A_105 = arith.constant 1 : i32
      %add3A_106 = arith.addi %mul3A_104, %add3A_105 : i32
      %dma_wait3A_107 = arith.constant 0 : i32
      %dma_wait3A_108 = tpu.memref_slice %arg8[%dma_wait3A_107] : memref<13312xi32, #tpu.memory_space<vmem>> -> memref<128xi32, #tpu.memory_space<vmem>>
      %dma_wait3A_109 = arith.constant 0 : i32
      %dma_wait3A_110 = arith.constant 0 : i32
      %dma_wait3A_111 = tpu.memref_slice %arg4[%dma_wait3A_109, %dma_wait3A_110] : memref<2600000x8xi32, #tpu.memory_space<hbm>> -> memref<2600000x8xi32, #tpu.memory_space<hbm>>
      tpu.wait_indirect_dma semaphore(%arg17 : memref<!tpu.dma_semaphore, #tpu.memory_space<semaphore_mem>>) src(%dma_wait3A_111 : memref<2600000x8xi32, #tpu.memory_space<hbm>>) dst(%arg11 : memref<128x8xi32, #tpu.memory_space<vmem>>)
      %mul3A_112 = arith.constant 128 : i32
      %mul3A_113 = arith.muli %add3A_106, %mul3A_112 : i32
      %mul3A_114 = arith.constant 128 : i32
      %mul3A_115 = arith.muli %add3A_106, %mul3A_114 : i32
      %dma_start3A_116 = tpu.memref_slice %arg14[%mul3A_115] : memref<13312xf32, #tpu.memory_space<vmem>> -> memref<128xf32, #tpu.memory_space<vmem>>
      %dma_start3A_117 = tpu.memref_slice %arg8[%mul3A_113] : memref<13312xi32, #tpu.memory_space<vmem>> -> memref<128xi32, #tpu.memory_space<vmem>>
      %dma_start3A_118 = arith.constant 0 : i32
      %dma_start3A_119 = tpu.memref_slice %arg5[%dma_start3A_118] : memref<2600000xf32, #tpu.memory_space<hbm>> -> memref<2600000xf32, #tpu.memory_space<hbm>>
      tpu.enqueue_indirect_dma source(%dma_start3A_119 : memref<2600000xf32, #tpu.memory_space<hbm>>) target(%dma_start3A_116 : memref<128xf32, #tpu.memory_space<vmem>>) offsets(%dma_start3A_117 : memref<128xi32, #tpu.memory_space<vmem>>) semaphore(%arg24 : memref<!tpu.dma_semaphore, #tpu.memory_space<semaphore_mem>>)
      %mul3A_120 = arith.constant 128 : i32
      %mul3A_121 = arith.muli %add3A_106, %mul3A_120 : i32
      %add3A_122 = arith.addi %mul3A_2, %mul3A_121 : i32
      %dma_start3A_123 = arith.constant 0 : i32
      %dma_start3A_124 = tpu.memref_slice %arg6[%add3A_122, %dma_start3A_123] : memref<425984x8xi32, #tpu.memory_space<hbm>> -> memref<128x8xi32, #tpu.memory_space<hbm>>
      %dma_start3A_125 = arith.constant 0 : i32
      %dma_start3A_126 = tpu.memref_slice %arg6[%add3A_122, %dma_start3A_125] : memref<425984x8xi32, #tpu.memory_space<hbm>> -> memref<128x8xi32, #tpu.memory_space<hbm>>
      tpu.enqueue_dma source(%arg11 : memref<128x8xi32, #tpu.memory_space<vmem>>) target(%dma_start3A_126 : memref<128x8xi32, #tpu.memory_space<hbm>>) target_semaphore(%arg21 : memref<!tpu.dma_semaphore, #tpu.memory_space<semaphore_mem>>)
      %ge3A_127 = arith.constant 8 : i32
      %ge3A_128 = arith.cmpi sge, %add3A_106, %ge3A_127 : i32
      %convert_element_type3A_129 = arith.extui %ge3A_128 : i1 to i32
      %cond3A_130 = arith.constant 0 : i32
      %cond3A_131 = arith.cmpi ne, %convert_element_type3A_129, %cond3A_130 : i32
      scf.if %cond3A_131 {
        %dma_wait3A_212 = arith.constant 0 : i32
        %dma_wait3A_213 = tpu.memref_slice %arg14[%dma_wait3A_212] : memref<13312xf32, #tpu.memory_space<vmem>> -> memref<128xf32, #tpu.memory_space<vmem>>
        %dma_wait3A_214 = arith.constant 0 : i32
        %dma_wait3A_215 = tpu.memref_slice %arg5[%dma_wait3A_214] : memref<2600000xf32, #tpu.memory_space<hbm>> -> memref<128xf32, #tpu.memory_space<hbm>>
        %dma_wait3A_216 = arith.constant 0 : i32
        %dma_wait3A_217 = tpu.memref_slice %arg14[%dma_wait3A_216] : memref<13312xf32, #tpu.memory_space<vmem>> -> memref<128xf32, #tpu.memory_space<vmem>>
        %dma_wait3A_218 = arith.constant 0 : i32
        %dma_wait3A_219 = tpu.memref_slice %arg5[%dma_wait3A_218] : memref<2600000xf32, #tpu.memory_space<hbm>> -> memref<128xf32, #tpu.memory_space<hbm>>
        tpu.wait_dma2 semaphore(%arg24 : memref<!tpu.dma_semaphore, #tpu.memory_space<semaphore_mem>>) src(%dma_wait3A_219 : memref<128xf32, #tpu.memory_space<hbm>>) dst(%dma_wait3A_217 : memref<128xf32, #tpu.memory_space<vmem>>)
      } else {
      }
      %add3A_132 = arith.constant 4 : i32
      %add3A_133 = arith.addi %add3A_106, %add3A_132 : i32
      %lt3A_134 = arith.constant 104 : i32
      %lt3A_135 = arith.cmpi slt, %add3A_133, %lt3A_134 : i32
      %convert_element_type3A_136 = arith.extui %lt3A_135 : i1 to i32
      %cond3A_137 = arith.constant 0 : i32
      %cond3A_138 = arith.cmpi ne, %convert_element_type3A_136, %cond3A_137 : i32
      scf.if %cond3A_138 {
        %dma_wait3A_212 = arith.constant 0 : i32
        %dma_wait3A_213 = arith.constant 0 : i32
        %dma_wait3A_214 = tpu.memref_slice %arg6[%dma_wait3A_212, %dma_wait3A_213] : memref<425984x8xi32, #tpu.memory_space<hbm>> -> memref<128x8xi32, #tpu.memory_space<hbm>>
        %dma_wait3A_215 = arith.constant 0 : i32
        %dma_wait3A_216 = arith.constant 0 : i32
        %dma_wait3A_217 = tpu.memref_slice %arg6[%dma_wait3A_215, %dma_wait3A_216] : memref<425984x8xi32, #tpu.memory_space<hbm>> -> memref<128x8xi32, #tpu.memory_space<hbm>>
        tpu.wait_dma2 semaphore(%arg21 : memref<!tpu.dma_semaphore, #tpu.memory_space<semaphore_mem>>) src(%arg11 : memref<128x8xi32, #tpu.memory_space<vmem>>) dst(%dma_wait3A_217 : memref<128x8xi32, #tpu.memory_space<hbm>>)
        %add3A_218 = arith.constant 4 : i32
        %add3A_219 = arith.addi %add3A_106, %add3A_218 : i32
        %mul3A_220 = arith.constant 128 : i32
        %mul3A_221 = arith.muli %add3A_219, %mul3A_220 : i32
        %dma_start3A_222 = tpu.memref_slice %arg8[%mul3A_221] : memref<13312xi32, #tpu.memory_space<vmem>> -> memref<128xi32, #tpu.memory_space<vmem>>
        %dma_start3A_223 = arith.constant 0 : i32
        %dma_start3A_224 = arith.constant 0 : i32
        %dma_start3A_225 = tpu.memref_slice %arg4[%dma_start3A_223, %dma_start3A_224] : memref<2600000x8xi32, #tpu.memory_space<hbm>> -> memref<2600000x8xi32, #tpu.memory_space<hbm>>
        tpu.enqueue_indirect_dma source(%dma_start3A_225 : memref<2600000x8xi32, #tpu.memory_space<hbm>>) target(%arg11 : memref<128x8xi32, #tpu.memory_space<vmem>>) offsets(%dma_start3A_222 : memref<128xi32, #tpu.memory_space<vmem>>) semaphore(%arg17 : memref<!tpu.dma_semaphore, #tpu.memory_space<semaphore_mem>>)
      } else {
      }
      %mul3A_139 = arith.constant 4 : i32
      %mul3A_140 = arith.muli %scan3A_69, %mul3A_139 : i32
      %add3A_141 = arith.constant 2 : i32
      %add3A_142 = arith.addi %mul3A_140, %add3A_141 : i32
      %dma_wait3A_143 = arith.constant 0 : i32
      %dma_wait3A_144 = tpu.memref_slice %arg8[%dma_wait3A_143] : memref<13312xi32, #tpu.memory_space<vmem>> -> memref<128xi32, #tpu.memory_space<vmem>>
      %dma_wait3A_145 = arith.constant 0 : i32
      %dma_wait3A_146 = arith.constant 0 : i32
      %dma_wait3A_147 = tpu.memref_slice %arg4[%dma_wait3A_145, %dma_wait3A_146] : memref<2600000x8xi32, #tpu.memory_space<hbm>> -> memref<2600000x8xi32, #tpu.memory_space<hbm>>
      tpu.wait_indirect_dma semaphore(%arg18 : memref<!tpu.dma_semaphore, #tpu.memory_space<semaphore_mem>>) src(%dma_wait3A_147 : memref<2600000x8xi32, #tpu.memory_space<hbm>>) dst(%arg12 : memref<128x8xi32, #tpu.memory_space<vmem>>)
      %mul3A_148 = arith.constant 128 : i32
      %mul3A_149 = arith.muli %add3A_142, %mul3A_148 : i32
      %mul3A_150 = arith.constant 128 : i32
      %mul3A_151 = arith.muli %add3A_142, %mul3A_150 : i32
      %dma_start3A_152 = tpu.memref_slice %arg14[%mul3A_151] : memref<13312xf32, #tpu.memory_space<vmem>> -> memref<128xf32, #tpu.memory_space<vmem>>
      %dma_start3A_153 = tpu.memref_slice %arg8[%mul3A_149] : memref<13312xi32, #tpu.memory_space<vmem>> -> memref<128xi32, #tpu.memory_space<vmem>>
      %dma_start3A_154 = arith.constant 0 : i32
      %dma_start3A_155 = tpu.memref_slice %arg5[%dma_start3A_154] : memref<2600000xf32, #tpu.memory_space<hbm>> -> memref<2600000xf32, #tpu.memory_space<hbm>>
      tpu.enqueue_indirect_dma source(%dma_start3A_155 : memref<2600000xf32, #tpu.memory_space<hbm>>) target(%dma_start3A_152 : memref<128xf32, #tpu.memory_space<vmem>>) offsets(%dma_start3A_153 : memref<128xi32, #tpu.memory_space<vmem>>) semaphore(%arg24 : memref<!tpu.dma_semaphore, #tpu.memory_space<semaphore_mem>>)
      %mul3A_156 = arith.constant 128 : i32
      %mul3A_157 = arith.muli %add3A_142, %mul3A_156 : i32
      %add3A_158 = arith.addi %mul3A_2, %mul3A_157 : i32
      %dma_start3A_159 = arith.constant 0 : i32
      %dma_start3A_160 = tpu.memref_slice %arg6[%add3A_158, %dma_start3A_159] : memref<425984x8xi32, #tpu.memory_space<hbm>> -> memref<128x8xi32, #tpu.memory_space<hbm>>
      %dma_start3A_161 = arith.constant 0 : i32
      %dma_start3A_162 = tpu.memref_slice %arg6[%add3A_158, %dma_start3A_161] : memref<425984x8xi32, #tpu.memory_space<hbm>> -> memref<128x8xi32, #tpu.memory_space<hbm>>
      tpu.enqueue_dma source(%arg12 : memref<128x8xi32, #tpu.memory_space<vmem>>) target(%dma_start3A_162 : memref<128x8xi32, #tpu.memory_space<hbm>>) target_semaphore(%arg22 : memref<!tpu.dma_semaphore, #tpu.memory_space<semaphore_mem>>)
      %ge3A_163 = arith.constant 8 : i32
      %ge3A_164 = arith.cmpi sge, %add3A_142, %ge3A_163 : i32
      %convert_element_type3A_165 = arith.extui %ge3A_164 : i1 to i32
      %cond3A_166 = arith.constant 0 : i32
      %cond3A_167 = arith.cmpi ne, %convert_element_type3A_165, %cond3A_166 : i32
      scf.if %cond3A_167 {
        %dma_wait3A_212 = arith.constant 0 : i32
        %dma_wait3A_213 = tpu.memref_slice %arg14[%dma_wait3A_212] : memref<13312xf32, #tpu.memory_space<vmem>> -> memref<128xf32, #tpu.memory_space<vmem>>
        %dma_wait3A_214 = arith.constant 0 : i32
        %dma_wait3A_215 = tpu.memref_slice %arg5[%dma_wait3A_214] : memref<2600000xf32, #tpu.memory_space<hbm>> -> memref<128xf32, #tpu.memory_space<hbm>>
        %dma_wait3A_216 = arith.constant 0 : i32
        %dma_wait3A_217 = tpu.memref_slice %arg14[%dma_wait3A_216] : memref<13312xf32, #tpu.memory_space<vmem>> -> memref<128xf32, #tpu.memory_space<vmem>>
        %dma_wait3A_218 = arith.constant 0 : i32
        %dma_wait3A_219 = tpu.memref_slice %arg5[%dma_wait3A_218] : memref<2600000xf32, #tpu.memory_space<hbm>> -> memref<128xf32, #tpu.memory_space<hbm>>
        tpu.wait_dma2 semaphore(%arg24 : memref<!tpu.dma_semaphore, #tpu.memory_space<semaphore_mem>>) src(%dma_wait3A_219 : memref<128xf32, #tpu.memory_space<hbm>>) dst(%dma_wait3A_217 : memref<128xf32, #tpu.memory_space<vmem>>)
      } else {
      }
      %add3A_168 = arith.constant 4 : i32
      %add3A_169 = arith.addi %add3A_142, %add3A_168 : i32
      %lt3A_170 = arith.constant 104 : i32
      %lt3A_171 = arith.cmpi slt, %add3A_169, %lt3A_170 : i32
      %convert_element_type3A_172 = arith.extui %lt3A_171 : i1 to i32
      %cond3A_173 = arith.constant 0 : i32
      %cond3A_174 = arith.cmpi ne, %convert_element_type3A_172, %cond3A_173 : i32
      scf.if %cond3A_174 {
        %dma_wait3A_212 = arith.constant 0 : i32
        %dma_wait3A_213 = arith.constant 0 : i32
        %dma_wait3A_214 = tpu.memref_slice %arg6[%dma_wait3A_212, %dma_wait3A_213] : memref<425984x8xi32, #tpu.memory_space<hbm>> -> memref<128x8xi32, #tpu.memory_space<hbm>>
        %dma_wait3A_215 = arith.constant 0 : i32
        %dma_wait3A_216 = arith.constant 0 : i32
        %dma_wait3A_217 = tpu.memref_slice %arg6[%dma_wait3A_215, %dma_wait3A_216] : memref<425984x8xi32, #tpu.memory_space<hbm>> -> memref<128x8xi32, #tpu.memory_space<hbm>>
        tpu.wait_dma2 semaphore(%arg22 : memref<!tpu.dma_semaphore, #tpu.memory_space<semaphore_mem>>) src(%arg12 : memref<128x8xi32, #tpu.memory_space<vmem>>) dst(%dma_wait3A_217 : memref<128x8xi32, #tpu.memory_space<hbm>>)
        %add3A_218 = arith.constant 4 : i32
        %add3A_219 = arith.addi %add3A_142, %add3A_218 : i32
        %mul3A_220 = arith.constant 128 : i32
        %mul3A_221 = arith.muli %add3A_219, %mul3A_220 : i32
        %dma_start3A_222 = tpu.memref_slice %arg8[%mul3A_221] : memref<13312xi32, #tpu.memory_space<vmem>> -> memref<128xi32, #tpu.memory_space<vmem>>
        %dma_start3A_223 = arith.constant 0 : i32
        %dma_start3A_224 = arith.constant 0 : i32
        %dma_start3A_225 = tpu.memref_slice %arg4[%dma_start3A_223, %dma_start3A_224] : memref<2600000x8xi32, #tpu.memory_space<hbm>> -> memref<2600000x8xi32, #tpu.memory_space<hbm>>
        tpu.enqueue_indirect_dma source(%dma_start3A_225 : memref<2600000x8xi32, #tpu.memory_space<hbm>>) target(%arg12 : memref<128x8xi32, #tpu.memory_space<vmem>>) offsets(%dma_start3A_222 : memref<128xi32, #tpu.memory_space<vmem>>) semaphore(%arg18 : memref<!tpu.dma_semaphore, #tpu.memory_space<semaphore_mem>>)
      } else {
      }
      %mul3A_175 = arith.constant 4 : i32
      %mul3A_176 = arith.muli %scan3A_69, %mul3A_175 : i32
      %add3A_177 = arith.constant 3 : i32
      %add3A_178 = arith.addi %mul3A_176, %add3A_177 : i32
      %dma_wait3A_179 = arith.constant 0 : i32
      %dma_wait3A_180 = tpu.memref_slice %arg8[%dma_wait3A_179] : memref<13312xi32, #tpu.memory_space<vmem>> -> memref<128xi32, #tpu.memory_space<vmem>>
      %dma_wait3A_181 = arith.constant 0 : i32
      %dma_wait3A_182 = arith.constant 0 : i32
      %dma_wait3A_183 = tpu.memref_slice %arg4[%dma_wait3A_181, %dma_wait3A_182] : memref<2600000x8xi32, #tpu.memory_space<hbm>> -> memref<2600000x8xi32, #tpu.memory_space<hbm>>
      tpu.wait_indirect_dma semaphore(%arg19 : memref<!tpu.dma_semaphore, #tpu.memory_space<semaphore_mem>>) src(%dma_wait3A_183 : memref<2600000x8xi32, #tpu.memory_space<hbm>>) dst(%arg13 : memref<128x8xi32, #tpu.memory_space<vmem>>)
      %mul3A_184 = arith.constant 128 : i32
      %mul3A_185 = arith.muli %add3A_178, %mul3A_184 : i32
      %mul3A_186 = arith.constant 128 : i32
      %mul3A_187 = arith.muli %add3A_178, %mul3A_186 : i32
      %dma_start3A_188 = tpu.memref_slice %arg14[%mul3A_187] : memref<13312xf32, #tpu.memory_space<vmem>> -> memref<128xf32, #tpu.memory_space<vmem>>
      %dma_start3A_189 = tpu.memref_slice %arg8[%mul3A_185] : memref<13312xi32, #tpu.memory_space<vmem>> -> memref<128xi32, #tpu.memory_space<vmem>>
      %dma_start3A_190 = arith.constant 0 : i32
      %dma_start3A_191 = tpu.memref_slice %arg5[%dma_start3A_190] : memref<2600000xf32, #tpu.memory_space<hbm>> -> memref<2600000xf32, #tpu.memory_space<hbm>>
      tpu.enqueue_indirect_dma source(%dma_start3A_191 : memref<2600000xf32, #tpu.memory_space<hbm>>) target(%dma_start3A_188 : memref<128xf32, #tpu.memory_space<vmem>>) offsets(%dma_start3A_189 : memref<128xi32, #tpu.memory_space<vmem>>) semaphore(%arg24 : memref<!tpu.dma_semaphore, #tpu.memory_space<semaphore_mem>>)
      %mul3A_192 = arith.constant 128 : i32
      %mul3A_193 = arith.muli %add3A_178, %mul3A_192 : i32
      %add3A_194 = arith.addi %mul3A_2, %mul3A_193 : i32
      %dma_start3A_195 = arith.constant 0 : i32
      %dma_start3A_196 = tpu.memref_slice %arg6[%add3A_194, %dma_start3A_195] : memref<425984x8xi32, #tpu.memory_space<hbm>> -> memref<128x8xi32, #tpu.memory_space<hbm>>
      %dma_start3A_197 = arith.constant 0 : i32
      %dma_start3A_198 = tpu.memref_slice %arg6[%add3A_194, %dma_start3A_197] : memref<425984x8xi32, #tpu.memory_space<hbm>> -> memref<128x8xi32, #tpu.memory_space<hbm>>
      tpu.enqueue_dma source(%arg13 : memref<128x8xi32, #tpu.memory_space<vmem>>) target(%dma_start3A_198 : memref<128x8xi32, #tpu.memory_space<hbm>>) target_semaphore(%arg23 : memref<!tpu.dma_semaphore, #tpu.memory_space<semaphore_mem>>)
      %ge3A_199 = arith.constant 8 : i32
      %ge3A_200 = arith.cmpi sge, %add3A_178, %ge3A_199 : i32
      %convert_element_type3A_201 = arith.extui %ge3A_200 : i1 to i32
      %cond3A_202 = arith.constant 0 : i32
      %cond3A_203 = arith.cmpi ne, %convert_element_type3A_201, %cond3A_202 : i32
      scf.if %cond3A_203 {
        %dma_wait3A_212 = arith.constant 0 : i32
        %dma_wait3A_213 = tpu.memref_slice %arg14[%dma_wait3A_212] : memref<13312xf32, #tpu.memory_space<vmem>> -> memref<128xf32, #tpu.memory_space<vmem>>
        %dma_wait3A_214 = arith.constant 0 : i32
        %dma_wait3A_215 = tpu.memref_slice %arg5[%dma_wait3A_214] : memref<2600000xf32, #tpu.memory_space<hbm>> -> memref<128xf32, #tpu.memory_space<hbm>>
        %dma_wait3A_216 = arith.constant 0 : i32
        %dma_wait3A_217 = tpu.memref_slice %arg14[%dma_wait3A_216] : memref<13312xf32, #tpu.memory_space<vmem>> -> memref<128xf32, #tpu.memory_space<vmem>>
        %dma_wait3A_218 = arith.constant 0 : i32
        %dma_wait3A_219 = tpu.memref_slice %arg5[%dma_wait3A_218] : memref<2600000xf32, #tpu.memory_space<hbm>> -> memref<128xf32, #tpu.memory_space<hbm>>
        tpu.wait_dma2 semaphore(%arg24 : memref<!tpu.dma_semaphore, #tpu.memory_space<semaphore_mem>>) src(%dma_wait3A_219 : memref<128xf32, #tpu.memory_space<hbm>>) dst(%dma_wait3A_217 : memref<128xf32, #tpu.memory_space<vmem>>)
      } else {
      }
      %add3A_204 = arith.constant 4 : i32
      %add3A_205 = arith.addi %add3A_178, %add3A_204 : i32
      %lt3A_206 = arith.constant 104 : i32
      %lt3A_207 = arith.cmpi slt, %add3A_205, %lt3A_206 : i32
      %convert_element_type3A_208 = arith.extui %lt3A_207 : i1 to i32
      %cond3A_209 = arith.constant 0 : i32
      %cond3A_210 = arith.cmpi ne, %convert_element_type3A_208, %cond3A_209 : i32
      scf.if %cond3A_210 {
        %dma_wait3A_212 = arith.constant 0 : i32
        %dma_wait3A_213 = arith.constant 0 : i32
        %dma_wait3A_214 = tpu.memref_slice %arg6[%dma_wait3A_212, %dma_wait3A_213] : memref<425984x8xi32, #tpu.memory_space<hbm>> -> memref<128x8xi32, #tpu.memory_space<hbm>>
        %dma_wait3A_215 = arith.constant 0 : i32
        %dma_wait3A_216 = arith.constant 0 : i32
        %dma_wait3A_217 = tpu.memref_slice %arg6[%dma_wait3A_215, %dma_wait3A_216] : memref<425984x8xi32, #tpu.memory_space<hbm>> -> memref<128x8xi32, #tpu.memory_space<hbm>>
        tpu.wait_dma2 semaphore(%arg23 : memref<!tpu.dma_semaphore, #tpu.memory_space<semaphore_mem>>) src(%arg13 : memref<128x8xi32, #tpu.memory_space<vmem>>) dst(%dma_wait3A_217 : memref<128x8xi32, #tpu.memory_space<hbm>>)
        %add3A_218 = arith.constant 4 : i32
        %add3A_219 = arith.addi %add3A_178, %add3A_218 : i32
        %mul3A_220 = arith.constant 128 : i32
        %mul3A_221 = arith.muli %add3A_219, %mul3A_220 : i32
        %dma_start3A_222 = tpu.memref_slice %arg8[%mul3A_221] : memref<13312xi32, #tpu.memory_space<vmem>> -> memref<128xi32, #tpu.memory_space<vmem>>
        %dma_start3A_223 = arith.constant 0 : i32
        %dma_start3A_224 = arith.constant 0 : i32
        %dma_start3A_225 = tpu.memref_slice %arg4[%dma_start3A_223, %dma_start3A_224] : memref<2600000x8xi32, #tpu.memory_space<hbm>> -> memref<2600000x8xi32, #tpu.memory_space<hbm>>
        tpu.enqueue_indirect_dma source(%dma_start3A_225 : memref<2600000x8xi32, #tpu.memory_space<hbm>>) target(%arg13 : memref<128x8xi32, #tpu.memory_space<vmem>>) offsets(%dma_start3A_222 : memref<128xi32, #tpu.memory_space<vmem>>) semaphore(%arg19 : memref<!tpu.dma_semaphore, #tpu.memory_space<semaphore_mem>>)
      } else {
      }
      %scan3A_211 = arith.constant 0 : i32
      scf.yield %scan3A_211 : i32
    }
    %scan3A_29 = arith.constant 26 : i32
    %dma_wait3A = arith.constant 0 : i32
    %dma_wait3A_30 = arith.constant 0 : i32
    %dma_wait3A_31 = tpu.memref_slice %arg6[%dma_wait3A, %dma_wait3A_30] : memref<425984x8xi32, #tpu.memory_space<hbm>> -> memref<128x8xi32, #tpu.memory_space<hbm>>
    %dma_wait3A_32 = arith.constant 0 : i32
    %dma_wait3A_33 = arith.constant 0 : i32
    %dma_wait3A_34 = tpu.memref_slice %arg6[%dma_wait3A_32, %dma_wait3A_33] : memref<425984x8xi32, #tpu.memory_space<hbm>> -> memref<128x8xi32, #tpu.memory_space<hbm>>
    tpu.wait_dma2 semaphore(%arg20 : memref<!tpu.dma_semaphore, #tpu.memory_space<semaphore_mem>>) src(%arg10 : memref<128x8xi32, #tpu.memory_space<vmem>>) dst(%dma_wait3A_34 : memref<128x8xi32, #tpu.memory_space<hbm>>)
    %dma_wait3A_35 = arith.constant 0 : i32
    %dma_wait3A_36 = arith.constant 0 : i32
    %dma_wait3A_37 = tpu.memref_slice %arg6[%dma_wait3A_35, %dma_wait3A_36] : memref<425984x8xi32, #tpu.memory_space<hbm>> -> memref<128x8xi32, #tpu.memory_space<hbm>>
    %dma_wait3A_38 = arith.constant 0 : i32
    %dma_wait3A_39 = arith.constant 0 : i32
    %dma_wait3A_40 = tpu.memref_slice %arg6[%dma_wait3A_38, %dma_wait3A_39] : memref<425984x8xi32, #tpu.memory_space<hbm>> -> memref<128x8xi32, #tpu.memory_space<hbm>>
    tpu.wait_dma2 semaphore(%arg21 : memref<!tpu.dma_semaphore, #tpu.memory_space<semaphore_mem>>) src(%arg11 : memref<128x8xi32, #tpu.memory_space<vmem>>) dst(%dma_wait3A_40 : memref<128x8xi32, #tpu.memory_space<hbm>>)
    %dma_wait3A_41 = arith.constant 0 : i32
    %dma_wait3A_42 = arith.constant 0 : i32
    %dma_wait3A_43 = tpu.memref_slice %arg6[%dma_wait3A_41, %dma_wait3A_42] : memref<425984x8xi32, #tpu.memory_space<hbm>> -> memref<128x8xi32, #tpu.memory_space<hbm>>
    %dma_wait3A_44 = arith.constant 0 : i32
    %dma_wait3A_45 = arith.constant 0 : i32
    %dma_wait3A_46 = tpu.memref_slice %arg6[%dma_wait3A_44, %dma_wait3A_45] : memref<425984x8xi32, #tpu.memory_space<hbm>> -> memref<128x8xi32, #tpu.memory_space<hbm>>
    tpu.wait_dma2 semaphore(%arg22 : memref<!tpu.dma_semaphore, #tpu.memory_space<semaphore_mem>>) src(%arg12 : memref<128x8xi32, #tpu.memory_space<vmem>>) dst(%dma_wait3A_46 : memref<128x8xi32, #tpu.memory_space<hbm>>)
    %dma_wait3A_47 = arith.constant 0 : i32
    %dma_wait3A_48 = arith.constant 0 : i32
    %dma_wait3A_49 = tpu.memref_slice %arg6[%dma_wait3A_47, %dma_wait3A_48] : memref<425984x8xi32, #tpu.memory_space<hbm>> -> memref<128x8xi32, #tpu.memory_space<hbm>>
    %dma_wait3A_50 = arith.constant 0 : i32
    %dma_wait3A_51 = arith.constant 0 : i32
    %dma_wait3A_52 = tpu.memref_slice %arg6[%dma_wait3A_50, %dma_wait3A_51] : memref<425984x8xi32, #tpu.memory_space<hbm>> -> memref<128x8xi32, #tpu.memory_space<hbm>>
    tpu.wait_dma2 semaphore(%arg23 : memref<!tpu.dma_semaphore, #tpu.memory_space<semaphore_mem>>) src(%arg13 : memref<128x8xi32, #tpu.memory_space<vmem>>) dst(%dma_wait3A_52 : memref<128x8xi32, #tpu.memory_space<hbm>>)
    %dma_wait3A_53 = arith.constant 0 : i32
    %dma_wait3A_54 = tpu.memref_slice %arg14[%dma_wait3A_53] : memref<13312xf32, #tpu.memory_space<vmem>> -> memref<1024xf32, #tpu.memory_space<vmem>>
    %dma_wait3A_55 = arith.constant 0 : i32
    %dma_wait3A_56 = tpu.memref_slice %arg5[%dma_wait3A_55] : memref<2600000xf32, #tpu.memory_space<hbm>> -> memref<1024xf32, #tpu.memory_space<hbm>>
    %dma_wait3A_57 = arith.constant 0 : i32
    %dma_wait3A_58 = tpu.memref_slice %arg14[%dma_wait3A_57] : memref<13312xf32, #tpu.memory_space<vmem>> -> memref<1024xf32, #tpu.memory_space<vmem>>
    %dma_wait3A_59 = arith.constant 0 : i32
    %dma_wait3A_60 = tpu.memref_slice %arg5[%dma_wait3A_59] : memref<2600000xf32, #tpu.memory_space<hbm>> -> memref<1024xf32, #tpu.memory_space<hbm>>
    tpu.wait_dma2 semaphore(%arg24 : memref<!tpu.dma_semaphore, #tpu.memory_space<semaphore_mem>>) src(%dma_wait3A_60 : memref<1024xf32, #tpu.memory_space<hbm>>) dst(%dma_wait3A_58 : memref<1024xf32, #tpu.memory_space<vmem>>)
    %iota3A = tpu.iota {dimensions = array<i32: 0>} : vector<16xi32>
    %mul3A_61 = arith.constant 26 : i32
    %mul3A_62 = vector.broadcast %mul3A_61 : i32 to vector<16xi32>
    %mul3A_63 = arith.muli %iota3A, %mul3A_62 : vector<16xi32>
    %parallel_loop3A_64 = arith.constant 0 : i32
    %parallel_loop3A_65 = arith.constant 32 : i32
    %parallel_loop3A_66 = arith.constant 1 : i32
    scf.for %parallel_loop3A_69 = %parallel_loop3A_64 to %parallel_loop3A_65 step %parallel_loop3A_66  : i32 {
      %parallel_loop3A_70 = arith.constant 416 : i32
      %parallel_loop3A_71 = arith.muli %parallel_loop3A_69, %parallel_loop3A_70 : i32
      %parallel_loop3A_72 = vector.broadcast %parallel_loop3A_71 : i32 to vector<16xi32>
      %parallel_loop3A_73 = arith.addi %mul3A_63, %parallel_loop3A_72 : vector<16xi32>
      %parallel_loop3A_74 = tpu.vector_load_idx %arg14[%parallel_loop3A_73] : memref<13312xf32, #tpu.memory_space<vmem>>[vector<16xi32>], vector<16xf32>,
      %parallel_loop3A_75 = arith.constant 1 : i32
      %parallel_loop3A_76 = arith.addi %parallel_loop3A_71, %parallel_loop3A_75 : i32
      %parallel_loop3A_77 = vector.broadcast %parallel_loop3A_76 : i32 to vector<16xi32>
      %parallel_loop3A_78 = arith.addi %mul3A_63, %parallel_loop3A_77 : vector<16xi32>
      %parallel_loop3A_79 = tpu.vector_load_idx %arg14[%parallel_loop3A_78] : memref<13312xf32, #tpu.memory_space<vmem>>[vector<16xi32>], vector<16xf32>,
      %parallel_loop3A_80 = arith.addf %parallel_loop3A_74, %parallel_loop3A_79 : vector<16xf32>
      %parallel_loop3A_81 = arith.constant 2 : i32
      %parallel_loop3A_82 = arith.addi %parallel_loop3A_71, %parallel_loop3A_81 : i32
      %parallel_loop3A_83 = vector.broadcast %parallel_loop3A_82 : i32 to vector<16xi32>
      %parallel_loop3A_84 = arith.addi %mul3A_63, %parallel_loop3A_83 : vector<16xi32>
      %parallel_loop3A_85 = tpu.vector_load_idx %arg14[%parallel_loop3A_84] : memref<13312xf32, #tpu.memory_space<vmem>>[vector<16xi32>], vector<16xf32>,
      %parallel_loop3A_86 = arith.addf %parallel_loop3A_80, %parallel_loop3A_85 : vector<16xf32>
      %parallel_loop3A_87 = arith.constant 3 : i32
      %parallel_loop3A_88 = arith.addi %parallel_loop3A_71, %parallel_loop3A_87 : i32
      %parallel_loop3A_89 = vector.broadcast %parallel_loop3A_88 : i32 to vector<16xi32>
      %parallel_loop3A_90 = arith.addi %mul3A_63, %parallel_loop3A_89 : vector<16xi32>
      %parallel_loop3A_91 = tpu.vector_load_idx %arg14[%parallel_loop3A_90] : memref<13312xf32, #tpu.memory_space<vmem>>[vector<16xi32>], vector<16xf32>,
      %parallel_loop3A_92 = arith.addf %parallel_loop3A_86, %parallel_loop3A_91 : vector<16xf32>
      %parallel_loop3A_93 = arith.constant 4 : i32
      %parallel_loop3A_94 = arith.addi %parallel_loop3A_71, %parallel_loop3A_93 : i32
      %parallel_loop3A_95 = vector.broadcast %parallel_loop3A_94 : i32 to vector<16xi32>
      %parallel_loop3A_96 = arith.addi %mul3A_63, %parallel_loop3A_95 : vector<16xi32>
      %parallel_loop3A_97 = tpu.vector_load_idx %arg14[%parallel_loop3A_96] : memref<13312xf32, #tpu.memory_space<vmem>>[vector<16xi32>], vector<16xf32>,
      %parallel_loop3A_98 = arith.addf %parallel_loop3A_92, %parallel_loop3A_97 : vector<16xf32>
      %parallel_loop3A_99 = arith.constant 5 : i32
      %parallel_loop3A_100 = arith.addi %parallel_loop3A_71, %parallel_loop3A_99 : i32
      %parallel_loop3A_101 = vector.broadcast %parallel_loop3A_100 : i32 to vector<16xi32>
      %parallel_loop3A_102 = arith.addi %mul3A_63, %parallel_loop3A_101 : vector<16xi32>
      %parallel_loop3A_103 = tpu.vector_load_idx %arg14[%parallel_loop3A_102] : memref<13312xf32, #tpu.memory_space<vmem>>[vector<16xi32>], vector<16xf32>,
      %parallel_loop3A_104 = arith.addf %parallel_loop3A_98, %parallel_loop3A_103 : vector<16xf32>
      %parallel_loop3A_105 = arith.constant 6 : i32
      %parallel_loop3A_106 = arith.addi %parallel_loop3A_71, %parallel_loop3A_105 : i32
      %parallel_loop3A_107 = vector.broadcast %parallel_loop3A_106 : i32 to vector<16xi32>
      %parallel_loop3A_108 = arith.addi %mul3A_63, %parallel_loop3A_107 : vector<16xi32>
      %parallel_loop3A_109 = tpu.vector_load_idx %arg14[%parallel_loop3A_108] : memref<13312xf32, #tpu.memory_space<vmem>>[vector<16xi32>], vector<16xf32>,
      %parallel_loop3A_110 = arith.addf %parallel_loop3A_104, %parallel_loop3A_109 : vector<16xf32>
      %parallel_loop3A_111 = arith.constant 7 : i32
      %parallel_loop3A_112 = arith.addi %parallel_loop3A_71, %parallel_loop3A_111 : i32
      %parallel_loop3A_113 = vector.broadcast %parallel_loop3A_112 : i32 to vector<16xi32>
      %parallel_loop3A_114 = arith.addi %mul3A_63, %parallel_loop3A_113 : vector<16xi32>
      %parallel_loop3A_115 = tpu.vector_load_idx %arg14[%parallel_loop3A_114] : memref<13312xf32, #tpu.memory_space<vmem>>[vector<16xi32>], vector<16xf32>,
      %parallel_loop3A_116 = arith.addf %parallel_loop3A_110, %parallel_loop3A_115 : vector<16xf32>
      %parallel_loop3A_117 = arith.constant 8 : i32
      %parallel_loop3A_118 = arith.addi %parallel_loop3A_71, %parallel_loop3A_117 : i32
      %parallel_loop3A_119 = vector.broadcast %parallel_loop3A_118 : i32 to vector<16xi32>
      %parallel_loop3A_120 = arith.addi %mul3A_63, %parallel_loop3A_119 : vector<16xi32>
      %parallel_loop3A_121 = tpu.vector_load_idx %arg14[%parallel_loop3A_120] : memref<13312xf32, #tpu.memory_space<vmem>>[vector<16xi32>], vector<16xf32>,
      %parallel_loop3A_122 = arith.addf %parallel_loop3A_116, %parallel_loop3A_121 : vector<16xf32>
      %parallel_loop3A_123 = arith.constant 9 : i32
      %parallel_loop3A_124 = arith.addi %parallel_loop3A_71, %parallel_loop3A_123 : i32
      %parallel_loop3A_125 = vector.broadcast %parallel_loop3A_124 : i32 to vector<16xi32>
      %parallel_loop3A_126 = arith.addi %mul3A_63, %parallel_loop3A_125 : vector<16xi32>
      %parallel_loop3A_127 = tpu.vector_load_idx %arg14[%parallel_loop3A_126] : memref<13312xf32, #tpu.memory_space<vmem>>[vector<16xi32>], vector<16xf32>,
      %parallel_loop3A_128 = arith.addf %parallel_loop3A_122, %parallel_loop3A_127 : vector<16xf32>
      %parallel_loop3A_129 = arith.constant 10 : i32
      %parallel_loop3A_130 = arith.addi %parallel_loop3A_71, %parallel_loop3A_129 : i32
      %parallel_loop3A_131 = vector.broadcast %parallel_loop3A_130 : i32 to vector<16xi32>
      %parallel_loop3A_132 = arith.addi %mul3A_63, %parallel_loop3A_131 : vector<16xi32>
      %parallel_loop3A_133 = tpu.vector_load_idx %arg14[%parallel_loop3A_132] : memref<13312xf32, #tpu.memory_space<vmem>>[vector<16xi32>], vector<16xf32>,
      %parallel_loop3A_134 = arith.addf %parallel_loop3A_128, %parallel_loop3A_133 : vector<16xf32>
      %parallel_loop3A_135 = arith.constant 11 : i32
      %parallel_loop3A_136 = arith.addi %parallel_loop3A_71, %parallel_loop3A_135 : i32
      %parallel_loop3A_137 = vector.broadcast %parallel_loop3A_136 : i32 to vector<16xi32>
      %parallel_loop3A_138 = arith.addi %mul3A_63, %parallel_loop3A_137 : vector<16xi32>
      %parallel_loop3A_139 = tpu.vector_load_idx %arg14[%parallel_loop3A_138] : memref<13312xf32, #tpu.memory_space<vmem>>[vector<16xi32>], vector<16xf32>,
      %parallel_loop3A_140 = arith.addf %parallel_loop3A_134, %parallel_loop3A_139 : vector<16xf32>
      %parallel_loop3A_141 = arith.constant 12 : i32
      %parallel_loop3A_142 = arith.addi %parallel_loop3A_71, %parallel_loop3A_141 : i32
      %parallel_loop3A_143 = vector.broadcast %parallel_loop3A_142 : i32 to vector<16xi32>
      %parallel_loop3A_144 = arith.addi %mul3A_63, %parallel_loop3A_143 : vector<16xi32>
      %parallel_loop3A_145 = tpu.vector_load_idx %arg14[%parallel_loop3A_144] : memref<13312xf32, #tpu.memory_space<vmem>>[vector<16xi32>], vector<16xf32>,
      %parallel_loop3A_146 = arith.addf %parallel_loop3A_140, %parallel_loop3A_145 : vector<16xf32>
      %parallel_loop3A_147 = arith.constant 13 : i32
      %parallel_loop3A_148 = arith.addi %parallel_loop3A_71, %parallel_loop3A_147 : i32
      %parallel_loop3A_149 = vector.broadcast %parallel_loop3A_148 : i32 to vector<16xi32>
      %parallel_loop3A_150 = arith.addi %mul3A_63, %parallel_loop3A_149 : vector<16xi32>
      %parallel_loop3A_151 = tpu.vector_load_idx %arg14[%parallel_loop3A_150] : memref<13312xf32, #tpu.memory_space<vmem>>[vector<16xi32>], vector<16xf32>,
      %parallel_loop3A_152 = arith.addf %parallel_loop3A_146, %parallel_loop3A_151 : vector<16xf32>
      %parallel_loop3A_153 = arith.constant 14 : i32
      %parallel_loop3A_154 = arith.addi %parallel_loop3A_71, %parallel_loop3A_153 : i32
      %parallel_loop3A_155 = vector.broadcast %parallel_loop3A_154 : i32 to vector<16xi32>
      %parallel_loop3A_156 = arith.addi %mul3A_63, %parallel_loop3A_155 : vector<16xi32>
      %parallel_loop3A_157 = tpu.vector_load_idx %arg14[%parallel_loop3A_156] : memref<13312xf32, #tpu.memory_space<vmem>>[vector<16xi32>], vector<16xf32>,
      %parallel_loop3A_158 = arith.addf %parallel_loop3A_152, %parallel_loop3A_157 : vector<16xf32>
      %parallel_loop3A_159 = arith.constant 15 : i32
      %parallel_loop3A_160 = arith.addi %parallel_loop3A_71, %parallel_loop3A_159 : i32
      %parallel_loop3A_161 = vector.broadcast %parallel_loop3A_160 : i32 to vector<16xi32>
      %parallel_loop3A_162 = arith.addi %mul3A_63, %parallel_loop3A_161 : vector<16xi32>
      %parallel_loop3A_163 = tpu.vector_load_idx %arg14[%parallel_loop3A_162] : memref<13312xf32, #tpu.memory_space<vmem>>[vector<16xi32>], vector<16xf32>,
      %parallel_loop3A_164 = arith.addf %parallel_loop3A_158, %parallel_loop3A_163 : vector<16xf32>
      %parallel_loop3A_165 = arith.constant 16 : i32
      %parallel_loop3A_166 = arith.addi %parallel_loop3A_71, %parallel_loop3A_165 : i32
      %parallel_loop3A_167 = vector.broadcast %parallel_loop3A_166 : i32 to vector<16xi32>
      %parallel_loop3A_168 = arith.addi %mul3A_63, %parallel_loop3A_167 : vector<16xi32>
      %parallel_loop3A_169 = tpu.vector_load_idx %arg14[%parallel_loop3A_168] : memref<13312xf32, #tpu.memory_space<vmem>>[vector<16xi32>], vector<16xf32>,
      %parallel_loop3A_170 = arith.addf %parallel_loop3A_164, %parallel_loop3A_169 : vector<16xf32>
      %parallel_loop3A_171 = arith.constant 17 : i32
      %parallel_loop3A_172 = arith.addi %parallel_loop3A_71, %parallel_loop3A_171 : i32
      %parallel_loop3A_173 = vector.broadcast %parallel_loop3A_172 : i32 to vector<16xi32>
      %parallel_loop3A_174 = arith.addi %mul3A_63, %parallel_loop3A_173 : vector<16xi32>
      %parallel_loop3A_175 = tpu.vector_load_idx %arg14[%parallel_loop3A_174] : memref<13312xf32, #tpu.memory_space<vmem>>[vector<16xi32>], vector<16xf32>,
      %parallel_loop3A_176 = arith.addf %parallel_loop3A_170, %parallel_loop3A_175 : vector<16xf32>
      %parallel_loop3A_177 = arith.constant 18 : i32
      %parallel_loop3A_178 = arith.addi %parallel_loop3A_71, %parallel_loop3A_177 : i32
      %parallel_loop3A_179 = vector.broadcast %parallel_loop3A_178 : i32 to vector<16xi32>
      %parallel_loop3A_180 = arith.addi %mul3A_63, %parallel_loop3A_179 : vector<16xi32>
      %parallel_loop3A_181 = tpu.vector_load_idx %arg14[%parallel_loop3A_180] : memref<13312xf32, #tpu.memory_space<vmem>>[vector<16xi32>], vector<16xf32>,
      %parallel_loop3A_182 = arith.addf %parallel_loop3A_176, %parallel_loop3A_181 : vector<16xf32>
      %parallel_loop3A_183 = arith.constant 19 : i32
      %parallel_loop3A_184 = arith.addi %parallel_loop3A_71, %parallel_loop3A_183 : i32
      %parallel_loop3A_185 = vector.broadcast %parallel_loop3A_184 : i32 to vector<16xi32>
      %parallel_loop3A_186 = arith.addi %mul3A_63, %parallel_loop3A_185 : vector<16xi32>
      %parallel_loop3A_187 = tpu.vector_load_idx %arg14[%parallel_loop3A_186] : memref<13312xf32, #tpu.memory_space<vmem>>[vector<16xi32>], vector<16xf32>,
      %parallel_loop3A_188 = arith.addf %parallel_loop3A_182, %parallel_loop3A_187 : vector<16xf32>
      %parallel_loop3A_189 = arith.constant 20 : i32
      %parallel_loop3A_190 = arith.addi %parallel_loop3A_71, %parallel_loop3A_189 : i32
      %parallel_loop3A_191 = vector.broadcast %parallel_loop3A_190 : i32 to vector<16xi32>
      %parallel_loop3A_192 = arith.addi %mul3A_63, %parallel_loop3A_191 : vector<16xi32>
      %parallel_loop3A_193 = tpu.vector_load_idx %arg14[%parallel_loop3A_192] : memref<13312xf32, #tpu.memory_space<vmem>>[vector<16xi32>], vector<16xf32>,
      %parallel_loop3A_194 = arith.addf %parallel_loop3A_188, %parallel_loop3A_193 : vector<16xf32>
      %parallel_loop3A_195 = arith.constant 21 : i32
      %parallel_loop3A_196 = arith.addi %parallel_loop3A_71, %parallel_loop3A_195 : i32
      %parallel_loop3A_197 = vector.broadcast %parallel_loop3A_196 : i32 to vector<16xi32>
      %parallel_loop3A_198 = arith.addi %mul3A_63, %parallel_loop3A_197 : vector<16xi32>
      %parallel_loop3A_199 = tpu.vector_load_idx %arg14[%parallel_loop3A_198] : memref<13312xf32, #tpu.memory_space<vmem>>[vector<16xi32>], vector<16xf32>,
      %parallel_loop3A_200 = arith.addf %parallel_loop3A_194, %parallel_loop3A_199 : vector<16xf32>
      %parallel_loop3A_201 = arith.constant 22 : i32
      %parallel_loop3A_202 = arith.addi %parallel_loop3A_71, %parallel_loop3A_201 : i32
      %parallel_loop3A_203 = vector.broadcast %parallel_loop3A_202 : i32 to vector<16xi32>
      %parallel_loop3A_204 = arith.addi %mul3A_63, %parallel_loop3A_203 : vector<16xi32>
      %parallel_loop3A_205 = tpu.vector_load_idx %arg14[%parallel_loop3A_204] : memref<13312xf32, #tpu.memory_space<vmem>>[vector<16xi32>], vector<16xf32>,
      %parallel_loop3A_206 = arith.addf %parallel_loop3A_200, %parallel_loop3A_205 : vector<16xf32>
      %parallel_loop3A_207 = arith.constant 23 : i32
      %parallel_loop3A_208 = arith.addi %parallel_loop3A_71, %parallel_loop3A_207 : i32
      %parallel_loop3A_209 = vector.broadcast %parallel_loop3A_208 : i32 to vector<16xi32>
      %parallel_loop3A_210 = arith.addi %mul3A_63, %parallel_loop3A_209 : vector<16xi32>
      %parallel_loop3A_211 = tpu.vector_load_idx %arg14[%parallel_loop3A_210] : memref<13312xf32, #tpu.memory_space<vmem>>[vector<16xi32>], vector<16xf32>,
      %parallel_loop3A_212 = arith.addf %parallel_loop3A_206, %parallel_loop3A_211 : vector<16xf32>
      %parallel_loop3A_213 = arith.constant 24 : i32
      %parallel_loop3A_214 = arith.addi %parallel_loop3A_71, %parallel_loop3A_213 : i32
      %parallel_loop3A_215 = vector.broadcast %parallel_loop3A_214 : i32 to vector<16xi32>
      %parallel_loop3A_216 = arith.addi %mul3A_63, %parallel_loop3A_215 : vector<16xi32>
      %parallel_loop3A_217 = tpu.vector_load_idx %arg14[%parallel_loop3A_216] : memref<13312xf32, #tpu.memory_space<vmem>>[vector<16xi32>], vector<16xf32>,
      %parallel_loop3A_218 = arith.addf %parallel_loop3A_212, %parallel_loop3A_217 : vector<16xf32>
      %parallel_loop3A_219 = arith.constant 25 : i32
      %parallel_loop3A_220 = arith.addi %parallel_loop3A_71, %parallel_loop3A_219 : i32
      %parallel_loop3A_221 = vector.broadcast %parallel_loop3A_220 : i32 to vector<16xi32>
      %parallel_loop3A_222 = arith.addi %mul3A_63, %parallel_loop3A_221 : vector<16xi32>
      %parallel_loop3A_223 = tpu.vector_load_idx %arg14[%parallel_loop3A_222] : memref<13312xf32, #tpu.memory_space<vmem>>[vector<16xi32>], vector<16xf32>,
      %parallel_loop3A_224 = arith.addf %parallel_loop3A_218, %parallel_loop3A_223 : vector<16xf32>
      %parallel_loop3A_225 = arith.constant 16 : i32
      %parallel_loop3A_226 = arith.muli %parallel_loop3A_69, %parallel_loop3A_225 : i32
      %parallel_loop3A_227 = arith.index_cast %parallel_loop3A_226 : i32 to index
      %parallel_loop3A_228 = tpu.vector_load %arg15[%parallel_loop3A_227] {strides = array<i32>} : memref<512xf32, #tpu.memory_space<vmem>>, vector<16xf32>,
      tpu.vector_store %arg15[%parallel_loop3A_227], %parallel_loop3A_224 {strides = array<i32>} : memref<512xf32, #tpu.memory_space<vmem>>, vector<16xf32>,
    } {sc.loop_unroll_factor = 2 : i64, sc.parallel_access}
    %mul3A_67 = arith.constant 512 : i32
    %mul3A_68 = arith.muli %add3A, %mul3A_67 : i32
    "tpu.region"() ({
      %run_scoped3A = tpu.sem_alloc : memref<!tpu.dma_semaphore, #tpu.memory_space<semaphore_mem>>
      %dma_start3A_69 = tpu.memref_slice %arg7[%mul3A_68] : memref<16384xf32, #tpu.memory_space<hbm>> -> memref<512xf32, #tpu.memory_space<hbm>>
      %dma_start3A_70 = tpu.memref_slice %arg7[%mul3A_68] : memref<16384xf32, #tpu.memory_space<hbm>> -> memref<512xf32, #tpu.memory_space<hbm>>
      tpu.enqueue_dma source(%arg15 : memref<512xf32, #tpu.memory_space<vmem>>) target(%dma_start3A_70 : memref<512xf32, #tpu.memory_space<hbm>>) target_semaphore(%run_scoped3A : memref<!tpu.dma_semaphore, #tpu.memory_space<semaphore_mem>>)
      %dma_wait3A_71 = tpu.memref_slice %arg7[%mul3A_68] : memref<16384xf32, #tpu.memory_space<hbm>> -> memref<512xf32, #tpu.memory_space<hbm>>
      %dma_wait3A_72 = tpu.memref_slice %arg7[%mul3A_68] : memref<16384xf32, #tpu.memory_space<hbm>> -> memref<512xf32, #tpu.memory_space<hbm>>
      tpu.wait_dma2 semaphore(%run_scoped3A : memref<!tpu.dma_semaphore, #tpu.memory_space<semaphore_mem>>) src(%arg15 : memref<512xf32, #tpu.memory_space<vmem>>) dst(%dma_wait3A_72 : memref<512xf32, #tpu.memory_space<hbm>>)
      tpu.yield
    }) : () -> ()
    return
  }
}

module attributes {stable_mosaic.version = 14 : i64} {
  func.func @_mlp_body(%arg0: i32, %arg1: memref<2048x416xbf16, #tpu.memory_space<vmem>>, %arg2: memref<2048x1xf32, #tpu.memory_space<vmem>>, %arg3: memref<416x128xbf16, #tpu.memory_space<vmem>>, %arg4: memref<1x128xf32, #tpu.memory_space<vmem>>, %arg5: memref<1x128xf32, #tpu.memory_space<vmem>>, %arg6: memref<1x1xf32, #tpu.memory_space<vmem>>, %arg7: memref<2048x1xf32, #tpu.memory_space<vmem>>) attributes {dimension_semantics = [#tpu.dimension_semantics<arbitrary>], iteration_bounds = array<i64: 8>, scalar_prefetch = 0 : i64, scratch_operands = 0 : i64, tpu.core_type = #tpu.core_type<tc>, window_params = [{transform_indices = @transform_0, window_bounds = array<i64: 2048, 416>}, {transform_indices = @transform_1, window_bounds = array<i64: 2048, 1>}, {pipeline_mode = #tpu.pipeline_mode<synchronous>, transform_indices = @transform_2, window_bounds = array<i64: 416, 128>}, {pipeline_mode = #tpu.pipeline_mode<synchronous>, transform_indices = @transform_3, window_bounds = array<i64: 1, 128>}, {pipeline_mode = #tpu.pipeline_mode<synchronous>, transform_indices = @transform_4, window_bounds = array<i64: 1, 128>}, {pipeline_mode = #tpu.pipeline_mode<synchronous>, transform_indices = @transform_5, window_bounds = array<i64: 1, 1>}, {transform_indices = @transform_6, window_bounds = array<i64: 2048, 1>}]} {
    %get3A = arith.constant 0 : index
    %get3A_0 = arith.constant 0 : index
    %get3A_1 = vector.load %arg1[%get3A, %get3A_0] : memref<2048x416xbf16, #tpu.memory_space<vmem>>, vector<2048x416xbf16>
    %get3A_2 = arith.constant 0 : index
    %get3A_3 = arith.constant 0 : index
    %get3A_4 = vector.load %arg3[%get3A_2, %get3A_3] : memref<416x128xbf16, #tpu.memory_space<vmem>>, vector<416x128xbf16>
    %dot_general3A = arith.constant dense<0.000000e+00> : vector<2048x128xf32>
    %dot_general3A_5 = tpu.matmul %get3A_1, %get3A_4, %dot_general3A {dimension_numbers = #tpu.dot_dimension_numbers<[1], [0], [0], [1], [0, 0, 1, 1], [], []>, transpose_lhs_hint = false} : vector<2048x416xbf16>, vector<416x128xbf16>, vector<2048x128xf32> -> vector<2048x128xf32>
    %get3A_6 = arith.constant 0 : index
    %get3A_7 = arith.constant 0 : index
    %get3A_8 = vector.load %arg4[%get3A_6, %get3A_7] : memref<1x128xf32, #tpu.memory_space<vmem>>, vector<1x128xf32>
    %add3A = vector.broadcast %get3A_8 : vector<1x128xf32> to vector<2048x128xf32>
    %add3A_9 = arith.addf %dot_general3A_5, %add3A : vector<2048x128xf32>
    %max3A = arith.constant 0.000000e+00 : f32
    %max3A_10 = vector.broadcast %max3A : f32 to vector<2048x128xf32>
    %max3A_11 = arith.maximumf %add3A_9, %max3A_10 : vector<2048x128xf32>
    %get3A_12 = arith.constant 0 : index
    %get3A_13 = arith.constant 0 : index
    %get3A_14 = vector.load %arg5[%get3A_12, %get3A_13] : memref<1x128xf32, #tpu.memory_space<vmem>>, vector<1x128xf32>
    %mul3A = vector.broadcast %get3A_14 : vector<1x128xf32> to vector<2048x128xf32>
    %mul3A_15 = arith.mulf %max3A_11, %mul3A : vector<2048x128xf32>
    %reduce_sum3A = arith.constant dense<0.000000e+00> : vector<2048xf32>
    %reduce_sum3A_16 = vector.multi_reduction <add>, %mul3A_15, %reduce_sum3A [1] : vector<2048x128xf32> to vector<2048xf32>
    %broadcast_in_dim3A = vector.shape_cast %reduce_sum3A_16 : vector<2048xf32> to vector<2048x1xf32>
    %get3A_17 = arith.constant 0 : index
    %get3A_18 = arith.constant 0 : index
    %get3A_19 = vector.load %arg2[%get3A_17, %get3A_18] : memref<2048x1xf32, #tpu.memory_space<vmem>>, vector<2048x1xf32>
    %add3A_20 = arith.addf %broadcast_in_dim3A, %get3A_19 : vector<2048x1xf32>
    %get3A_21 = arith.constant 0 : index
    %get3A_22 = arith.constant 0 : index
    %get3A_23 = vector.load %arg6[%get3A_21, %get3A_22] : memref<1x1xf32, #tpu.memory_space<vmem>>, vector<1x1xf32>
    %add3A_24 = vector.broadcast %get3A_23 : vector<1x1xf32> to vector<2048x1xf32>
    %add3A_25 = arith.addf %add3A_20, %add3A_24 : vector<2048x1xf32>
    %logistic3A = arith.negf %add3A_25 : vector<2048x1xf32>
    %logistic3A_26 = math.exp %logistic3A : vector<2048x1xf32>
    %logistic3A_27 = arith.constant 1.000000e+00 : f32
    %logistic3A_28 = vector.broadcast %logistic3A_27 : f32 to vector<2048x1xf32>
    %logistic3A_29 = arith.addf %logistic3A_28, %logistic3A_26 : vector<2048x1xf32>
    %logistic3A_30 = arith.divf %logistic3A_28, %logistic3A_29 : vector<2048x1xf32>
    %swap3A = arith.constant 0 : index
    %swap3A_31 = arith.constant 0 : index
    %swap3A_32 = vector.load %arg7[%swap3A, %swap3A_31] : memref<2048x1xf32, #tpu.memory_space<vmem>>, vector<2048x1xf32>
    tpu.vector_store %arg7[%swap3A, %swap3A_31], %logistic3A_30 {strides = array<i32>} : memref<2048x1xf32, #tpu.memory_space<vmem>>, vector<2048x1xf32>,
    return
  }
  func.func @transform_0(%arg0: i32) -> (i32, i32) {
    %c0_i32 = arith.constant 0 : i32
    %c0_i32_0 = arith.constant 0 : i32
    return %arg0, %c0_i32 : i32, i32
  }
  func.func @transform_1(%arg0: i32) -> (i32, i32) {
    %c0_i32 = arith.constant 0 : i32
    %c0_i32_0 = arith.constant 0 : i32
    return %arg0, %c0_i32 : i32, i32
  }
  func.func @transform_2(%arg0: i32) -> (i32, i32) {
    %c0_i32 = arith.constant 0 : i32
    %c0_i32_0 = arith.constant 0 : i32
    %c0_i32_1 = arith.constant 0 : i32
    return %c0_i32, %c0_i32_0 : i32, i32
  }
  func.func @transform_3(%arg0: i32) -> (i32, i32) {
    %c0_i32 = arith.constant 0 : i32
    %c0_i32_0 = arith.constant 0 : i32
    %c0_i32_1 = arith.constant 0 : i32
    return %c0_i32, %c0_i32_0 : i32, i32
  }
  func.func @transform_4(%arg0: i32) -> (i32, i32) {
    %c0_i32 = arith.constant 0 : i32
    %c0_i32_0 = arith.constant 0 : i32
    %c0_i32_1 = arith.constant 0 : i32
    return %c0_i32, %c0_i32_0 : i32, i32
  }
  func.func @transform_5(%arg0: i32) -> (i32, i32) {
    %c0_i32 = arith.constant 0 : i32
    %c0_i32_0 = arith.constant 0 : i32
    %c0_i32_1 = arith.constant 0 : i32
    return %c0_i32, %c0_i32_0 : i32, i32
  }
  func.func @transform_6(%arg0: i32) -> (i32, i32) {
    %c0_i32 = arith.constant 0 : i32
    %c0_i32_0 = arith.constant 0 : i32
    return %arg0, %c0_i32 : i32, i32
  }
}

</mosaic_0001>

<sc_bundles>
// kernel: kernel.5.cloned.1.call-start
scs
__scs_entry_jumppad:
0x0: {  	(pc) =	sbr.rel $0x88, $3  }
0x1: {  	(tag) =	ssettag $0x0;
	lr =	simm.s32 $0x1  }
0x2: {  	[smem:$0x3F99] =	sst lr;
	_ =	strace $0xD0000000  }
0x3: {  	_ = 	snop  }
0x4: {  	_ = 	snop  }
0x5: {  	_ = 	snop  }
0x6: {  	_ = 	snop  }
0x7: {  	_ = 	snop  }
__scs_overlays_trampoline_lowered:
0x8: {  	[smem:$0x3FA8] =	sst s0  }
0x9: {  	[smem:$0x3FA9] =	sst s1  }
0xa: {  	[smem:$0x3FAA] =	sst s2  }
0xb: {  	[smem:$0x3FAB] =	sst s3  }
0xc: {  	[smem:$0x3FAC] =	sst s4  }
0xd: {  	[smem:$0x3FAD] =	sst s5  }
0xe: {  	[smem:$0x3FAE] =	sst s6  }
0xf: {  	[smem:$0x3FAF] =	sst s7  }
0x10: {  	[smem:$0x3FB0] =	sst s8  }
0x11: {  	[smem:$0x3FB1] =	sst s9;
	s0 =	simm.s32 @!p0 $0x0  }
0x12: {  	s1 =	sld [smem:$0x3F97];
	s0 =	simm.s32 @p0 $0x1  }
0x13: {  	[smem:$0x3FB2] =	sst s0;
	s0 =	simm.s32 @!p1 $0x0  }
0x14: {  	s2 =	sld [smem:$0x3F96];
	s0 =	simm.s32 @p1 $0x1  }
0x15: {  	[smem:$0x3FB3] =	sst s0;
	s0 =	simm.s32 @!p2 $0x0  }
0x16: {  	s3 =	sld [smem:$0x3FDB];
	s0 =	simm.s32 @p2 $0x1  }
0x17: {  	s4 =	simm.s32 $0x1BF5;
	[smem:$0x3FB5] =	sst s0  }
0x18: {  	s0 =	sld [smem:$0x3F98];
	_ =	swait.ge [sflag:s4], $0x0  }
0x19: {  	s7 =	sld [smem:$0x3F99]  }
0x1a: {  	s8 =	sadd.s32 $0xFFFFE003, lr  }
0x1b: {  	s9 =	sadd.s32 $0xFFFFFEF7, lr;
	s5 =	simm.s32 $0xFFFFFFFF;
	p2 =	slt.u32 s8, $0xFFFFF086  }
0x1c: {  	p1 =	slt.u32 s9, $0xF7A;
	s5 =	simm.s32 @!p2 $0x0  }
0x1d: {  	s5 =	simm.s32 @p1 $0x1;
	p0 =	seq.s32 s7, s2  }
0x1e: {  	s7 =	smul.u32 @!p0 $0xF7A, s2;
	p2 =	seq.s32 @!p0 s5, $0x0  }
0x1f: {  	s9 =	smul.u32 $0xF7A, s1;
	s8 =	simm.s32 @!p0 $0x1BF5;
	p2 =	por !p2, p0  }
0x20: {  	[sflag:s8] =	ssyncset.s32 @!p0 $0xFFFFF086;
	s6 =	sadd.s32 @!p0 s3, s7;
	s7 =	simm.s32 @!p0 $0x108  }
0x21: {  	s3 =	sadd.s32 s3, s9;
	s6 =	sadd.s32 @!p0 $0x88, s6;
	s7 =	simm.s32 @p2 $0x1082  }
0x22: {  	[simem:s7], [sflag:s8] =	dma.local @!p0 [hbm:s6], $0xF7A  }
0x23: {  	s9 =	sor.u32 $0xD0000000, s2;
	s6 =	simm.s32 $0x108;
	_ =	swait.ge @!p0 [sflag:s8], $0x0  }
0x24: {  	s3 =	sadd.s32 $0x88, s3;
	s6 =	simm.s32 @!p1 $0x1082;
	[sflag:s4] =	ssyncset.s32 $0xFFFFF086  }
0x25: {  	[simem:s6], [sflag:s4] =	dma.local [hbm:s3], $0xF7A  }
0x26: {  	[smem:$0x3F99] =	sst s1;
	(tag) =	ssettag s2;
	_ =	strace s9  }
0x27: {  	s1 =	sld [smem:$0x3FA9]  }
0x28: {  	s2 =	sld [smem:$0x3FAA]  }
0x29: {  	s4 =	sld [smem:$0x3FAC]  }
0x2a: {  	p0 =	seq.s32 s5, $0x0;
	s5 =	sld [smem:$0x3FAD]  }
0x2b: {  	s6 =	sld [smem:$0x3FAE]  }
0x2c: {  	s7 =	sld [smem:$0x3FAF]  }
0x2d: {  	s3 =	simm.s32 $0x108;
	s8 =	sld [smem:$0x3FB0]  }
0x2e: {  	s3 =	simm.s32 @!p0 $0x1082;
	s9 =	sld [smem:$0x3FB1]  }
0x2f: {  	lr =	sadd.s32 s0, s3;
	s0 =	sld [smem:$0x3FA8]  }
0x30: {  	s3 =	sld [smem:$0x3FAB]  }
0x31: {  	[smem:$0x3FB4] =	sst s10  }
0x32: {  	s10 =	sld [smem:$0x3FB2];
	_ =	sdelay $0x3  }
0x33: {  	p0 =	seq.s32 s10, $0x1;
	s10 =	sld [smem:$0x3FB4];
	_ =	sdelay $0x3  }
0x34: {  	[smem:$0x3FB4] =	sst s10  }
0x35: {  	s10 =	sld [smem:$0x3FB3];
	_ =	sdelay $0x3  }
0x36: {  	p1 =	seq.s32 s10, $0x1;
	s10 =	sld [smem:$0x3FB4];
	_ =	sdelay $0x3  }
0x37: {  	[smem:$0x3FB4] =	sst s10  }
0x38: {  	s10 =	sld [smem:$0x3FB5]  }
0x39: {  	_ = 	snop;
	(pc) =	sbr.ind lr, $3  }
0x3a: {  	_ = 	snop  }
0x3b: {  	_ = 	snop  }
0x3c: {  	p2 =	seq.s32 s10, $0x1;
	s10 =	sld [smem:$0x3FB4]  }
0x3d: {  	_ =	shalt  }
0x3e: {  	_ =	shalt  }
0x3f: {  	_ =	shalt  }
0x40: {  	_ =	shalt  }
0x41: {  	_ =	shalt  }
0x42: {  	_ =	shalt  }
0x43: {  	_ =	shalt  }
0x44: {  	_ =	shalt  }
0x45: {  	_ =	shalt  }
0x46: {  	_ =	shalt  }
0x47: {  	_ =	shalt  }
0x48: {  	_ =	shalt  }
0x49: {  	_ =	shalt  }
0x4a: {  	_ =	shalt  }
0x4b: {  	_ =	shalt  }
0x4c: {  	_ =	shalt  }
0x4d: {  	_ =	shalt  }
0x4e: {  	_ =	shalt  }
0x4f: {  	_ =	shalt  }
0x50: {  	_ =	shalt  }
0x51: {  	_ =	shalt  }
0x52: {  	_ =	shalt  }
0x53: {  	_ =	shalt  }
0x54: {  	_ =	shalt  }
0x55: {  	_ =	shalt  }
0x56: {  	_ =	shalt  }
0x57: {  	_ =	shalt  }
0x58: {  	_ =	shalt  }
0x59: {  	_ =	shalt  }
0x5a: {  	_ =	shalt  }
0x5b: {  	_ =	shalt  }
0x5c: {  	_ =	shalt  }
0x5d: {  	_ =	shalt  }
0x5e: {  	_ =	shalt  }
0x5f: {  	_ =	shalt  }
0x60: {  	_ =	shalt  }
0x61: {  	_ =	shalt  }
0x62: {  	_ =	shalt  }
0x63: {  	_ =	shalt  }
0x64: {  	_ =	shalt  }
0x65: {  	_ =	shalt  }
0x66: {  	_ =	shalt  }
0x67: {  	_ =	shalt  }
0x68: {  	_ =	shalt  }
0x69: {  	_ =	shalt  }
0x6a: {  	_ =	shalt  }
0x6b: {  	_ =	shalt  }
0x6c: {  	_ =	shalt  }
0x6d: {  	_ =	shalt  }
0x6e: {  	_ =	shalt  }
0x6f: {  	_ =	shalt  }
0x70: {  	_ =	shalt  }
0x71: {  	_ =	shalt  }
0x72: {  	_ =	shalt  }
0x73: {  	_ =	shalt  }
0x74: {  	_ =	shalt  }
0x75: {  	_ =	shalt  }
0x76: {  	_ =	shalt  }
0x77: {  	_ =	shalt  }
0x78: {  	_ =	shalt  }
0x79: {  	_ =	shalt  }
0x7a: {  	_ =	shalt  }
0x7b: {  	_ =	shalt  }
0x7c: {  	_ =	shalt  }
0x7d: {  	_ =	shalt  }
0x7e: {  	_ =	shalt  }
0x7f: {  	_ =	shalt  }
0x80: {  	_ =	shalt  }
0x81: {  	_ =	shalt  }
0x82: {  	_ =	shalt  }
0x83: {  	_ =	shalt  }
0x84: {  	_ =	shalt  }
0x85: {  	_ =	shalt  }
0x86: {  	_ =	shalt  }
0x87: {  	_ =	shalt  }
.Lfunc_end0:
.L_simem_size_0:
called_computation_lowered:
.L_overlay_start_0:
0x88: {  	s2 =	sld [smem:$0x3FD9]  }
0x89: {  	s3 =	sld [smem:$0x3FFE];
	_ =	sdelay $0x1  }
0x8a: {  	s1 =	srdreg.scid  }
0x8b: {  	s0 =	sand.u32 $0x1, s1  }
0x8c: {  	s17 =	sshll.u32 s0, $0xA;
	s2 =	sadd.s32 s3, s2  }
0x8d: {  	s2 =	sadd.s32 s2, s17  }
0x8e: {  	[smem:$0x3FC0] =	sst s2  }
0x8f: {  	_ = 	snop  }
0x90: {  	s2 =	sld [smem:$0x3FC8]  }
0x91: {  	s18 =	sld [smem:$0x3FD0];
	(tm) =	ssettm $0x1  }
0x92: {  	s4 =	sld [smem:$0x3FFB];
	_ =	sdelay $0x3  }
0x93: {  	_ =	strace s4  }
0x94: {  	s4 =	sld [smem:$0x3FFC];
	_ =	sdelay $0x3  }
0x95: {  	_ =	strace s4  }
0x96: {  	s4 =	sld [smem:$0x3FFD];
	_ =	sdelay $0x3  }
0x97: {  	_ =	strace s4  }
0x98: {  	_ =	strace $0x8FFFFFFF  }
0x99: {  	s19 =	sld [smem:$0x3FDB];
	_ =	sdelay $0x1  }
0x9a: {  	s5 =	simm.s32 $_scs_section_size  }
0x9b: {  	s6 =	simm.s32 $_size__tile_overlayer_lowered;
	s7 =	simm.s32 $_tile_overlayer_lowered  }
0x9c: {  	s22 =	simm.s32 $0x1BFF;
	s21 =	sshll.u32 s7, $0x1;
	s4 =	sadd.s32 s5, s19  }
0x9d: {  	s8 =	simm.s32 $0x0;
	s20 =	sshll.u32 s6, $0x1;
	s6 =	sadd.s32 s21, s4  }
0x9e: {  	[timem:s8], [sflag:s22] =	dma.local [hbm:s6], s20  }
0x9f: {  	_ =	swait.ge [sflag:s22], s20  }
0xa0: {  	s5 =	ssub.s32 $0x0, s20;
	[sflag:s22] =	ssyncset.done $0x0  }
0xa1: {  	[sflag:s22] =	ssyncadd.s32 s5;
	_ =	sdelay $0x1  }
0xa2: {  	s23 =	simm.s32 $0x1B8B  }
0xa3: {  	_ =	swait.ge [sflag:s23], $0x1  }
0xa4: {  	[sflag:s23] =	ssyncset.done $0x0  }
0xa5: {  	s25 =	simm.s32 $0x1B8E;
	s24 =	sld [smem:$0x3FFE];
	[sflag:s23] =	ssyncadd.s32 $0xFFFFFFFF  }
0xa6: {  	s26 =	simm.s32 $execute0_lowered;
	[smem:$0x3FD2] =	sst s25  }
0xa7: {  	s6 =	sshll.u32 s26, $0x1;
	_ =	strace $0x80000046;
	[dreg:$0x1] =	wrdreg $0xFFFFFFFF  }
0xa8: {  	s28 =	simm.s32 $_size_execute0_lowered;
	s4 =	sadd.s32 s4, s6;
	[dreg:$0x0] =	wrdreg $0x0  }
0xa9: {  	s6 =	sshll.u32 s28, $0x1;
	[dreg:$0x2] =	wrdreg s4  }
0xaa: {  	[dreg:$0x3] =	wrdreg s6  }
0xab: {  	[dreg:$0x4] =	wrdreg $0xC0  }
0xac: {  	_ =	task [dreg:s8], $0x5FFFF  }
0xad: {  	[dreg:$0x1] =	wrdreg $0xFFFFFFFF  }
0xae: {  	[dreg:$0x0] =	wrdreg $0x60  }
0xaf: {  	[dreg:$0x2] =	wrdreg s2  }
0xb0: {  	[dreg:$0x3] =	wrdreg s18  }
0xb1: {  	[dreg:$0x4] =	wrdreg s24  }
0xb2: {  	[dreg:$0x5] =	wrdreg $0x9  }
0xb3: {  	_ =	task.clear_ibuf [dreg:s8], $0x6FFFF;
	_ =	strace $0x90000046  }
0xb4: {  	s29 =	simm.s32 $0x9;
	_ =	strace $0x80000048  }
0xb5: {  	_ =	swait.ge [sflag:s29], $0x1  }
0xb6: {  	[sflag:s29] =	ssyncadd.s32 $0xFFFFFFFF  }
0xb7: {  	_ =	strace $0x90000048  }
0xb8: {  	_ =	sfence  }
0xb9: {  	s30 =	sld [smem:$0x0];
	_ =	sdelay $0x2  }
0xba: {  	s31 =	sshll.u32 s1, $0xD;
	s1 =	sshrl.u32 s1, $0x2  }
0xbb: {  	s3 =	sand.u32 $0x4000, s31;
	s1 =	sadd.s32 s1, s30  }
0xbc: {  	s0 =	sor.u32 s3, s0;
	s1 =	sshll.u32 s1, $0x11  }
0xbd: {  	s0 =	sor.u32 s1, s0  }
0xbe: {  	s0 =	sadd.s32 $0x8F2B, s0  }
0xbf: {  	[sflag:s0] =	ssyncadd.remote.s32 $0x1  }
0xc0: {  	_ =	sfence.sel $0xFFFF  }
0xc1: {  	[dreg:$0x0] =	wrdreg $0xFFFFFFFF;
	(pc) =	sbr.abs _section_cstart, $3  }
0xc2: {  	[dreg:$0x1] =	wrdreg $0xFFFFFFFF  }
0xc3: {  	_ =	task.clear_ibuf [dreg:s8], $0x2FFFF;
	_ =	strace $0x9FFFFFFF  }
0xc4: {  	(tm) =	ssettm $0x7FFFFFFF  }
0xc5: {  	_ =	shalt  }
tec
execute0_lowered:
.L_overlay_start_1:
0x0: {  	(tag) =	ssettag $0x1  }
0x1: {  	s1 =	rddreg [dreg:$0x0]  }
0x2: {  	s0 =	srdreg.scid;
	s2 =	stileid.u32  }
0x3: {  	s3 =	rddreg [dreg:$0x2];
	s4 =	simm.s32 $0x0;
	s15 =	simm.s32 $0x1  }
0x4: {  	s16 =	simm.s32 $0x8000;
	s0 =	sand.u32 $0x1, s0;
	s2 =	sshll.u32 s2, $0x1  }
0x5: {  	s17 =	simm.s32 $0x2;
	s18 =	simm.s32 $0xA000;
	s2 =	sor.u32 s0, s2  }
0x6: {  	[smem:$0x7FF] =	sst s4;
	s0 =	ssub.s32 $0x2, s0;
	s5 =	smul.u32 $0x4F, s2  }
0x7: {  	_ =	strace $0x80000047;
	s6 =	smin.u32 s2, $0xB;
	s7 =	sshrl.u32 s0, $0x1  }
0x8: {  	v0 =	vlaneseq.u32;
	p0 =	slt.u32 s2, $0xB;
	s0 =	ssub.s32 s0, s7;
	s5 =	sadd.s32 s6, s5  }
.Ltmp0:
0x9: {  	v0 =	vmul.u32 $0x8, v0;
	s6 =	sadd.s32 $0x1400, s3;
	s3 =	sadd.s32 $0x27C000, s3;
	(pc) =	sbr.rel .LBB2_1-.Ltmp0, $4  }
0xa: {  	v1 =	vimm.s32 $0x0;
	vm0 =	vcmask $0x300;
	s0 =	smax.u32 s0, $0x1;
	s8 =	sshll.u32 s5, $0xA;
	[dreg:$0x6] =	wrdreg s3  }
0xb: {  	v1 =	vsel vm0, $0x7, v1;
	v2 =	vor.u32 $0x1, v0;
	s7 =	simm.s32 $0x50;
	[dreg:$0x7] =	wrdreg s0;
	s8 =	sadd.s32 s1, s8  }
0xc: {  	v3 =	vor.u32 $0x2, v0;
	v4 =	vor.u32 $0x3, v0;
	v5 =	vor.u32 $0x4, v0;
	s7 =	simm.s32 @!p0 $0x4F;
	[dreg:$0x4] =	wrdreg s8;
	s8 =	sadd.s32 $0x400, s8  }
0xd: {  	v6 =	vor.u32 $0x5, v0;
	v7 =	vor.u32 $0x6, v0;
	v8 =	vor.u32 $0x7, v0;
	p0 =	sne.s32 s2, $0x1F;
	s2 =	simm.s32 $0x0;
	[dreg:$0x5] =	wrdreg s8  }
.LBB2_11:
0xe: {  	s0 =	simm.s32 $0x3  }
0xf: {  	_ =	swait.ge [sflag:s0], $0x2000  }
0x10: {  	[sflag:s0] =	ssyncset.done $0x0  }
0x11: {  	s29 =	simm.s32 $0x4;
	[sflag:s0] =	ssyncadd.s32 $0xFFFFE000  }
0x12: {  	_ =	swait.ge [sflag:s29], $0x2000  }
0x13: {  	[sflag:s29] =	ssyncset.done $0x0  }
0x14: {  	[sflag:s29] =	ssyncadd.s32 $0xFFFFE000  }
0x15: {  	s2 =	simm.s32 @!p0 $0x8000;
	s0 =	simm.s32 @!p0 $0x0;
	s3 =	rddreg [dreg:$0x1]  }
0x16: {  	[tilespmem:s2], [sflag:$0x5] =	stream.linear.gather @!p0 [hbm4b:s3+s0], $0x200, $0x38;
	[tilespmem:$0xC000] =	vst v63  }
0x17: {  	s3 =	simm.s32 @!p0 $0x5  }
0x18: {  	_ =	swait.ge @!p0 [sflag:s3], $0x200  }
0x19: {  	[sflag:s3] =	ssyncset.done @!p0 $0x0  }
0x1a: {  	s8 =	rddreg [dreg:$0x6];
	[sflag:s3] =	ssyncadd.s32 @!p0 $0xFFFFFE00  }
0x1b: {  	[hbm4b:s8+s0] =	stream.linear.scatter @!p0 [tilespmem:s2], [sflag:$0x5], $0x200, $0x38;
	[tilespmem:$0xC000] =	vst v63  }
0x1c: {  	_ =	swait.ge @!p0 [sflag:s3], $0x200  }
0x1d: {  	s30 =	rddreg [dreg:$0x8]  }
0x1e: {  	s31 =	rddreg [dreg:$0x7];
	s2 =	sadd.s32 $0x1, s30  }
0x1f: {  	p1 =	sne.s32 s2, s31  }
.Ltmp1:
0x20: {  	_ = 	snop;
	(pc) =	sbr.rel @!p1 .LBB2_12-.Ltmp1, $3  }
0x21: {  	_ =	sdelay $0x1  }
0x22: {  	[sflag:s3] =	ssyncset.done @!p0 $0x0  }
0x23: {  	[sflag:s3] =	ssyncadd.s32 @!p0 $0xFFFFFE00  }
.LBB2_1:
.Ltmp2:
0x24: {  	[dreg:$0x8] =	wrdreg s2;
	(pc) =	sbr.rel .LBB2_2-.Ltmp2, $4  }
0x25: {  	s0 =	rddreg [dreg:$0x4];
	s30 =	simm.s32 $0x2000;
	s3 =	simm.s32 $0x13D6400  }
0x26: {  	[tilespmem:s4], [sflag:$0x1] =	stream.strided.gather [hbm4b:s0+s30], $0x4000, s3, s30, $0x38;
	[tilespmem:$0xC000] =	vst v63  }
0x27: {  	s31 =	rddreg [dreg:$0x5];
	s8 =	simm.s32 $0x4000;
	s22 =	simm.s32 $0x0  }
0x28: {  	[tilespmem:s8], [sflag:$0x2] =	stream.strided.gather [hbm4b:s31+s30], $0x4000, s3, s30, $0x38;
	[tilespmem:$0xC000] =	vst v63  }
.LBB2_10:
0x29: {  	s22 =	sadd.s32 $0x1, s22  }
0x2a: {  	p1 =	sne.s32 s22, $0x28  }
.Ltmp3:
0x2b: {  	_ = 	snop;
	(pc) =	sbr.rel @!p1 .LBB2_11-.Ltmp3, $1  }
0x2c: {  	_ =	sdelay $0x3  }
.LBB2_2:
0x2d: {  	s23 =	sshll.u32 s22, $0x1  }
0x2e: {  	p2 =	sge.u32 s23, s7  }
.Ltmp4:
0x2f: {  	_ = 	snop;
	(pc) =	sbr.rel @p2 .LBB2_6-.Ltmp4, $2  }
0x30: {  	_ =	sdelay $0x2  }
0x31: {  	p1 =	seq.s32 s22, $0x0  }
0x32: {  	_ =	swait.ge [sflag:s15], $0x4000  }
0x33: {  	[sflag:s15] =	ssyncset.done $0x0  }
0x34: {  	s0 =	simm.s32 @!p1 $0x3;
	s2 =	simm.s32 $0x80;
	[sflag:s15] =	ssyncadd.s32 $0xFFFFC000  }
0x35: {  	s3 =	simm.s32 $0x0;
	s10 =	simm.s32 $0x10;
	v9 =	vmov s2;
	_ =	swait.ge @!p1 [sflag:s0], $0x2000  }
0x36: {  	s9 =	sand.u32 $0x1C00, s3;
	s24 =	sand.u32 $0x70, s10;
	v9 =	vshrl.u32 v9, $0x7;
	[sflag:s0] =	ssyncset.done @!p1 $0x0  }
0x37: {  	s21 =	sor.u32 s24, s9;
	v9 =	vshll.u32 v9, v1;
	[sflag:s0] =	ssyncadd.s32 @!p1 $0xFFFFE000  }
0x38: {  	v9 =	vbroadcast v9, $0x0;
	v10 =	vld [tilespmem:s21+$0x0]  }
0x39: {  	s26 =	simm.s32 $0x0;
	v11 =	vmov s3;
	v12 =	vld [tilespmem:s21+$0x80]  }
0x3a: {  	s25 =	sand.u32 $0x60, s26;
	v11 =	vshrl.u32 v11, $0x7;
	v13 =	vor.u32 v0, v9  }
0x3b: {  	s11 =	sor.u32 s25, s9;
	v11 =	vshll.u32 v11, v1  }
0x3c: {  	v11 =	vbroadcast v11, $0x0;
	v14 =	vld [tilespmem:s11+$0x0]  }
0x3d: {  	v15 =	vld [tilespmem:s11+$0x80]  }
0x3e: {  	v16 =	vor.u32 v0, v11;
	v10 =	vpack.i.f32.bf16 v12, v10  }
0x3f: {  	[tilespmem:v13+s16+$0x0] =	vst.idx.msk $0xffff, v10  }
0x40: {  	v10 =	vld [tilespmem:s21+$0x100]  }
0x41: {  	v12 =	vld [tilespmem:s21+$0x180]  }
0x42: {  	v13 =	vpack.i.f32.bf16 v15, v14;
	v14 =	vor.u32 v2, v9  }
0x43: {  	[tilespmem:v16+s16+$0x0] =	vst.idx.msk $0xffff, v13  }
0x44: {  	v13 =	vld [tilespmem:s11+$0x100]  }
0x45: {  	v15 =	vld [tilespmem:s11+$0x180]  }
0x46: {  	v16 =	vor.u32 v2, v11;
	v10 =	vpack.i.f32.bf16 v12, v10  }
0x47: {  	[tilespmem:v14+s16+$0x0] =	vst.idx.msk $0xffff, v10  }
0x48: {  	v10 =	vld [tilespmem:s21+$0x200]  }
0x49: {  	v12 =	vld [tilespmem:s21+$0x280]  }
0x4a: {  	v13 =	vpack.i.f32.bf16 v15, v13;
	v14 =	vor.u32 v3, v9  }
0x4b: {  	s31 =	sand.u32 $0x7, s3;
	[tilespmem:v16+s16+$0x0] =	vst.idx.msk $0xffff, v13  }
0x4c: {  	s0 =	sshll.u32 s31, $0x4;
	v13 =	vld [tilespmem:s11+$0x200]  }
0x4d: {  	s0 =	sadd.s32 $0x0, s0;
	v15 =	vld [tilespmem:s11+$0x280]  }
0x4e: {  	s0 =	sadd.s32 $0x10, s0;
	v16 =	vor.u32 v3, v11;
	v10 =	vpack.i.f32.bf16 v12, v10  }
0x4f: {  	s10 =	sor.u32 s10, s3;
	s0 =	sor.u32 $0x300, s0;
	[tilespmem:v14+s16+$0x0] =	vst.idx.msk $0xffff, v10  }
0x50: {  	s8 =	sand.u32 $0x3, s3;
	s10 =	sor.u32 $0x380, s10;
	v10 =	vld [tilespmem:s0+$0x0]  }
0x51: {  	s11 =	sshll.u32 s8, $0x5;
	v12 =	vld [tilespmem:s10+$0x0]  }
0x52: {  	s13 =	simm.s32 $0x180;
	s30 =	simm.s32 $0x100;
	s11 =	sadd.s32 $0x0, s11;
	v13 =	vpack.i.f32.bf16 v15, v13;
	v14 =	vor.u32 v4, v9  }
0x53: {  	s3 =	sor.u32 s26, s3;
	s2 =	simm.s32 $0x30;
	s12 =	sor.u32 $0x300, s11;
	[tilespmem:v16+s16+$0x0] =	vst.idx.msk $0xffff, v13;
	v13 =	vmov s13  }
0x54: {  	s29 =	sand.u32 $0x1C00, s30;
	s3 =	sor.u32 $0x380, s3;
	s26 =	sand.u32 $0x70, s2;
	v15 =	vld [tilespmem:s12+$0x0];
	v13 =	vshrl.u32 v13, $0x7  }
0x55: {  	s0 =	sor.u32 s26, s29;
	v16 =	vld [tilespmem:s3+$0x0];
	v13 =	vshll.u32 v13, v1  }
0x56: {  	s14 =	sor.u32 $0x2000, s9;
	v17 =	vor.u32 v4, v11;
	v18 =	vld [tilespmem:s0+$0x0];
	v12 =	vpack.i.f32.bf16 v12, v10;
	v10 =	vbroadcast v13, $0x0  }
0x57: {  	s19 =	sor.u32 s24, s14;
	s10 =	simm.s32 $0x20;
	s12 =	sor.u32 $0x2080, s9;
	v13 =	vmov s30;
	[tilespmem:v14+s16+$0x0] =	vst.idx.msk $0xffff, v12;
	v12 =	vld [tilespmem:s0+$0x80]  }
0x58: {  	s28 =	sand.u32 $0x60, s10;
	s13 =	sor.u32 s24, s12;
	v13 =	vshrl.u32 v13, $0x7;
	v14 =	vor.u32 v0, v10;
	v19 =	vld [tilespmem:s19+$0x0]  }
0x59: {  	s11 =	sor.u32 s28, s29;
	v13 =	vshll.u32 v13, v1;
	v20 =	vld [tilespmem:s13+$0x0]  }
0x5a: {  	v23 =	vbroadcast v13, $0x0;
	v13 =	vpack.i.f32.bf16 v16, v15;
	v15 =	vld [tilespmem:s11+$0x0];
	v16 =	vor.u32 v5, v9  }
0x5b: {  	s3 =	sor.u32 s25, s14;
	[tilespmem:v17+s16+$0x0] =	vst.idx.msk $0xffff, v13;
	v13 =	vld [tilespmem:s11+$0x80]  }
0x5c: {  	s12 =	sor.u32 s25, s12;
	v17 =	vor.u32 v0, v23;
	v12 =	vpack.i.f32.bf16 v12, v18;
	v18 =	vld [tilespmem:s3+$0x0]  }
0x5d: {  	[tilespmem:v14+s16+$0x0] =	vst.idx.msk $0xffff, v12;
	v12 =	vld [tilespmem:s12+$0x0]  }
0x5e: {  	s20 =	sor.u32 $0x2100, s9;
	v14 =	vor.u32 v5, v11;
	v19 =	vpack.i.f32.bf16 v20, v19;
	v21 =	vld [tilespmem:s0+$0x100]  }
0x5f: {  	s31 =	sor.u32 s24, s20;
	s21 =	sor.u32 $0x2180, s9;
	v20 =	vld [tilespmem:s0+$0x180];
	[tilespmem:v16+s16+$0x0] =	vst.idx.msk $0xffff, v19  }
0x60: {  	s8 =	sor.u32 s24, s21;
	v13 =	vpack.i.f32.bf16 v13, v15;
	v15 =	vor.u32 v2, v10;
	v16 =	vld [tilespmem:s31+$0x0]  }
0x61: {  	[tilespmem:v17+s16+$0x0] =	vst.idx.msk $0xffff, v13;
	v13 =	vld [tilespmem:s8+$0x0]  }
0x62: {  	v17 =	vld [tilespmem:s11+$0x100];
	v12 =	vpack.i.f32.bf16 v12, v18;
	v18 =	vor.u32 v6, v9  }
0x63: {  	s3 =	sor.u32 s25, s20;
	v19 =	vld [tilespmem:s11+$0x180];
	[tilespmem:v14+s16+$0x0] =	vst.idx.msk $0xffff, v12  }
0x64: {  	s12 =	sor.u32 s25, s21;
	v12 =	vor.u32 v2, v23;
	v14 =	vpack.i.f32.bf16 v20, v21;
	v20 =	vld [tilespmem:s3+$0x0]  }
0x65: {  	[tilespmem:v15+s16+$0x0] =	vst.idx.msk $0xffff, v14;
	v14 =	vld [tilespmem:s12+$0x0]  }
0x66: {  	s14 =	simm.s32 $0x1;
	s19 =	sor.u32 $0x2200, s9;
	v15 =	vor.u32 v6, v11;
	v21 =	vld [tilespmem:s0+$0x200];
	v13 =	vpack.i.f32.bf16 v13, v16  }
0x67: {  	s20 =	sor.u32 s24, s19;
	s3 =	sand.u32 $0x3, s14;
	s14 =	sor.u32 $0x2280, s9;
	v16 =	vld [tilespmem:s0+$0x280];
	[tilespmem:v18+s16+$0x0] =	vst.idx.msk $0xffff, v13  }
0x68: {  	s21 =	sor.u32 s24, s14;
	s0 =	simm.s32 $0x2;
	v13 =	vpack.i.f32.bf16 v19, v17;
	v17 =	vor.u32 v3, v10;
	v25 =	vld [tilespmem:s20+$0x0]  }
0x69: {  	s10 =	sor.u32 s10, s30;
	s31 =	sand.u32 $0x7, s0;
	[tilespmem:v12+s16+$0x0] =	vst.idx.msk $0xffff, v13;
	v12 =	vld [tilespmem:s21+$0x0]  }
0x6a: {  	v26 =	vor.u32 v7, v9;
	s13 =	sor.u32 $0x380, s10;
	s12 =	sor.u32 s25, s19;
	s31 =	sshll.u32 s31, $0x4;
	v22 =	vld [tilespmem:s11+$0x200];
	v13 =	vpack.i.f32.bf16 v14, v20  }
0x6b: {  	s3 =	sshll.u32 s3, $0x5;
	s8 =	sor.u32 s25, s14;
	s31 =	sadd.s32 $0x100, s31;
	v24 =	vld [tilespmem:s11+$0x280];
	[tilespmem:v15+s16+$0x0] =	vst.idx.msk $0xffff, v13  }
0x6c: {  	s14 =	simm.s32 $0x2;
	s3 =	sadd.s32 $0x100, s3;
	v18 =	vor.u32 v3, v23;
	s19 =	sadd.s32 $0x10, s31;
	v13 =	vor.u32 v7, v11;
	v14 =	vpack.i.f32.bf16 v16, v21;
	v19 =	vld [tilespmem:s12+$0x0]  }
0x6d: {  	s3 =	sor.u32 $0x300, s3;
	s20 =	sor.u32 s2, s30;
	v11 =	vor.u32 v8, v11;
	v16 =	vor.u32 v4, v23;
	s11 =	sor.u32 $0x300, s19;
	v20 =	vld [tilespmem:s8+$0x0];
	[tilespmem:v17+s16+$0x0] =	vst.idx.msk $0xffff, v14  }
0x6e: {  	s21 =	sor.u32 $0x380, s20;
	s31 =	sor.u32 $0x2300, s9;
	s9 =	sor.u32 $0x2380, s9;
	v15 =	vor.u32 v5, v23;
	v14 =	vor.u32 v6, v23;
	v21 =	vld [tilespmem:s11+$0x0];
	v25 =	vpack.i.f32.bf16 v12, v25  }
0x6f: {  	s10 =	sor.u32 s25, s31;
	s12 =	simm.s32 $0x2;
	v17 =	vor.u32 v7, v23;
	v12 =	vor.u32 v8, v23;
	v23 =	vld [tilespmem:s21+$0x0];
	s11 =	sor.u32 s24, s31;
	[tilespmem:v26+s16+$0x0] =	vst.idx.msk $0xffff, v25  }
.LBB2_4:
0x70: {  	s31 =	sand.u32 $0x3, s12;
	v22 =	vpack.i.f32.bf16 v24, v22;
	s8 =	sor.u32 s25, s9;
	v24 =	vld [tilespmem:s11+$0x0];
	s9 =	sor.u32 s24, s9  }
0x71: {  	s30 =	sadd.s32 $0x100, s30;
	s11 =	sshll.u32 s31, $0x5;
	[tilespmem:v18+s16+$0x0] =	vst.idx.msk $0xffff, v22;
	v18 =	vor.u32 v4, v10;
	v22 =	vld [tilespmem:s9+$0x0];
	s9 =	smov.u32 s29  }
0x72: {  	s24 =	smov.u32 s26;
	v25 =	vmov s30;
	s25 =	sadd.s32 $0x80, s30;
	s11 =	sadd.s32 s11, s30;
	v26 =	vld [tilespmem:s3+$0x0];
	v19 =	vpack.i.f32.bf16 v20, v19;
	v20 =	vor.u32 v8, v9;
	v9 =	vmovc v10  }
0x73: {  	s2 =	sadd.s32 $0x20, s2;
	v10 =	vshrl.u32 v25, $0x7;
	v25 =	vmov s25;
	s25 =	smov.u32 s28;
	s3 =	sor.u32 $0x300, s11;
	v27 =	vld [tilespmem:s13+$0x0];
	[tilespmem:v13+s16+$0x0] =	vst.idx.msk $0xffff, v19;
	v13 =	vmov v17  }
0x74: {  	s29 =	sand.u32 $0x1C00, s30;
	s26 =	sand.u32 $0x70, s2;
	s11 =	sadd.s32 $0xFFFFFFF0, s2;
	v10 =	vshll.u32 v10, v1;
	v17 =	vshrl.u32 v25, $0x7;
	v19 =	vld [tilespmem:s10+$0x0]  }
0x75: {  	s28 =	sand.u32 $0x60, s11;
	v25 =	vbroadcast v10, $0x0;
	s13 =	sor.u32 s11, s30;
	s11 =	sor.u32 s26, s29;
	v10 =	vshll.u32 v17, v1;
	v17 =	vpack.i.f32.bf16 v23, v21;
	v21 =	vld [tilespmem:s8+$0x0]  }
0x76: {  	s10 =	sor.u32 s28, s29;
	s13 =	sor.u32 $0x380, s13;
	v10 =	vbroadcast v10, $0x0;
	s8 =	sor.u32 $0x2000, s9;
	v23 =	vld [tilespmem:s11+$0x0];
	[tilespmem:v18+s16+$0x0] =	vst.idx.msk $0xffff, v17;
	v17 =	vpack.i.f32.bf16 v22, v24  }
0x77: {  	s19 =	sor.u32 $0x2080, s9;
	v22 =	vor.u32 v0, v25;
	v24 =	vor.u32 v2, v25;
	s31 =	sor.u32 s25, s8;
	s8 =	sor.u32 s24, s8;
	v28 =	vld [tilespmem:s11+$0x80];
	[tilespmem:v20+s16+$0x0] =	vst.idx.msk $0xffff, v17  }
0x78: {  	s20 =	sor.u32 s25, s19;
	v18 =	vor.u32 v3, v25;
	v20 =	vor.u32 v0, v10;
	v17 =	vpack.i.f32.bf16 v27, v26;
	v26 =	vld [tilespmem:s8+$0x0];
	s8 =	sor.u32 s24, s19  }
0x79: {  	v27 =	vor.u32 v5, v25;
	[tilespmem:v16+s16+$0x0] =	vst.idx.msk $0xffff, v17;
	v16 =	vor.u32 v4, v25;
	v29 =	vld [tilespmem:s8+$0x0]  }
0x7a: {  	v32 =	vor.u32 v5, v9;
	v31 =	vor.u32 v6, v25;
	v17 =	vor.u32 v7, v25;
	v30 =	vld [tilespmem:s10+$0x0]  }
0x7b: {  	s14 =	sadd.s32 $0x2, s14;
	v25 =	vor.u32 v8, v25;
	v19 =	vpack.i.f32.bf16 v21, v19;
	v33 =	vld [tilespmem:s10+$0x80]  }
0x7c: {  	p2 =	slt.u32 s14, $0x3E;
	v21 =	vpack.i.f32.bf16 v28, v23;
	v23 =	vld [tilespmem:s31+$0x0];
	[tilespmem:v11+s16+$0x0] =	vst.idx.msk $0xffff, v19;
	v11 =	vmov v12;
	v12 =	vmov v25  }
0x7d: {  	[tilespmem:v20+s16+$0x0] =	vst.idx.msk $0xffff, v21;
	v19 =	vld [tilespmem:s20+$0x0]  }
0x7e: {  	s8 =	sor.u32 $0x2100, s9;
	v20 =	vld [tilespmem:s11+$0x100];
	v21 =	vpack.i.f32.bf16 v29, v26  }
0x7f: {  	s19 =	sor.u32 s25, s8;
	s8 =	sor.u32 s24, s8;
	s20 =	sor.u32 $0x2180, s9;
	v25 =	vld [tilespmem:s11+$0x180];
	[tilespmem:v32+s16+$0x0] =	vst.idx.msk $0xffff, v21  }
0x80: {  	v26 =	vor.u32 v2, v10;
	s31 =	sor.u32 s25, s20;
	v21 =	vpack.i.f32.bf16 v33, v30;
	v28 =	vld [tilespmem:s8+$0x0];
	s8 =	sor.u32 s24, s20  }
0x81: {  	[tilespmem:v22+s16+$0x0] =	vst.idx.msk $0xffff, v21;
	v21 =	vld [tilespmem:s8+$0x0]  }
0x82: {  	v22 =	vld [tilespmem:s10+$0x100];
	v19 =	vpack.i.f32.bf16 v19, v23;
	v23 =	vor.u32 v6, v9  }
0x83: {  	v29 =	vld [tilespmem:s10+$0x180];
	[tilespmem:v15+s16+$0x0] =	vst.idx.msk $0xffff, v19;
	v15 =	vmov v27  }
0x84: {  	v19 =	vpack.i.f32.bf16 v25, v20;
	v20 =	vld [tilespmem:s19+$0x0]  }
0x85: {  	[tilespmem:v26+s16+$0x0] =	vst.idx.msk $0xffff, v19;
	v19 =	vld [tilespmem:s31+$0x0]  }
0x86: {  	s8 =	sor.u32 $0x2200, s9;
	v25 =	vld [tilespmem:s11+$0x200];
	v21 =	vpack.i.f32.bf16 v21, v28  }
0x87: {  	s19 =	sor.u32 $0x2280, s9;
	v26 =	vld [tilespmem:s11+$0x280];
	s11 =	sor.u32 s25, s8;
	[tilespmem:v23+s16+$0x0] =	vst.idx.msk $0xffff, v21;
	s8 =	sor.u32 s24, s8  }
0x88: {  	s0 =	sadd.s32 $0x2, s0;
	s20 =	sor.u32 s25, s19;
	v23 =	vor.u32 v3, v10;
	v21 =	vpack.i.f32.bf16 v29, v22;
	v27 =	vld [tilespmem:s8+$0x0];
	s8 =	sor.u32 s24, s19  }
0x89: {  	s19 =	sand.u32 $0x7, s0;
	[tilespmem:v24+s16+$0x0] =	vst.idx.msk $0xffff, v21;
	v28 =	vld [tilespmem:s8+$0x0]  }
0x8a: {  	v29 =	vor.u32 v7, v9;
	s8 =	sshll.u32 s19, $0x4;
	v22 =	vld [tilespmem:s10+$0x200];
	v19 =	vpack.i.f32.bf16 v19, v20  }
.Ltmp5:
0x8b: {  	s8 =	sadd.s32 s30, s8;
	v24 =	vld [tilespmem:s10+$0x280];
	[tilespmem:v14+s16+$0x0] =	vst.idx.msk $0xffff, v19;
	v14 =	vmov v31;
	(pc) =	sbr.rel @p2 .LBB2_4-.Ltmp5, $4  }
0x8c: {  	s8 =	sadd.s32 $0x10, s8;
	v20 =	vpack.i.f32.bf16 v26, v25;
	v19 =	vld [tilespmem:s11+$0x0]  }
0x8d: {  	s10 =	sor.u32 s2, s30;
	s8 =	sor.u32 $0x300, s8;
	[tilespmem:v23+s16+$0x0] =	vst.idx.msk $0xffff, v20;
	v20 =	vld [tilespmem:s20+$0x0]  }
0x8e: {  	s12 =	sadd.s32 $0x1, s12;
	s11 =	sor.u32 $0x2300, s9;
	v21 =	vld [tilespmem:s8+$0x0];
	s8 =	sor.u32 $0x380, s10;
	v25 =	vpack.i.f32.bf16 v28, v27  }
0x8f: {  	s9 =	sor.u32 $0x2380, s9;
	s10 =	sor.u32 s25, s11;
	s11 =	sor.u32 s24, s11;
	v23 =	vld [tilespmem:s8+$0x0];
	[tilespmem:v29+s16+$0x0] =	vst.idx.msk $0xffff, v25  }
0x90: {  	_ =	sdelay $0x2  }
0x91: {  	v22 =	vpack.i.f32.bf16 v24, v22  }
0x92: {  	[tilespmem:v18+s16+$0x0] =	vst.idx.msk $0xffff, v22  }
0x93: {  	v43 =	vor.u32 v4, v10;
	v22 =	vld [tilespmem:s3+$0x0]  }
0x94: {  	v44 =	vld [tilespmem:s13+$0x0];
	_ =	sdelay $0x2  }
0x95: {  	s0 =	sor.u32 $0x2000, s29;
	v21 =	vpack.i.f32.bf16 v23, v21  }
0x96: {  	s2 =	sor.u32 $0x2080, s29;
	s19 =	sor.u32 s26, s0;
	[tilespmem:v43+s16+$0x0] =	vst.idx.msk $0xffff, v21  }
0x97: {  	s20 =	sor.u32 s26, s2;
	v21 =	vld [tilespmem:s19+$0x0];
	v45 =	vpack.i.f32.bf16 v44, v22  }
0x98: {  	s0 =	sor.u32 s28, s0;
	v46 =	vld [tilespmem:s20+$0x0];
	[tilespmem:v16+s16+$0x0] =	vst.idx.msk $0xffff, v45  }
0x99: {  	v47 =	vor.u32 v5, v10;
	s2 =	sor.u32 s28, s2;
	v48 =	vld [tilespmem:s0+$0x0]  }
0x9a: {  	v49 =	vld [tilespmem:s2+$0x0];
	_ =	sdelay $0x2  }
0x9b: {  	s21 =	sor.u32 $0x2100, s29;
	v16 =	vpack.i.f32.bf16 v46, v21  }
0x9c: {  	s30 =	sor.u32 $0x2180, s29;
	s31 =	sor.u32 s26, s21;
	[tilespmem:v47+s16+$0x0] =	vst.idx.msk $0xffff, v16  }
0x9d: {  	s8 =	sor.u32 s26, s30;
	v16 =	vld [tilespmem:s31+$0x0];
	v50 =	vpack.i.f32.bf16 v49, v48  }
0x9e: {  	s0 =	sor.u32 s28, s21;
	v51 =	vld [tilespmem:s8+$0x0];
	[tilespmem:v15+s16+$0x0] =	vst.idx.msk $0xffff, v50  }
0x9f: {  	v52 =	vor.u32 v6, v10;
	s2 =	sor.u32 s28, s30;
	v18 =	vld [tilespmem:s0+$0x0]  }
0xa0: {  	v53 =	vld [tilespmem:s2+$0x0];
	_ =	sdelay $0x2  }
0xa1: {  	s12 =	sor.u32 $0x2200, s29;
	v16 =	vpack.i.f32.bf16 v51, v16  }
0xa2: {  	s14 =	sor.u32 s26, s12;
	s13 =	sor.u32 $0x2280, s29;
	[tilespmem:v52+s16+$0x0] =	vst.idx.msk $0xffff, v16  }
0xa3: {  	s19 =	sor.u32 s26, s13;
	v15 =	vld [tilespmem:s14+$0x0];
	v54 =	vpack.i.f32.bf16 v53, v18  }
0xa4: {  	s0 =	sor.u32 s28, s12;
	v55 =	vld [tilespmem:s19+$0x0];
	[tilespmem:v14+s16+$0x0] =	vst.idx.msk $0xffff, v54  }
0xa5: {  	v56 =	vor.u32 v7, v10;
	s2 =	sor.u32 s28, s13;
	v16 =	vld [tilespmem:s0+$0x0]  }
0xa6: {  	v19 =	vpack.i.f32.bf16 v20, v19;
	v57 =	vld [tilespmem:s2+$0x0]  }
0xa7: {  	v58 =	vld [tilespmem:s11+$0x0];
	[tilespmem:v13+s16+$0x0] =	vst.idx.msk $0xffff, v19  }
0xa8: {  	v13 =	vld [tilespmem:s10+$0x0];
	s20 =	sor.u32 s24, s9  }
0xa9: {  	s24 =	sor.u32 $0x2300, s29;
	v59 =	vld [tilespmem:s20+$0x0];
	s21 =	sor.u32 s25, s9;
	v15 =	vpack.i.f32.bf16 v55, v15  }
0xaa: {  	s25 =	sor.u32 $0x2380, s29;
	s29 =	sor.u32 s26, s24;
	v60 =	vld [tilespmem:s21+$0x0];
	[tilespmem:v56+s16+$0x0] =	vst.idx.msk $0xffff, v15  }
0xab: {  	s30 =	sor.u32 s26, s25;
	v14 =	vld [tilespmem:s29+$0x0];
	v61 =	vpack.i.f32.bf16 v57, v16  }
0xac: {  	v9 =	vor.u32 v8, v9;
	s2 =	sor.u32 s28, s24;
	v62 =	vld [tilespmem:s30+$0x0];
	[tilespmem:v17+s16+$0x0] =	vst.idx.msk $0xffff, v61  }
0xad: {  	s0 =	sor.u32 s28, s25;
	v15 =	vld [tilespmem:s2+$0x0]  }
0xae: {  	v10 =	vor.u32 v8, v10;
	v17 =	vld [tilespmem:s0+$0x0]  }
0xaf: {  	s0 =	sadd.s32 $0x2, s23  }
0xb0: {  	v63 =	vpack.i.f32.bf16 v59, v58;
	p2 =	sge.u32 s0, s7  }
0xb1: {  	[tilespmem:v9+s16+$0x0] =	vst.idx.msk $0xffff, v63;
	v9 =	vpack.i.f32.bf16 v60, v13;
	s0 =	sadd.s32 @!p2 s5, s0  }
0xb2: {  	[tilespmem:v11+s16+$0x0] =	vst.idx.msk $0xffff, v9;
	v9 =	vpack.i.f32.bf16 v62, v14;
	s0 =	sshll.u32 @!p2 s0, $0xA  }
0xb3: {  	s31 =	sadd.s32 s5, s23;
	s2 =	simm.s32 @!p2 $0x2000;
	[tilespmem:v10+s16+$0x0] =	vst.idx.msk $0xffff, v9;
	s0 =	sand.u32 @!p2 $0x1FFFFC00, s0;
	v9 =	vpack.i.f32.bf16 v17, v15  }
0xb4: {  	s3 =	simm.s32 @!p2 $0x13D6400;
	s8 =	simm.s32 @!p2 $0x0;
	s0 =	sadd.s32 @!p2 s1, s0;
	[tilespmem:v12+s16+$0x0] =	vst.idx.msk $0xffff, v9  }
0xb5: {  	[tilespmem:s8], [sflag:$0x1] =	stream.strided.gather @!p2 [hbm4b:s0+s2], $0x4000, s3, s2, $0x38;
	[tilespmem:$0xC000] =	vst v63  }
0xb6: {  	s0 =	sshll.u32 s31, $0xA  }
0xb7: {  	s0 =	sand.u32 $0x1FFFFC00, s0  }
0xb8: {  	s0 =	sadd.s32 s6, s0  }
0xb9: {  	[hbm4b:s0+s4] =	stream.linear.scatter [tilespmem:s16], [sflag:$0x3], $0x2000, $0x38;
	[tilespmem:$0xC000] =	vst v63  }
.LBB2_6:
0xba: {  	s24 =	sor.u32 $0x1, s23  }
0xbb: {  	p2 =	sge.u32 s24, s7  }
.Ltmp6:
0xbc: {  	_ = 	snop;
	(pc) =	sbr.rel @p2 .LBB2_10-.Ltmp6, $1  }
0xbd: {  	_ =	sdelay $0x3  }
0xbe: {  	_ =	swait.ge [sflag:s17], $0x4000  }
0xbf: {  	s2 =	simm.s32 @!p1 $0x4;
	[sflag:s17] =	ssyncset.done $0x0  }
0xc0: {  	s0 =	simm.s32 $0x0;
	s3 =	simm.s32 $0x80;
	[sflag:s17] =	ssyncadd.s32 $0xFFFFC000  }
0xc1: {  	s8 =	simm.s32 $0x10;
	s9 =	sand.u32 $0x1C00, s0;
	v9 =	vmov s3;
	_ =	swait.ge @!p1 [sflag:s2], $0x2000  }
0xc2: {  	s25 =	sand.u32 $0x70, s8;
	s26 =	sor.u32 $0x4000, s9;
	v9 =	vshrl.u32 v9, $0x7;
	[sflag:s2] =	ssyncset.done @!p1 $0x0  }
0xc3: {  	s11 =	sor.u32 s25, s26;
	v9 =	vshll.u32 v9, v1;
	[sflag:s2] =	ssyncadd.s32 @!p1 $0xFFFFE000  }
0xc4: {  	v9 =	vbroadcast v9, $0x0;
	v10 =	vld [tilespmem:s11+$0x0]  }
0xc5: {  	s10 =	simm.s32 $0x0;
	v11 =	vmov s0;
	v12 =	vld [tilespmem:s11+$0x80]  }
0xc6: {  	s30 =	sand.u32 $0x60, s10;
	v11 =	vshrl.u32 v11, $0x7;
	v13 =	vor.u32 v0, v9  }
0xc7: {  	v11 =	vshll.u32 v11, v1;
	s3 =	sor.u32 s30, s26  }
0xc8: {  	v11 =	vbroadcast v11, $0x0;
	v14 =	vld [tilespmem:s3+$0x0]  }
0xc9: {  	v15 =	vld [tilespmem:s3+$0x80]  }
0xca: {  	v16 =	vor.u32 v0, v11;
	v10 =	vpack.i.f32.bf16 v12, v10  }
0xcb: {  	[tilespmem:v13+s18+$0x0] =	vst.idx.msk $0xffff, v10  }
0xcc: {  	v10 =	vld [tilespmem:s11+$0x100]  }
0xcd: {  	v12 =	vld [tilespmem:s11+$0x180]  }
0xce: {  	v13 =	vpack.i.f32.bf16 v15, v14;
	v14 =	vor.u32 v2, v9  }
0xcf: {  	[tilespmem:v16+s18+$0x0] =	vst.idx.msk $0xffff, v13  }
0xd0: {  	v13 =	vld [tilespmem:s3+$0x100]  }
0xd1: {  	v15 =	vld [tilespmem:s3+$0x180]  }
0xd2: {  	v16 =	vor.u32 v2, v11;
	v10 =	vpack.i.f32.bf16 v12, v10  }
0xd3: {  	[tilespmem:v14+s18+$0x0] =	vst.idx.msk $0xffff, v10  }
0xd4: {  	v10 =	vld [tilespmem:s11+$0x200]  }
0xd5: {  	v12 =	vld [tilespmem:s11+$0x280]  }
0xd6: {  	v13 =	vpack.i.f32.bf16 v15, v13;
	v14 =	vor.u32 v3, v9  }
0xd7: {  	s12 =	sand.u32 $0x7, s0;
	[tilespmem:v16+s18+$0x0] =	vst.idx.msk $0xffff, v13  }
0xd8: {  	s2 =	sshll.u32 s12, $0x4;
	v13 =	vld [tilespmem:s3+$0x200]  }
0xd9: {  	s2 =	sadd.s32 $0x0, s2;
	v15 =	vld [tilespmem:s3+$0x280]  }
0xda: {  	s2 =	sadd.s32 $0x10, s2;
	v16 =	vor.u32 v3, v11;
	v10 =	vpack.i.f32.bf16 v12, v10  }
0xdb: {  	s8 =	sor.u32 s8, s0;
	s2 =	sor.u32 $0x300, s2;
	[tilespmem:v14+s18+$0x0] =	vst.idx.msk $0xffff, v10  }
0xdc: {  	s13 =	sand.u32 $0x3, s0;
	s14 =	sor.u32 $0x380, s8;
	v10 =	vld [tilespmem:s2+$0x4000]  }
0xdd: {  	s31 =	simm.s32 $0x100;
	s3 =	sshll.u32 s13, $0x5;
	v12 =	vld [tilespmem:s14+$0x4000]  }
0xde: {  	s19 =	simm.s32 $0x180;
	s0 =	sor.u32 s10, s0;
	s3 =	sadd.s32 $0x0, s3;
	v13 =	vpack.i.f32.bf16 v15, v13;
	v14 =	vor.u32 v4, v9  }
0xdf: {  	s26 =	sand.u32 $0x1C00, s31;
	s3 =	sor.u32 $0x300, s3;
	[tilespmem:v16+s18+$0x0] =	vst.idx.msk $0xffff, v13;
	v13 =	vmov s19;
	s2 =	simm.s32 $0x30  }
0xe0: {  	s0 =	sor.u32 $0x380, s0;
	s20 =	sor.u32 $0x4000, s26;
	v15 =	vld [tilespmem:s3+$0x4000];
	s28 =	sand.u32 $0x70, s2;
	v13 =	vshrl.u32 v13, $0x7  }
0xe1: {  	v16 =	vld [tilespmem:s0+$0x4000];
	s0 =	sor.u32 s28, s20;
	v13 =	vshll.u32 v13, v1  }
0xe2: {  	s21 =	sor.u32 $0x6000, s9;
	v17 =	vor.u32 v4, v11;
	v18 =	vld [tilespmem:s0+$0x0];
	v12 =	vpack.i.f32.bf16 v12, v10;
	v10 =	vbroadcast v13, $0x0  }
0xe3: {  	s10 =	simm.s32 $0x20;
	s12 =	sor.u32 $0x6080, s9;
	s11 =	sor.u32 s25, s21;
	v13 =	vmov s31;
	[tilespmem:v14+s18+$0x0] =	vst.idx.msk $0xffff, v12;
	v12 =	vld [tilespmem:s0+$0x80]  }
0xe4: {  	s29 =	sand.u32 $0x60, s10;
	s13 =	sor.u32 s25, s12;
	v13 =	vshrl.u32 v13, $0x7;
	v14 =	vor.u32 v0, v10;
	v19 =	vld [tilespmem:s11+$0x0]  }
0xe5: {  	v13 =	vshll.u32 v13, v1;
	s11 =	sor.u32 s29, s20;
	v20 =	vld [tilespmem:s13+$0x0]  }
0xe6: {  	v23 =	vbroadcast v13, $0x0;
	v13 =	vpack.i.f32.bf16 v16, v15;
	v15 =	vld [tilespmem:s11+$0x0];
	v16 =	vor.u32 v5, v9  }
0xe7: {  	s14 =	sor.u32 s30, s21;
	[tilespmem:v17+s18+$0x0] =	vst.idx.msk $0xffff, v13;
	v13 =	vld [tilespmem:s11+$0x80]  }
0xe8: {  	s19 =	sor.u32 s30, s12;
	v17 =	vor.u32 v0, v23;
	v12 =	vpack.i.f32.bf16 v12, v18;
	v18 =	vld [tilespmem:s14+$0x0]  }
0xe9: {  	[tilespmem:v14+s18+$0x0] =	vst.idx.msk $0xffff, v12;
	v12 =	vld [tilespmem:s19+$0x0]  }
0xea: {  	s20 =	sor.u32 $0x6100, s9;
	v14 =	vor.u32 v5, v11;
	v19 =	vpack.i.f32.bf16 v20, v19;
	v21 =	vld [tilespmem:s0+$0x100]  }
0xeb: {  	s21 =	sor.u32 $0x6180, s9;
	s13 =	sor.u32 s25, s20;
	v20 =	vld [tilespmem:s0+$0x180];
	[tilespmem:v16+s18+$0x0] =	vst.idx.msk $0xffff, v19  }
0xec: {  	s14 =	sor.u32 s25, s21;
	v13 =	vpack.i.f32.bf16 v13, v15;
	v15 =	vor.u32 v2, v10;
	v16 =	vld [tilespmem:s13+$0x0]  }
0xed: {  	[tilespmem:v17+s18+$0x0] =	vst.idx.msk $0xffff, v13;
	v13 =	vld [tilespmem:s14+$0x0]  }
0xee: {  	v17 =	vld [tilespmem:s11+$0x100];
	v12 =	vpack.i.f32.bf16 v12, v18;
	v18 =	vor.u32 v6, v9  }
0xef: {  	s3 =	sor.u32 s30, s20;
	v19 =	vld [tilespmem:s11+$0x180];
	[tilespmem:v14+s18+$0x0] =	vst.idx.msk $0xffff, v12  }
0xf0: {  	s8 =	sor.u32 s30, s21;
	v12 =	vor.u32 v2, v23;
	v14 =	vpack.i.f32.bf16 v20, v21;
	v20 =	vld [tilespmem:s3+$0x0]  }
0xf1: {  	[tilespmem:v15+s18+$0x0] =	vst.idx.msk $0xffff, v14;
	v14 =	vld [tilespmem:s8+$0x0]  }
0xf2: {  	v15 =	vor.u32 v6, v11;
	s8 =	sor.u32 $0x6200, s9;
	v21 =	vld [tilespmem:s0+$0x200];
	v13 =	vpack.i.f32.bf16 v13, v16  }
0xf3: {  	s13 =	sor.u32 $0x6280, s9;
	v16 =	vld [tilespmem:s0+$0x280];
	s20 =	sor.u32 s25, s8;
	[tilespmem:v18+s18+$0x0] =	vst.idx.msk $0xffff, v13  }
0xf4: {  	s19 =	simm.s32 $0x1;
	s21 =	sor.u32 s25, s13;
	s0 =	simm.s32 $0x2;
	v13 =	vpack.i.f32.bf16 v19, v17;
	v17 =	vor.u32 v3, v10;
	v25 =	vld [tilespmem:s20+$0x0]  }
0xf5: {  	s10 =	sor.u32 s10, s31;
	s3 =	sand.u32 $0x3, s19;
	s14 =	sand.u32 $0x7, s0;
	[tilespmem:v12+s18+$0x0] =	vst.idx.msk $0xffff, v13;
	v12 =	vld [tilespmem:s21+$0x0]  }
0xf6: {  	v26 =	vor.u32 v7, v9;
	s12 =	sor.u32 $0x380, s10;
	s3 =	sshll.u32 s3, $0x5;
	s19 =	sshll.u32 s14, $0x4;
	v22 =	vld [tilespmem:s11+$0x200];
	v13 =	vpack.i.f32.bf16 v14, v20  }
0xf7: {  	s8 =	sor.u32 s30, s8;
	s3 =	sadd.s32 $0x100, s3;
	s14 =	sadd.s32 $0x100, s19;
	v24 =	vld [tilespmem:s11+$0x280];
	[tilespmem:v15+s18+$0x0] =	vst.idx.msk $0xffff, v13  }
0xf8: {  	s3 =	sor.u32 $0x300, s3;
	v18 =	vor.u32 v3, v23;
	s20 =	sor.u32 s30, s13;
	s21 =	sadd.s32 $0x10, s14;
	v13 =	vor.u32 v7, v11;
	v14 =	vpack.i.f32.bf16 v16, v21;
	v19 =	vld [tilespmem:s8+$0x0]  }
0xf9: {  	s19 =	sor.u32 s2, s31;
	s14 =	simm.s32 $0x2;
	v11 =	vor.u32 v8, v11;
	v16 =	vor.u32 v4, v23;
	s13 =	sor.u32 $0x300, s21;
	v20 =	vld [tilespmem:s20+$0x0];
	[tilespmem:v17+s18+$0x0] =	vst.idx.msk $0xffff, v14  }
0xfa: {  	v15 =	vor.u32 v5, v23;
	s21 =	sor.u32 $0x6300, s9;
	s9 =	sor.u32 $0x6380, s9;
	s20 =	sor.u32 $0x380, s19;
	v14 =	vor.u32 v6, v23;
	v21 =	vld [tilespmem:s13+$0x4000];
	v25 =	vpack.i.f32.bf16 v12, v25  }
0xfb: {  	s10 =	sor.u32 s30, s21;
	s11 =	sor.u32 s25, s21;
	v17 =	vor.u32 v7, v23;
	s13 =	simm.s32 $0x2;
	v12 =	vor.u32 v8, v23;
	v23 =	vld [tilespmem:s20+$0x4000];
	[tilespmem:v26+s18+$0x0] =	vst.idx.msk $0xffff, v25  }
.LBB2_8:
0xfc: {  	s8 =	sand.u32 $0x3, s13;
	v22 =	vpack.i.f32.bf16 v24, v22;
	s19 =	sor.u32 s30, s9;
	v24 =	vld [tilespmem:s11+$0x0];
	s9 =	sor.u32 s25, s9  }
0xfd: {  	s31 =	sadd.s32 $0x100, s31;
	s8 =	sshll.u32 s8, $0x5;
	[tilespmem:v18+s18+$0x0] =	vst.idx.msk $0xffff, v22;
	v18 =	vor.u32 v4, v10;
	v22 =	vld [tilespmem:s9+$0x0];
	s9 =	smov.u32 s26  }
0xfe: {  	s25 =	smov.u32 s28;
	v25 =	vmov s31;
	s11 =	sadd.s32 $0x80, s31;
	s8 =	sadd.s32 s8, s31;
	v26 =	vld [tilespmem:s3+$0x4000];
	v19 =	vpack.i.f32.bf16 v20, v19;
	v20 =	vor.u32 v8, v9;
	v9 =	vmovc v10  }
0xff: {  	s2 =	sadd.s32 $0x20, s2;
	s26 =	sand.u32 $0x1C00, s31;
	v10 =	vshrl.u32 v25, $0x7;
	v25 =	vmov s11;
	s3 =	sor.u32 $0x300, s8;
	v27 =	vld [tilespmem:s12+$0x4000];
	[tilespmem:v13+s18+$0x0] =	vst.idx.msk $0xffff, v19;
	v13 =	vmov v17  }
0x100: {  	s28 =	sand.u32 $0x70, s2;
	s8 =	sadd.s32 $0xFFFFFFF0, s2;
	s12 =	sor.u32 $0x4000, s26;
	v10 =	vshll.u32 v10, v1;
	v17 =	vshrl.u32 v25, $0x7;
	v19 =	vld [tilespmem:s10+$0x0]  }
0x101: {  	s20 =	sand.u32 $0x60, s8;
	v25 =	vbroadcast v10, $0x0;
	s8 =	sor.u32 s8, s31;
	s11 =	sor.u32 s28, s12;
	v10 =	vshll.u32 v17, v1;
	v17 =	vpack.i.f32.bf16 v23, v21;
	v21 =	vld [tilespmem:s19+$0x0]  }
0x102: {  	s10 =	sor.u32 s20, s12;
	s12 =	sor.u32 $0x380, s8;
	v10 =	vbroadcast v10, $0x0;
	s8 =	sor.u32 $0x6000, s9;
	v23 =	vld [tilespmem:s11+$0x0];
	[tilespmem:v18+s18+$0x0] =	vst.idx.msk $0xffff, v17;
	v17 =	vpack.i.f32.bf16 v22, v24  }
0x103: {  	s30 =	sor.u32 $0x6080, s9;
	v22 =	vor.u32 v0, v25;
	v24 =	vor.u32 v2, v25;
	s19 =	sor.u32 s29, s8;
	s8 =	sor.u32 s25, s8;
	v28 =	vld [tilespmem:s11+$0x80];
	[tilespmem:v20+s18+$0x0] =	vst.idx.msk $0xffff, v17  }
0x104: {  	s21 =	sor.u32 s29, s30;
	v18 =	vor.u32 v3, v25;
	v20 =	vor.u32 v0, v10;
	v17 =	vpack.i.f32.bf16 v27, v26;
	v26 =	vld [tilespmem:s8+$0x0];
	s8 =	sor.u32 s25, s30;
	s30 =	smov.u32 s29  }
0x105: {  	v27 =	vor.u32 v5, v25;
	s29 =	smov.u32 s20;
	[tilespmem:v16+s18+$0x0] =	vst.idx.msk $0xffff, v17;
	v16 =	vor.u32 v4, v25;
	v29 =	vld [tilespmem:s8+$0x0]  }
0x106: {  	v32 =	vor.u32 v5, v9;
	v31 =	vor.u32 v6, v25;
	v17 =	vor.u32 v7, v25;
	v30 =	vld [tilespmem:s10+$0x0]  }
0x107: {  	s14 =	sadd.s32 $0x2, s14;
	v25 =	vor.u32 v8, v25;
	v19 =	vpack.i.f32.bf16 v21, v19;
	v33 =	vld [tilespmem:s10+$0x80]  }
0x108: {  	p1 =	slt.u32 s14, $0x3E;
	v21 =	vpack.i.f32.bf16 v28, v23;
	v23 =	vld [tilespmem:s19+$0x0];
	[tilespmem:v11+s18+$0x0] =	vst.idx.msk $0xffff, v19;
	v11 =	vmov v12;
	v12 =	vmov v25  }
0x109: {  	[tilespmem:v20+s18+$0x0] =	vst.idx.msk $0xffff, v21;
	v19 =	vld [tilespmem:s21+$0x0]  }
0x10a: {  	s8 =	sor.u32 $0x6100, s9;
	v20 =	vld [tilespmem:s11+$0x100];
	v21 =	vpack.i.f32.bf16 v29, v26  }
0x10b: {  	s20 =	sor.u32 $0x6180, s9;
	s19 =	sor.u32 s30, s8;
	s8 =	sor.u32 s25, s8;
	v25 =	vld [tilespmem:s11+$0x180];
	[tilespmem:v32+s18+$0x0] =	vst.idx.msk $0xffff, v21  }
0x10c: {  	s21 =	sor.u32 s30, s20;
	v26 =	vor.u32 v2, v10;
	v21 =	vpack.i.f32.bf16 v33, v30;
	v28 =	vld [tilespmem:s8+$0x0];
	s8 =	sor.u32 s25, s20  }
0x10d: {  	[tilespmem:v22+s18+$0x0] =	vst.idx.msk $0xffff, v21;
	v21 =	vld [tilespmem:s8+$0x0]  }
0x10e: {  	v22 =	vld [tilespmem:s10+$0x100];
	v19 =	vpack.i.f32.bf16 v19, v23;
	v23 =	vor.u32 v6, v9  }
0x10f: {  	v29 =	vld [tilespmem:s10+$0x180];
	[tilespmem:v15+s18+$0x0] =	vst.idx.msk $0xffff, v19;
	v15 =	vmov v27  }
0x110: {  	v19 =	vpack.i.f32.bf16 v25, v20;
	v20 =	vld [tilespmem:s19+$0x0]  }
0x111: {  	[tilespmem:v26+s18+$0x0] =	vst.idx.msk $0xffff, v19;
	v19 =	vld [tilespmem:s21+$0x0]  }
0x112: {  	s8 =	sor.u32 $0x6200, s9;
	v25 =	vld [tilespmem:s11+$0x200];
	v21 =	vpack.i.f32.bf16 v21, v28  }
0x113: {  	s19 =	sor.u32 $0x6280, s9;
	v26 =	vld [tilespmem:s11+$0x280];
	s11 =	sor.u32 s30, s8;
	[tilespmem:v23+s18+$0x0] =	vst.idx.msk $0xffff, v21;
	s8 =	sor.u32 s25, s8  }
0x114: {  	s0 =	sadd.s32 $0x2, s0;
	s20 =	sor.u32 s30, s19;
	v23 =	vor.u32 v3, v10;
	v21 =	vpack.i.f32.bf16 v29, v22;
	v27 =	vld [tilespmem:s8+$0x0];
	s8 =	sor.u32 s25, s19  }
0x115: {  	s19 =	sand.u32 $0x7, s0;
	[tilespmem:v24+s18+$0x0] =	vst.idx.msk $0xffff, v21;
	v28 =	vld [tilespmem:s8+$0x0]  }
0x116: {  	v29 =	vor.u32 v7, v9;
	s8 =	sshll.u32 s19, $0x4;
	v22 =	vld [tilespmem:s10+$0x200];
	v19 =	vpack.i.f32.bf16 v19, v20  }
.Ltmp7:
0x117: {  	s8 =	sadd.s32 s31, s8;
	v24 =	vld [tilespmem:s10+$0x280];
	[tilespmem:v14+s18+$0x0] =	vst.idx.msk $0xffff, v19;
	v14 =	vmov v31;
	(pc) =	sbr.rel @p1 .LBB2_8-.Ltmp7, $4  }
0x118: {  	s8 =	sadd.s32 $0x10, s8;
	v20 =	vpack.i.f32.bf16 v26, v25;
	v19 =	vld [tilespmem:s11+$0x0]  }
0x119: {  	s10 =	sor.u32 s2, s31;
	s8 =	sor.u32 $0x300, s8;
	[tilespmem:v23+s18+$0x0] =	vst.idx.msk $0xffff, v20;
	v20 =	vld [tilespmem:s20+$0x0]  }
0x11a: {  	s13 =	sadd.s32 $0x1, s13;
	s11 =	sor.u32 $0x6300, s9;
	v21 =	vld [tilespmem:s8+$0x4000];
	s8 =	sor.u32 $0x380, s10;
	v25 =	vpack.i.f32.bf16 v28, v27  }
0x11b: {  	s9 =	sor.u32 $0x6380, s9;
	s10 =	sor.u32 s30, s11;
	s11 =	sor.u32 s25, s11;
	v23 =	vld [tilespmem:s8+$0x4000];
	[tilespmem:v29+s18+$0x0] =	vst.idx.msk $0xffff, v25  }
0x11c: {  	_ =	sdelay $0x2  }
0x11d: {  	v22 =	vpack.i.f32.bf16 v24, v22  }
0x11e: {  	[tilespmem:v18+s18+$0x0] =	vst.idx.msk $0xffff, v22  }
0x11f: {  	v43 =	vor.u32 v4, v10;
	v22 =	vld [tilespmem:s3+$0x4000]  }
0x120: {  	v44 =	vld [tilespmem:s12+$0x4000];
	_ =	sdelay $0x2  }
0x121: {  	s0 =	sor.u32 $0x6000, s26;
	v21 =	vpack.i.f32.bf16 v23, v21  }
0x122: {  	s2 =	sor.u32 $0x6080, s26;
	s13 =	sor.u32 s28, s0;
	[tilespmem:v43+s18+$0x0] =	vst.idx.msk $0xffff, v21  }
0x123: {  	s14 =	sor.u32 s28, s2;
	v21 =	vld [tilespmem:s13+$0x0];
	v45 =	vpack.i.f32.bf16 v44, v22  }
0x124: {  	s0 =	sor.u32 s29, s0;
	v46 =	vld [tilespmem:s14+$0x0];
	[tilespmem:v16+s18+$0x0] =	vst.idx.msk $0xffff, v45  }
0x125: {  	v47 =	vor.u32 v5, v10;
	s2 =	sor.u32 s29, s2;
	v48 =	vld [tilespmem:s0+$0x0]  }
0x126: {  	v49 =	vld [tilespmem:s2+$0x0];
	_ =	sdelay $0x2  }
0x127: {  	s19 =	sor.u32 $0x6100, s26;
	v16 =	vpack.i.f32.bf16 v46, v21  }
0x128: {  	s20 =	sor.u32 $0x6180, s26;
	s21 =	sor.u32 s28, s19;
	[tilespmem:v47+s18+$0x0] =	vst.idx.msk $0xffff, v16  }
0x129: {  	s31 =	sor.u32 s28, s20;
	v16 =	vld [tilespmem:s21+$0x0];
	v50 =	vpack.i.f32.bf16 v49, v48  }
0x12a: {  	s0 =	sor.u32 s29, s19;
	v51 =	vld [tilespmem:s31+$0x0];
	[tilespmem:v15+s18+$0x0] =	vst.idx.msk $0xffff, v50  }
0x12b: {  	v52 =	vor.u32 v6, v10;
	s2 =	sor.u32 s29, s20;
	v18 =	vld [tilespmem:s0+$0x0]  }
0x12c: {  	v53 =	vld [tilespmem:s2+$0x0];
	_ =	sdelay $0x2  }
0x12d: {  	s8 =	sor.u32 $0x6200, s26;
	v16 =	vpack.i.f32.bf16 v51, v16  }
0x12e: {  	s12 =	sor.u32 $0x6280, s26;
	s13 =	sor.u32 s28, s8;
	[tilespmem:v52+s18+$0x0] =	vst.idx.msk $0xffff, v16  }
0x12f: {  	s14 =	sor.u32 s28, s12;
	v15 =	vld [tilespmem:s13+$0x0];
	v54 =	vpack.i.f32.bf16 v53, v18  }
0x130: {  	s0 =	sor.u32 s29, s8;
	v55 =	vld [tilespmem:s14+$0x0];
	[tilespmem:v14+s18+$0x0] =	vst.idx.msk $0xffff, v54  }
0x131: {  	v56 =	vor.u32 v7, v10;
	s2 =	sor.u32 s29, s12;
	v16 =	vld [tilespmem:s0+$0x0]  }
0x132: {  	v19 =	vpack.i.f32.bf16 v20, v19;
	v57 =	vld [tilespmem:s2+$0x0]  }
0x133: {  	v58 =	vld [tilespmem:s11+$0x0];
	[tilespmem:v13+s18+$0x0] =	vst.idx.msk $0xffff, v19  }
0x134: {  	v13 =	vld [tilespmem:s10+$0x0];
	s19 =	sor.u32 s25, s9  }
0x135: {  	s20 =	sor.u32 s30, s9;
	v59 =	vld [tilespmem:s19+$0x0];
	s21 =	sor.u32 $0x6300, s26;
	v15 =	vpack.i.f32.bf16 v55, v15  }
0x136: {  	s25 =	sor.u32 $0x6380, s26;
	v60 =	vld [tilespmem:s20+$0x0];
	s26 =	sor.u32 s28, s21;
	[tilespmem:v56+s18+$0x0] =	vst.idx.msk $0xffff, v15  }
0x137: {  	s30 =	sor.u32 s28, s25;
	v14 =	vld [tilespmem:s26+$0x0];
	v61 =	vpack.i.f32.bf16 v57, v16  }
0x138: {  	v9 =	vor.u32 v8, v9;
	s2 =	sor.u32 s29, s21;
	v62 =	vld [tilespmem:s30+$0x0];
	[tilespmem:v17+s18+$0x0] =	vst.idx.msk $0xffff, v61  }
0x139: {  	s0 =	sor.u32 s29, s25;
	v15 =	vld [tilespmem:s2+$0x0]  }
0x13a: {  	v10 =	vor.u32 v8, v10;
	v17 =	vld [tilespmem:s0+$0x0]  }
0x13b: {  	s0 =	sadd.s32 $0x3, s23  }
0x13c: {  	v63 =	vpack.i.f32.bf16 v59, v58;
	p1 =	sge.u32 s0, s7  }
0x13d: {  	[tilespmem:v9+s18+$0x0] =	vst.idx.msk $0xffff, v63;
	v9 =	vpack.i.f32.bf16 v60, v13;
	s0 =	sadd.s32 @!p1 s5, s0  }
0x13e: {  	[tilespmem:v11+s18+$0x0] =	vst.idx.msk $0xffff, v9;
	v9 =	vpack.i.f32.bf16 v62, v14;
	s0 =	sshll.u32 @!p1 s0, $0xA  }
0x13f: {  	s2 =	simm.s32 @!p1 $0x2000;
	[tilespmem:v10+s18+$0x0] =	vst.idx.msk $0xffff, v9;
	s0 =	sand.u32 @!p1 $0x1FFFFC00, s0;
	v9 =	vpack.i.f32.bf16 v17, v15  }
0x140: {  	s3 =	simm.s32 @!p1 $0x13D6400;
	s8 =	simm.s32 @!p1 $0x4000;
	s0 =	sadd.s32 @!p1 s1, s0;
	[tilespmem:v12+s18+$0x0] =	vst.idx.msk $0xffff, v9  }
0x141: {  	[tilespmem:s8], [sflag:$0x2] =	stream.strided.gather @!p1 [hbm4b:s0+s2], $0x4000, s3, s2, $0x38;
	[tilespmem:$0xC000] =	vst v63  }
.Ltmp8:
0x142: {  	s31 =	sadd.s32 s5, s24;
	(pc) =	sbr.rel .LBB2_10-.Ltmp8, $4  }
0x143: {  	s0 =	sshll.u32 s31, $0xA  }
0x144: {  	s0 =	sand.u32 $0x1FFFFC00, s0  }
0x145: {  	s0 =	sadd.s32 s6, s0  }
0x146: {  	[hbm4b:s0+s4] =	stream.linear.scatter [tilespmem:s18], [sflag:$0x4], $0x2000, $0x38;
	[tilespmem:$0xC000] =	vst v63  }
.LBB2_12:
0x147: {  	_ =	sfence.sel $0x180000  }
0x148: {  	[bflag:$0x0] =	sbarrier.arrive $0xFFFF  }
0x149: {  	_ =	strace $0x90000047  }
0x14a: {  	s0 =	stileid.u32;
	[bflag:$0x2] =	sbarrier.arrive $0xFFFF  }
0x14b: {  	p0 =	sne.s32 s0, $0x0;
	s0 =	rddreg [dreg:$0x3]  }
0x14c: {  	s0 =	sadd.s32 @!p0 $0x100000, s0  }
0x14d: {  	[sflag:s0] =	ssyncadd.tile.s32 @!p0 $0x1;
	_ =	shalt  }
.Lfunc_end2:
_tile_overlayer_lowered:
.L_overlay_start_2:
0x14e: {  	(tag) =	ssettag $0x2  }
0x14f: {  	s0 =	rddreg [dreg:$0x0];
	s2 =	stileid.u32  }
0x150: {  	s1 =	rddreg [dreg:$0x1];
	p0 =	sne.s32 s2, $0x0  }
0x151: {  	s3 =	rddreg [dreg:$0x2];
	[bflag:$0x3] =	sbarrier.arrive $0xFFFF;
	s2 =	simm.s32 @!p0 $0x1C05  }
0x152: {  	[timem:s3], [sflag:s2] =	dma.local @!p0 [hbm:s0], s1  }
0x153: {  	s0 =	simm.s32 @!p0 $0x5  }
0x154: {  	_ =	swait.ge @!p0 [sflag:s0], s1  }
0x155: {  	s1 =	ssub.s32 @!p0 $0x0, s1;
	[sflag:s0] =	ssyncset.done @!p0 $0x0  }
0x156: {  	[sflag:s0] =	ssyncadd.s32 @!p0 s1  }
0x157: {  	[bflag:$0x3] =	sbarrier.arrive $0xFFFF  }
0x158: {  	_ =	shalt  }

// kernel: kernel.8.cloned.1.call-start
scs
__scs_entry_jumppad:
0x0: {  	(pc) =	sbr.rel $0x88, $3  }
0x1: {  	(tag) =	ssettag $0x0;
	lr =	simm.s32 $0x1  }
0x2: {  	[smem:$0x3F99] =	sst lr;
	_ =	strace $0xD0000000  }
0x3: {  	_ = 	snop  }
0x4: {  	_ = 	snop  }
0x5: {  	_ = 	snop  }
0x6: {  	_ = 	snop  }
0x7: {  	_ = 	snop  }
__scs_overlays_trampoline_lowered:
0x8: {  	[smem:$0x3FA8] =	sst s0  }
0x9: {  	[smem:$0x3FA9] =	sst s1  }
0xa: {  	[smem:$0x3FAA] =	sst s2  }
0xb: {  	[smem:$0x3FAB] =	sst s3  }
0xc: {  	[smem:$0x3FAC] =	sst s4  }
0xd: {  	[smem:$0x3FAD] =	sst s5  }
0xe: {  	[smem:$0x3FAE] =	sst s6  }
0xf: {  	[smem:$0x3FAF] =	sst s7  }
0x10: {  	[smem:$0x3FB0] =	sst s8  }
0x11: {  	[smem:$0x3FB1] =	sst s9;
	s0 =	simm.s32 @!p0 $0x0  }
0x12: {  	s1 =	sld [smem:$0x3F97];
	s0 =	simm.s32 @p0 $0x1  }
0x13: {  	[smem:$0x3FB2] =	sst s0;
	s0 =	simm.s32 @!p1 $0x0  }
0x14: {  	s2 =	sld [smem:$0x3F96];
	s0 =	simm.s32 @p1 $0x1  }
0x15: {  	[smem:$0x3FB3] =	sst s0;
	s0 =	simm.s32 @!p2 $0x0  }
0x16: {  	s3 =	sld [smem:$0x3FDB];
	s0 =	simm.s32 @p2 $0x1  }
0x17: {  	s4 =	simm.s32 $0x1BF5;
	[smem:$0x3FB5] =	sst s0  }
0x18: {  	s0 =	sld [smem:$0x3F98];
	_ =	swait.ge [sflag:s4], $0x0  }
0x19: {  	s7 =	sld [smem:$0x3F99]  }
0x1a: {  	s8 =	sadd.s32 $0xFFFFE003, lr  }
0x1b: {  	s9 =	sadd.s32 $0xFFFFFEF7, lr;
	s5 =	simm.s32 $0xFFFFFFFF;
	p2 =	slt.u32 s8, $0xFFFFF086  }
0x1c: {  	p1 =	slt.u32 s9, $0xF7A;
	s5 =	simm.s32 @!p2 $0x0  }
0x1d: {  	s5 =	simm.s32 @p1 $0x1;
	p0 =	seq.s32 s7, s2  }
0x1e: {  	s7 =	smul.u32 @!p0 $0xF7A, s2;
	p2 =	seq.s32 @!p0 s5, $0x0  }
0x1f: {  	s9 =	smul.u32 $0xF7A, s1;
	s8 =	simm.s32 @!p0 $0x1BF5;
	p2 =	por !p2, p0  }
0x20: {  	[sflag:s8] =	ssyncset.s32 @!p0 $0xFFFFF086;
	s6 =	sadd.s32 @!p0 s3, s7;
	s7 =	simm.s32 @!p0 $0x108  }
0x21: {  	s3 =	sadd.s32 s3, s9;
	s6 =	sadd.s32 @!p0 $0x88, s6;
	s7 =	simm.s32 @p2 $0x1082  }
0x22: {  	[simem:s7], [sflag:s8] =	dma.local @!p0 [hbm:s6], $0xF7A  }
0x23: {  	s9 =	sor.u32 $0xD0000000, s2;
	s6 =	simm.s32 $0x108;
	_ =	swait.ge @!p0 [sflag:s8], $0x0  }
0x24: {  	s3 =	sadd.s32 $0x88, s3;
	s6 =	simm.s32 @!p1 $0x1082;
	[sflag:s4] =	ssyncset.s32 $0xFFFFF086  }
0x25: {  	[simem:s6], [sflag:s4] =	dma.local [hbm:s3], $0xF7A  }
0x26: {  	[smem:$0x3F99] =	sst s1;
	(tag) =	ssettag s2;
	_ =	strace s9  }
0x27: {  	s1 =	sld [smem:$0x3FA9]  }
0x28: {  	s2 =	sld [smem:$0x3FAA]  }
0x29: {  	s4 =	sld [smem:$0x3FAC]  }
0x2a: {  	p0 =	seq.s32 s5, $0x0;
	s5 =	sld [smem:$0x3FAD]  }
0x2b: {  	s6 =	sld [smem:$0x3FAE]  }
0x2c: {  	s7 =	sld [smem:$0x3FAF]  }
0x2d: {  	s3 =	simm.s32 $0x108;
	s8 =	sld [smem:$0x3FB0]  }
0x2e: {  	s3 =	simm.s32 @!p0 $0x1082;
	s9 =	sld [smem:$0x3FB1]  }
0x2f: {  	lr =	sadd.s32 s0, s3;
	s0 =	sld [smem:$0x3FA8]  }
0x30: {  	s3 =	sld [smem:$0x3FAB]  }
0x31: {  	[smem:$0x3FB4] =	sst s10  }
0x32: {  	s10 =	sld [smem:$0x3FB2];
	_ =	sdelay $0x3  }
0x33: {  	p0 =	seq.s32 s10, $0x1;
	s10 =	sld [smem:$0x3FB4];
	_ =	sdelay $0x3  }
0x34: {  	[smem:$0x3FB4] =	sst s10  }
0x35: {  	s10 =	sld [smem:$0x3FB3];
	_ =	sdelay $0x3  }
0x36: {  	p1 =	seq.s32 s10, $0x1;
	s10 =	sld [smem:$0x3FB4];
	_ =	sdelay $0x3  }
0x37: {  	[smem:$0x3FB4] =	sst s10  }
0x38: {  	s10 =	sld [smem:$0x3FB5]  }
0x39: {  	_ = 	snop;
	(pc) =	sbr.ind lr, $3  }
0x3a: {  	_ = 	snop  }
0x3b: {  	_ = 	snop  }
0x3c: {  	p2 =	seq.s32 s10, $0x1;
	s10 =	sld [smem:$0x3FB4]  }
0x3d: {  	_ =	shalt  }
0x3e: {  	_ =	shalt  }
0x3f: {  	_ =	shalt  }
0x40: {  	_ =	shalt  }
0x41: {  	_ =	shalt  }
0x42: {  	_ =	shalt  }
0x43: {  	_ =	shalt  }
0x44: {  	_ =	shalt  }
0x45: {  	_ =	shalt  }
0x46: {  	_ =	shalt  }
0x47: {  	_ =	shalt  }
0x48: {  	_ =	shalt  }
0x49: {  	_ =	shalt  }
0x4a: {  	_ =	shalt  }
0x4b: {  	_ =	shalt  }
0x4c: {  	_ =	shalt  }
0x4d: {  	_ =	shalt  }
0x4e: {  	_ =	shalt  }
0x4f: {  	_ =	shalt  }
0x50: {  	_ =	shalt  }
0x51: {  	_ =	shalt  }
0x52: {  	_ =	shalt  }
0x53: {  	_ =	shalt  }
0x54: {  	_ =	shalt  }
0x55: {  	_ =	shalt  }
0x56: {  	_ =	shalt  }
0x57: {  	_ =	shalt  }
0x58: {  	_ =	shalt  }
0x59: {  	_ =	shalt  }
0x5a: {  	_ =	shalt  }
0x5b: {  	_ =	shalt  }
0x5c: {  	_ =	shalt  }
0x5d: {  	_ =	shalt  }
0x5e: {  	_ =	shalt  }
0x5f: {  	_ =	shalt  }
0x60: {  	_ =	shalt  }
0x61: {  	_ =	shalt  }
0x62: {  	_ =	shalt  }
0x63: {  	_ =	shalt  }
0x64: {  	_ =	shalt  }
0x65: {  	_ =	shalt  }
0x66: {  	_ =	shalt  }
0x67: {  	_ =	shalt  }
0x68: {  	_ =	shalt  }
0x69: {  	_ =	shalt  }
0x6a: {  	_ =	shalt  }
0x6b: {  	_ =	shalt  }
0x6c: {  	_ =	shalt  }
0x6d: {  	_ =	shalt  }
0x6e: {  	_ =	shalt  }
0x6f: {  	_ =	shalt  }
0x70: {  	_ =	shalt  }
0x71: {  	_ =	shalt  }
0x72: {  	_ =	shalt  }
0x73: {  	_ =	shalt  }
0x74: {  	_ =	shalt  }
0x75: {  	_ =	shalt  }
0x76: {  	_ =	shalt  }
0x77: {  	_ =	shalt  }
0x78: {  	_ =	shalt  }
0x79: {  	_ =	shalt  }
0x7a: {  	_ =	shalt  }
0x7b: {  	_ =	shalt  }
0x7c: {  	_ =	shalt  }
0x7d: {  	_ =	shalt  }
0x7e: {  	_ =	shalt  }
0x7f: {  	_ =	shalt  }
0x80: {  	_ =	shalt  }
0x81: {  	_ =	shalt  }
0x82: {  	_ =	shalt  }
0x83: {  	_ =	shalt  }
0x84: {  	_ =	shalt  }
0x85: {  	_ =	shalt  }
0x86: {  	_ =	shalt  }
0x87: {  	_ =	shalt  }
.Lfunc_end0:
.L_simem_size_0:
called_computation.1_lowered:
.L_overlay_start_0:
0x88: {  	s2 =	sld [smem:$0x3FD9]  }
0x89: {  	s3 =	sld [smem:$0x3FFE];
	_ =	sdelay $0x1  }
0x8a: {  	s1 =	srdreg.scid  }
0x8b: {  	s0 =	sand.u32 $0x1, s1  }
0x8c: {  	s17 =	sshll.u32 s0, $0xA;
	s2 =	sadd.s32 s3, s2  }
0x8d: {  	s2 =	sadd.s32 s2, s17  }
0x8e: {  	[smem:$0x3FC0] =	sst s2  }
0x8f: {  	_ = 	snop  }
0x90: {  	s2 =	sld [smem:$0x3FD0];
	(tm) =	ssettm $0x1  }
0x91: {  	s18 =	sld [smem:$0x3FFB];
	_ =	sdelay $0x3  }
0x92: {  	_ =	strace s18  }
0x93: {  	s3 =	sld [smem:$0x3FFC];
	_ =	sdelay $0x3  }
0x94: {  	_ =	strace s3  }
0x95: {  	s3 =	sld [smem:$0x3FFD];
	_ =	sdelay $0x3  }
0x96: {  	_ =	strace s3  }
0x97: {  	_ =	strace $0x8FFFFFFF  }
0x98: {  	s19 =	sld [smem:$0x3FDB];
	_ =	sdelay $0x1  }
0x99: {  	s4 =	simm.s32 $_scs_section_size  }
0x9a: {  	s5 =	simm.s32 $_size__tile_overlayer_lowered;
	s6 =	simm.s32 $_tile_overlayer_lowered  }
0x9b: {  	s22 =	simm.s32 $0x1BFF;
	s21 =	sshll.u32 s6, $0x1;
	s3 =	sadd.s32 s4, s19  }
0x9c: {  	s7 =	simm.s32 $0x0;
	s20 =	sshll.u32 s5, $0x1;
	s5 =	sadd.s32 s21, s3  }
0x9d: {  	[timem:s7], [sflag:s22] =	dma.local [hbm:s5], s20  }
0x9e: {  	_ =	swait.ge [sflag:s22], s20  }
0x9f: {  	s4 =	ssub.s32 $0x0, s20;
	[sflag:s22] =	ssyncset.done $0x0  }
0xa0: {  	[sflag:s22] =	ssyncadd.s32 s4;
	_ =	sdelay $0x1  }
0xa1: {  	s23 =	simm.s32 $0x1B8B  }
0xa2: {  	_ =	swait.ge [sflag:s23], $0x1  }
0xa3: {  	[sflag:s23] =	ssyncset.done $0x0  }
0xa4: {  	s25 =	simm.s32 $0x1B8E;
	s24 =	sld [smem:$0x3FFE];
	[sflag:s23] =	ssyncadd.s32 $0xFFFFFFFF  }
0xa5: {  	s26 =	simm.s32 $execute0_lowered;
	[smem:$0x3FD2] =	sst s25  }
0xa6: {  	s5 =	sshll.u32 s26, $0x1;
	_ =	strace $0x80000049;
	[dreg:$0x1] =	wrdreg $0xFFFFFFFF  }
0xa7: {  	s28 =	simm.s32 $_size_execute0_lowered;
	s3 =	sadd.s32 s3, s5;
	[dreg:$0x0] =	wrdreg $0x0  }
0xa8: {  	s5 =	sshll.u32 s28, $0x1;
	[dreg:$0x2] =	wrdreg s3  }
0xa9: {  	[dreg:$0x3] =	wrdreg s5  }
0xaa: {  	[dreg:$0x4] =	wrdreg $0xC0  }
0xab: {  	_ =	task [dreg:s7], $0x5FFFF  }
0xac: {  	[dreg:$0x1] =	wrdreg $0xFFFFFFFF  }
0xad: {  	[dreg:$0x0] =	wrdreg $0x60  }
0xae: {  	[dreg:$0x2] =	wrdreg s24  }
0xaf: {  	[dreg:$0x3] =	wrdreg s2  }
0xb0: {  	[dreg:$0x4] =	wrdreg $0x9  }
0xb1: {  	_ =	task.clear_ibuf [dreg:s7], $0x5FFFF;
	_ =	strace $0x90000049  }
0xb2: {  	s29 =	simm.s32 $0x9;
	_ =	strace $0x8000004B  }
0xb3: {  	_ =	swait.ge [sflag:s29], $0x1  }
0xb4: {  	[sflag:s29] =	ssyncadd.s32 $0xFFFFFFFF  }
0xb5: {  	_ =	strace $0x9000004B  }
0xb6: {  	_ =	sfence  }
0xb7: {  	s30 =	sld [smem:$0x0];
	_ =	sdelay $0x2  }
0xb8: {  	s31 =	sshll.u32 s1, $0xD;
	s1 =	sshrl.u32 s1, $0x2  }
0xb9: {  	s3 =	sand.u32 $0x4000, s31;
	s1 =	sadd.s32 s1, s30  }
0xba: {  	s0 =	sor.u32 s3, s0;
	s1 =	sshll.u32 s1, $0x11  }
0xbb: {  	s0 =	sor.u32 s1, s0  }
0xbc: {  	s0 =	sadd.s32 $0x8F2B, s0  }
0xbd: {  	[sflag:s0] =	ssyncadd.remote.s32 $0x1  }
0xbe: {  	_ =	sfence.sel $0xFFFF  }
0xbf: {  	[dreg:$0x0] =	wrdreg $0xFFFFFFFF;
	(pc) =	sbr.abs _section_cstart, $3  }
0xc0: {  	[dreg:$0x1] =	wrdreg $0xFFFFFFFF  }
0xc1: {  	_ =	task.clear_ibuf [dreg:s7], $0x2FFFF;
	_ =	strace $0x9FFFFFFF  }
0xc2: {  	(tm) =	ssettm $0x7FFFFFFF  }
0xc3: {  	_ =	shalt  }
tec
execute0_lowered:
.L_overlay_start_1:
0x0: {  	(tag) =	ssettag $0x1  }
0x1: {  	s0 =	srdreg.scid;
	s6 =	rddreg [dreg:$0x0]  }
0x2: {  	s4 =	stileid.u32;
	s7 =	rddreg [dreg:$0x1]  }
0x3: {  	s2 =	simm.s32 $0x0;
	s12 =	simm.s32 $0x80;
	s13 =	simm.s32 $0x34D0  }
0x4: {  	s14 =	simm.s32 $0x38D0;
	s16 =	simm.s32 $0x3CD0;
	s18 =	simm.s32 $0x40D0  }
0x5: {  	s19 =	simm.s32 $0x1;
	s20 =	simm.s32 $0x2;
	s21 =	simm.s32 $0x3  }
0x6: {  	s22 =	simm.s32 $0x4;
	s23 =	simm.s32 $0x5;
	s29 =	simm.s32 $0x44D0  }
0x7: {  	s31 =	simm.s32 $0x0;
	s0 =	sand.u32 $0x1, s0;
	s1 =	sshll.u32 s4, $0x1  }
0x8: {  	[smem:$0x7FF] =	sst s2;
	s26 =	sadd.s32 $0x2D8800, s6;
	s9 =	smul.u32 $0x6800, s4  }
0x9: {  	s1 =	sor.u32 s0, s1;
	s10 =	ssub.s32 $0x2, s0;
	s0 =	smul.u32 $0x3400, s0  }
0xa: {  	_ =	strace $0x8000004A;
	[dreg:$0x3] =	wrdreg s26;
	s3 =	smul.u32 $0x3400, s1  }
0xb: {  	s11 =	sshrl.u32 s10, $0x1;
	s9 =	sadd.s32 s9, s6;
	s1 =	sshll.u32 s1, $0x6  }
0xc: {  	s10 =	ssub.s32 s10, s11;
	s0 =	sadd.s32 s0, s9;
	s1 =	sadd.s32 s7, s1  }
0xd: {  	s3 =	sshrl.u32 s3, $0x3;
	[dreg:$0x5] =	wrdreg s1;
	s30 =	smax.u32 s10, $0x1  }
0xe: {  	v0 =	vlaneseq.u32;
	s0 =	sadd.s32 $0x2D8A00, s0;
	s8 =	sadd.s32 s3, s6;
	[dreg:$0x6] =	wrdreg s30  }
0xf: {  	s4 =	sadd.s32 $0x1400, s6;
	v1 =	vand.u32 $0x3, v0;
	[dreg:$0x7] =	wrdreg s0;
	s28 =	sadd.s32 $0x27C200, s8  }
0x10: {  	s5 =	sadd.s32 $0x289200, s6;
	v0 =	vmul.u32 $0x1A, v0;
	v1 =	vmul.u32 $0x2, v1;
	s1 =	simm.s32 $0xA;
	[dreg:$0x4] =	wrdreg s28  }
.LBB2_1:
0x11: {  	s0 =	rddreg [dreg:$0x4]  }
0x12: {  	[tilespmem:s2], [sflag:$0xA] =	stream.linear.gather [hbm4b:s0+s2], $0x3400, $0x38;
	[tilespmem:$0x7AD0] =	vst v63  }
0x13: {  	_ =	swait.ge [sflag:s1], $0x3400  }
0x14: {  	[sflag:s1] =	ssyncset.done $0x0  }
0x15: {  	s3 =	simm.s32 $0x3400;
	s30 =	rddreg [dreg:$0x3];
	[sflag:s1] =	ssyncadd.s32 $0xFFFFCC00  }
0x16: {  	[tilespmem:s3], [sflag:$0xA] =	stream.linear.gather [hbm4b:s30+s2], $0xD0, $0x38;
	[tilespmem:$0x7AD0] =	vst v63  }
0x17: {  	_ =	swait.ge [sflag:s1], $0xD0  }
0x18: {  	[sflag:s1] =	ssyncset.done $0x0  }
0x19: {  	[sflag:s1] =	ssyncadd.s32 $0xFFFFFF30  }
0x1a: {  	s1 =	simm.s32 $0xD0;
	v2 =	vld [tilespmem:$0x3400]  }
0x1b: {  	v3 =	vld [tilespmem:s1+$0x0];
	_ =	sdelay $0x4  }
0x1c: {  	v3 =	vadd.s32 v2, v3  }
0x1d: {  	[tilespmem:s1+$0x0] =	vst v3;
	v3 =	vld [tilespmem:s1+$0x10]  }
0x1e: {  	v4 =	vld [tilespmem:$0x3410];
	_ =	sdelay $0x4  }
0x1f: {  	v3 =	vadd.s32 v3, v4;
	v4 =	vld [tilespmem:s1+$0xFFFFFF30]  }
0x20: {  	[tilespmem:s1+$0x10] =	vst v3;
	v3 =	vld [tilespmem:s1+$0x20]  }
0x21: {  	v5 =	vld [tilespmem:$0x3420];
	_ =	sdelay $0x3  }
0x22: {  	v6 =	vld [tilespmem:s1+$0xFFFFFF40];
	v2 =	vadd.s32 v4, v2  }
0x23: {  	v7 =	vld [tilespmem:s1+$0xFFFFFF50];
	[tilespmem:s1+$0xFFFFFF30] =	vst v2;
	v2 =	vadd.s32 v3, v5  }
0x24: {  	[tilespmem:s1+$0x20] =	vst v2;
	v2 =	vld [tilespmem:s1+$0x30]  }
0x25: {  	v4 =	vld [tilespmem:$0x3430]  }
0x26: {  	v8 =	vld [tilespmem:s1+$0xFFFFFF70]  }
0x27: {  	v3 =	vld [tilespmem:$0x3410]  }
0x28: {  	v9 =	vld [tilespmem:s1+$0xFFFFFF80]  }
0x29: {  	v11 =	vld [tilespmem:s1+$0xFFFFFF90]  }
0x2a: {  	v12 =	vld [tilespmem:s1+$0xFFFFFFA0];
	v2 =	vadd.s32 v2, v4  }
0x2b: {  	[tilespmem:s1+$0x30] =	vst v2;
	v2 =	vld [tilespmem:s1+$0x40]  }
0x2c: {  	v3 =	vadd.s32 v6, v3;
	v4 =	vld [tilespmem:$0x3440]  }
0x2d: {  	v13 =	vld [tilespmem:s1+$0xFFFFFFB0];
	[tilespmem:s1+$0xFFFFFF40] =	vst v3  }
0x2e: {  	s0 =	simm.s32 $0x270;
	v3 =	vld [tilespmem:$0x3420]  }
0x2f: {  	v14 =	vld [tilespmem:s0+$0xFFFFFF30]  }
0x30: {  	v15 =	vld [tilespmem:s0+$0xFFFFFF60]  }
0x31: {  	v17 =	vld [tilespmem:s0+$0xFFFFFF70];
	v2 =	vadd.s32 v2, v4  }
0x32: {  	[tilespmem:s1+$0x40] =	vst v2;
	v2 =	vld [tilespmem:s1+$0x50]  }
0x33: {  	v3 =	vadd.s32 v7, v3;
	v4 =	vld [tilespmem:$0x3450]  }
0x34: {  	v5 =	vld [tilespmem:s1+$0xFFFFFF60];
	[tilespmem:s1+$0xFFFFFF50] =	vst v3  }
0x35: {  	v3 =	vld [tilespmem:$0x3430]  }
0x36: {  	v43 =	vld [tilespmem:s0+$0x40]  }
0x37: {  	v19 =	vld [tilespmem:s0+$0xFFFFFF90]  }
0x38: {  	v6 =	vld [tilespmem:s0+$0x0];
	v2 =	vadd.s32 v2, v4  }
0x39: {  	[tilespmem:s1+$0x50] =	vst v2;
	v2 =	vld [tilespmem:s1+$0x60]  }
0x3a: {  	v3 =	vadd.s32 v5, v3;
	v4 =	vld [tilespmem:$0x3460]  }
0x3b: {  	v5 =	vld [tilespmem:$0x3400];
	[tilespmem:s1+$0xFFFFFF60] =	vst v3  }
0x3c: {  	v3 =	vld [tilespmem:$0x3440]  }
0x3d: {  	v44 =	vld [tilespmem:s0+$0xFFFFFFA0]  }
0x3e: {  	s11 =	simm.s32 $0x410;
	v46 =	vld [tilespmem:s0+$0xFFFFFFD0]  }
0x3f: {  	v20 =	vld [tilespmem:s11+$0xFFFFFF30];
	v2 =	vadd.s32 v2, v4  }
0x40: {  	[tilespmem:s1+$0x60] =	vst v2;
	v2 =	vld [tilespmem:s1+$0x70]  }
0x41: {  	v3 =	vadd.s32 v8, v3;
	v4 =	vadd.s32 v5, v6;
	v8 =	vld [tilespmem:$0x3470]  }
0x42: {  	[tilespmem:s0+$0x0] =	vst v4;
	v4 =	vld [tilespmem:s0+$0x10]  }
0x43: {  	v10 =	vld [tilespmem:$0x3410]  }
0x44: {  	v21 =	vld [tilespmem:s11+$0xFFFFFF40];
	[tilespmem:s1+$0xFFFFFF70] =	vst v3  }
0x45: {  	v3 =	vld [tilespmem:$0x3450]  }
0x46: {  	v22 =	vld [tilespmem:s11+$0xFFFFFF50];
	v2 =	vadd.s32 v2, v8  }
0x47: {  	[tilespmem:s1+$0x70] =	vst v2;
	v2 =	vld [tilespmem:s1+$0x80]  }
0x48: {  	v4 =	vadd.s32 v4, v10;
	v10 =	vld [tilespmem:$0x3480]  }
0x49: {  	v5 =	vadd.s32 v14, v5;
	[tilespmem:s0+$0x10] =	vst v4;
	v4 =	vld [tilespmem:s0+$0x20]  }
0x4a: {  	[tilespmem:s0+$0xFFFFFF30] =	vst v5;
	v3 =	vadd.s32 v9, v3;
	v9 =	vld [tilespmem:$0x3420]  }
0x4b: {  	v5 =	vld [tilespmem:$0x3410]  }
0x4c: {  	v8 =	vld [tilespmem:s0+$0xFFFFFF40]  }
0x4d: {  	v48 =	vld [tilespmem:s11+$0xFFFFFF60];
	v2 =	vadd.s32 v2, v10  }
0x4e: {  	[tilespmem:s1+$0x80] =	vst v2;
	v2 =	vld [tilespmem:s1+$0x90]  }
0x4f: {  	v4 =	vadd.s32 v4, v9;
	v9 =	vld [tilespmem:$0x3490]  }
0x50: {  	[tilespmem:s0+$0x20] =	vst v4;
	v4 =	vld [tilespmem:s0+$0x30]  }
0x51: {  	[tilespmem:s1+$0xFFFFFF80] =	vst v3;
	v5 =	vadd.s32 v8, v5;
	v16 =	vld [tilespmem:$0x3430]  }
0x52: {  	v3 =	vld [tilespmem:s0+$0xFFFFFF50];
	[tilespmem:s0+$0xFFFFFF40] =	vst v5  }
0x53: {  	v5 =	vld [tilespmem:$0x3420]  }
0x54: {  	v14 =	vld [tilespmem:$0x3460];
	v2 =	vadd.s32 v2, v9  }
0x55: {  	v9 =	vld [tilespmem:s1+$0xA0];
	[tilespmem:s1+$0x90] =	vst v2  }
0x56: {  	v2 =	vadd.s32 v4, v16;
	v4 =	vld [tilespmem:$0x34A0]  }
0x57: {  	v23 =	vld [tilespmem:s0+$0x90];
	[tilespmem:s0+$0x30] =	vst v2  }
0x58: {  	v3 =	vadd.s32 v3, v5;
	v18 =	vld [tilespmem:$0x3440]  }
0x59: {  	v49 =	vld [tilespmem:s11+$0xFFFFFF80];
	v5 =	vadd.s32 v11, v14;
	[tilespmem:s0+$0xFFFFFF50] =	vst v3  }
0x5a: {  	[tilespmem:s1+$0xFFFFFF90] =	vst v5;
	v3 =	vld [tilespmem:$0x3430]  }
0x5b: {  	v5 =	vld [tilespmem:$0x3470];
	v4 =	vadd.s32 v9, v4  }
0x5c: {  	[tilespmem:s1+$0xA0] =	vst v4;
	v4 =	vld [tilespmem:s1+$0xB0]  }
0x5d: {  	v9 =	vadd.s32 v43, v18;
	v11 =	vld [tilespmem:$0x34B0]  }
0x5e: {  	[tilespmem:s0+$0x40] =	vst v9;
	v9 =	vld [tilespmem:s0+$0x50]  }
0x5f: {  	v14 =	vld [tilespmem:$0x3450]  }
0x60: {  	v25 =	vld [tilespmem:s11+$0xFFFFFF90]  }
0x61: {  	v50 =	vld [tilespmem:s0+$0xA0];
	v3 =	vadd.s32 v15, v3  }
0x62: {  	v54 =	vld [tilespmem:s11+$0x40];
	[tilespmem:s0+$0xFFFFFF60] =	vst v3;
	v3 =	vadd.s32 v12, v5  }
0x63: {  	v5 =	vld [tilespmem:$0x3440];
	[tilespmem:s1+$0xFFFFFFA0] =	vst v3;
	v4 =	vadd.s32 v4, v11  }
0x64: {  	v3 =	vld [tilespmem:$0x3480];
	[tilespmem:s1+$0xB0] =	vst v4;
	v4 =	vadd.s32 v9, v14  }
0x65: {  	[tilespmem:s0+$0x50] =	vst v4;
	v4 =	vld [tilespmem:s0+$0x60]  }
0x66: {  	v9 =	vld [tilespmem:$0x3460]  }
0x67: {  	v56 =	vld [tilespmem:s0+$0xB0]  }
0x68: {  	v59 =	vld [tilespmem:s11+$0x50];
	v5 =	vadd.s32 v17, v5  }
0x69: {  	v8 =	vld [tilespmem:s0+$0xFFFFFF80];
	[tilespmem:s0+$0xFFFFFF70] =	vst v5  }
0x6a: {  	v3 =	vadd.s32 v13, v3;
	v5 =	vld [tilespmem:$0x3450]  }
0x6b: {  	[tilespmem:s1+$0xFFFFFFB0] =	vst v3;
	v3 =	vadd.s32 v4, v9;
	v4 =	vld [tilespmem:$0x3400]  }
0x6c: {  	v9 =	vld [tilespmem:s0+$0x70]  }
0x6d: {  	[tilespmem:s0+$0x60] =	vst v3;
	v3 =	vld [tilespmem:s11+$0x0]  }
0x6e: {  	v45 =	vld [tilespmem:$0x3470]  }
0x6f: {  	v61 =	vld [tilespmem:s0+$0xC0]  }
0x70: {  	v7 =	vld [tilespmem:s1+$0xFFFFFFC0]  }
0x71: {  	v6 =	vld [tilespmem:s1+$0xFFFFFFD0]  }
0x72: {  	v5 =	vadd.s32 v8, v5;
	v8 =	vld [tilespmem:s0+$0x80];
	v3 =	vadd.s32 v4, v3  }
0x73: {  	[tilespmem:s11+$0x0] =	vst v3;
	v3 =	vadd.s32 v9, v45;
	v9 =	vld [tilespmem:s11+$0x10]  }
0x74: {  	[tilespmem:s0+$0x70] =	vst v3;
	v3 =	vld [tilespmem:$0x3410]  }
0x75: {  	[tilespmem:s0+$0xFFFFFF80] =	vst v5;
	v5 =	vld [tilespmem:$0x3480]  }
0x76: {  	v10 =	vld [tilespmem:s1+$0xFFFFFFE0];
	v4 =	vadd.s32 v20, v4  }
0x77: {  	v2 =	vld [tilespmem:s1+$0xFFFFFFF0];
	[tilespmem:s11+$0xFFFFFF30] =	vst v4  }
0x78: {  	v4 =	vld [tilespmem:$0x3410]  }
0x79: {  	v13 =	vld [tilespmem:$0x3490];
	v3 =	vadd.s32 v9, v3  }
0x7a: {  	[tilespmem:s11+$0x10] =	vst v3;
	v3 =	vadd.s32 v8, v5;
	v5 =	vld [tilespmem:s11+$0x20]  }
0x7b: {  	[tilespmem:s0+$0x80] =	vst v3;
	v8 =	vld [tilespmem:$0x3420]  }
0x7c: {  	v24 =	vld [tilespmem:$0x3490]  }
0x7d: {  	v15 =	vld [tilespmem:s0+$0xFFFFFFC0];
	v4 =	vadd.s32 v21, v4  }
0x7e: {  	v7 =	vadd.s32 v7, v13;
	v47 =	vld [tilespmem:$0x3460];
	[tilespmem:s11+$0xFFFFFF40] =	vst v4  }
0x7f: {  	[tilespmem:s1+$0xFFFFFFC0] =	vst v7;
	v4 =	vld [tilespmem:$0x3420]  }
0x80: {  	v58 =	vld [tilespmem:$0x34A0];
	v5 =	vadd.s32 v5, v8  }
0x81: {  	v8 =	vld [tilespmem:s11+$0x30];
	[tilespmem:s11+$0x20] =	vst v5;
	v5 =	vadd.s32 v23, v24  }
0x82: {  	[tilespmem:s0+$0x90] =	vst v5;
	v5 =	vld [tilespmem:$0x3430]  }
0x83: {  	v12 =	vld [tilespmem:s1+$0xC0]  }
0x84: {  	v11 =	vld [tilespmem:s0+$0xFFFFFFB0];
	v4 =	vadd.s32 v22, v4  }
0x85: {  	v14 =	vld [tilespmem:$0x34C0];
	v17 =	vadd.s32 v19, v47;
	[tilespmem:s11+$0xFFFFFF50] =	vst v4  }
0x86: {  	[tilespmem:s0+$0xFFFFFF90] =	vst v17;
	v52 =	vld [tilespmem:$0x3430]  }
0x87: {  	v6 =	vadd.s32 v6, v58;
	v5 =	vadd.s32 v8, v5;
	v8 =	vld [tilespmem:$0x3470]  }
0x88: {  	[tilespmem:s1+$0xFFFFFFD0] =	vst v6;
	v6 =	vld [tilespmem:s11+$0xFFFFFFD0]  }
0x89: {  	v62 =	vld [tilespmem:$0x34B0]  }
0x8a: {  	v9 =	vld [tilespmem:s11+$0xFFFFFF70];
	[tilespmem:s11+$0x30] =	vst v5  }
0x8b: {  	v17 =	vadd.s32 v48, v52;
	v55 =	vld [tilespmem:$0x3440]  }
0x8c: {  	v51 =	vld [tilespmem:$0x34A0];
	[tilespmem:s11+$0xFFFFFF60] =	vst v17;
	v8 =	vadd.s32 v44, v8  }
0x8d: {  	[tilespmem:s0+$0xFFFFFFA0] =	vst v8;
	v8 =	vld [tilespmem:$0x3440]  }
0x8e: {  	v13 =	vld [tilespmem:$0x3480]  }
0x8f: {  	v3 =	vld [tilespmem:s0+$0xFFFFFFE0]  }
0x90: {  	v4 =	vld [tilespmem:s0+$0xFFFFFFF0];
	v7 =	vadd.s32 v54, v55  }
0x91: {  	v5 =	vld [tilespmem:s11+$0xFFFFFFA0];
	v53 =	vadd.s32 v50, v51;
	[tilespmem:s11+$0x40] =	vst v7  }
0x92: {  	[tilespmem:s0+$0xA0] =	vst v53;
	v60 =	vld [tilespmem:$0x3450];
	v8 =	vadd.s32 v9, v8  }
0x93: {  	v57 =	vld [tilespmem:$0x34B0];
	[tilespmem:s11+$0xFFFFFF70] =	vst v8;
	v8 =	vadd.s32 v11, v13  }
0x94: {  	v11 =	vld [tilespmem:$0x3450];
	[tilespmem:s0+$0xFFFFFFB0] =	vst v8  }
0x95: {  	v8 =	vld [tilespmem:$0x3490]  }
0x96: {  	v7 =	vld [tilespmem:s11+$0xFFFFFFB0]  }
0x97: {  	v9 =	vld [tilespmem:s11+$0xFFFFFFC0];
	v13 =	vadd.s32 v59, v60  }
0x98: {  	v16 =	vadd.s32 v56, v57;
	[tilespmem:s11+$0x50] =	vst v13;
	v13 =	vld [tilespmem:s11+$0x60]  }
0x99: {  	[tilespmem:s0+$0xB0] =	vst v16;
	v63 =	vld [tilespmem:$0x3460];
	v11 =	vadd.s32 v49, v11  }
0x9a: {  	[tilespmem:s11+$0xFFFFFF80] =	vst v11;
	v11 =	vld [tilespmem:$0x34C0];
	v8 =	vadd.s32 v15, v8  }
0x9b: {  	v15 =	vld [tilespmem:$0x3460];
	[tilespmem:s0+$0xFFFFFFC0] =	vst v8  }
0x9c: {  	v8 =	vadd.s32 v12, v14;
	v12 =	vld [tilespmem:$0x34A0]  }
0x9d: {  	v14 =	vadd.s32 v10, v62;
	v10 =	vld [tilespmem:s11+$0xFFFFFFF0];
	[tilespmem:s1+$0xC0] =	vst v8  }
0x9e: {  	v8 =	vld [tilespmem:s11+$0xFFFFFFE0];
	[tilespmem:s1+$0xFFFFFFE0] =	vst v14;
	v13 =	vadd.s32 v13, v63  }
0x9f: {  	[tilespmem:s11+$0x60] =	vst v13;
	v14 =	vadd.s32 v61, v11;
	v11 =	vld [tilespmem:$0x34C0]  }
0xa0: {  	v13 =	vld [tilespmem:s11+$0x70];
	[tilespmem:s0+$0xC0] =	vst v14;
	v14 =	vadd.s32 v25, v15  }
0xa1: {  	s17 =	simm.s32 $0x4;
	s15 =	simm.s32 $0x410;
	[tilespmem:s11+$0xFFFFFF90] =	vst v14;
	v14 =	vld [tilespmem:$0x3470];
	v12 =	vadd.s32 v46, v12  }
.LBB2_2:
0xa2: {  	v15 =	vld [tilespmem:$0x3400];
	s11 =	sadd.s32 $0x1A0, s11;
	[tilespmem:s0+$0xFFFFFFD0] =	vst v12  }
0xa3: {  	s17 =	sadd.s32 $0x2, s17;
	v12 =	vld [tilespmem:s11+$0x0]  }
0xa4: {  	p0 =	slt.u32 s17, $0x3E;
	v16 =	vld [tilespmem:s11+$0xFFFFFF30];
	v11 =	vadd.s32 v2, v11;
	v2 =	vmov v4;
	v4 =	vmov v10  }
0xa5: {  	v10 =	vld [tilespmem:s11+$0xFFFFFF40];
	[tilespmem:s1+$0xFFFFFFF0] =	vst v11;
	s1 =	smov.u32 s0;
	s0 =	smov.u32 s15;
	s15 =	smov.u32 s11  }
0xa6: {  	v11 =	vld [tilespmem:s11+$0xFFFFFF50];
	v13 =	vadd.s32 v13, v14  }
0xa7: {  	[tilespmem:s0+$0x70] =	vst v13;
	v13 =	vld [tilespmem:s0+$0x80]  }
0xa8: {  	v12 =	vadd.s32 v15, v12;
	v14 =	vld [tilespmem:$0x3480]  }
0xa9: {  	v15 =	vadd.s32 v16, v15;
	[tilespmem:s11+$0x0] =	vst v12;
	v12 =	vld [tilespmem:s11+$0x10]  }
0xaa: {  	[tilespmem:s11+$0xFFFFFF30] =	vst v15;
	v15 =	vld [tilespmem:$0x3410]  }
0xab: {  	v16 =	vld [tilespmem:$0x3410]  }
0xac: {  	v17 =	vld [tilespmem:s11+$0xFFFFFF60]  }
0xad: {  	v18 =	vld [tilespmem:s11+$0xFFFFFF70];
	v13 =	vadd.s32 v13, v14  }
0xae: {  	[tilespmem:s0+$0x80] =	vst v13;
	v13 =	vld [tilespmem:s0+$0x90]  }
0xaf: {  	v12 =	vadd.s32 v12, v15;
	v14 =	vld [tilespmem:$0x3490]  }
0xb0: {  	v10 =	vadd.s32 v10, v16;
	[tilespmem:s11+$0x10] =	vst v12;
	v12 =	vld [tilespmem:s11+$0x20]  }
0xb1: {  	[tilespmem:s11+$0xFFFFFF40] =	vst v10;
	v10 =	vld [tilespmem:$0x3420]  }
0xb2: {  	v15 =	vld [tilespmem:$0x3420]  }
0xb3: {  	v16 =	vld [tilespmem:s11+$0xFFFFFF80]  }
0xb4: {  	v19 =	vld [tilespmem:s11+$0xFFFFFF90];
	v13 =	vadd.s32 v13, v14  }
0xb5: {  	[tilespmem:s0+$0x90] =	vst v13;
	v13 =	vld [tilespmem:s0+$0xA0]  }
0xb6: {  	v10 =	vadd.s32 v12, v10;
	v12 =	vld [tilespmem:$0x34A0]  }
0xb7: {  	v11 =	vadd.s32 v11, v15;
	[tilespmem:s11+$0x20] =	vst v10;
	v10 =	vld [tilespmem:s11+$0x30]  }
0xb8: {  	[tilespmem:s11+$0xFFFFFF50] =	vst v11;
	v11 =	vld [tilespmem:$0x3430]  }
0xb9: {  	v14 =	vld [tilespmem:$0x3430]  }
0xba: {  	v15 =	vld [tilespmem:$0x3470]  }
0xbb: {  	v20 =	vld [tilespmem:s11+$0xFFFFFFA0];
	v12 =	vadd.s32 v13, v12  }
0xbc: {  	[tilespmem:s0+$0xA0] =	vst v12;
	v12 =	vld [tilespmem:s0+$0xB0]  }
0xbd: {  	v10 =	vadd.s32 v10, v11;
	v11 =	vld [tilespmem:$0x34B0]  }
0xbe: {  	v13 =	vadd.s32 v17, v14;
	[tilespmem:s11+$0x30] =	vst v10;
	v10 =	vld [tilespmem:s11+$0x40]  }
0xbf: {  	[tilespmem:s11+$0xFFFFFF60] =	vst v13;
	v13 =	vld [tilespmem:$0x3440];
	v15 =	vadd.s32 v5, v15  }
0xc0: {  	v14 =	vld [tilespmem:$0x3440];
	[tilespmem:s0+$0xFFFFFFA0] =	vst v15;
	v5 =	vmov v20  }
0xc1: {  	v15 =	vld [tilespmem:$0x3480]  }
0xc2: {  	v17 =	vld [tilespmem:s11+$0xFFFFFFB0];
	v11 =	vadd.s32 v12, v11  }
0xc3: {  	[tilespmem:s0+$0xB0] =	vst v11;
	v11 =	vld [tilespmem:s0+$0xC0]  }
0xc4: {  	v10 =	vadd.s32 v10, v13;
	v12 =	vld [tilespmem:$0x34C0]  }
0xc5: {  	v13 =	vadd.s32 v18, v14;
	[tilespmem:s11+$0x40] =	vst v10;
	v10 =	vld [tilespmem:s11+$0x50]  }
0xc6: {  	[tilespmem:s11+$0xFFFFFF70] =	vst v13;
	v13 =	vld [tilespmem:$0x3450];
	v15 =	vadd.s32 v7, v15  }
0xc7: {  	v14 =	vld [tilespmem:$0x3450];
	[tilespmem:s0+$0xFFFFFFB0] =	vst v15;
	v7 =	vmov v17  }
0xc8: {  	v15 =	vld [tilespmem:$0x3490]  }
0xc9: {  	v17 =	vld [tilespmem:s11+$0xFFFFFFC0];
	v11 =	vadd.s32 v11, v12  }
0xca: {  	v18 =	vld [tilespmem:s11+$0xFFFFFFD0];
	[tilespmem:s0+$0xC0] =	vst v11  }
0xcb: {  	v10 =	vadd.s32 v10, v13;
	v11 =	vld [tilespmem:$0x34B0]  }
0xcc: {  	v12 =	vadd.s32 v16, v14;
	[tilespmem:s11+$0x50] =	vst v10;
	v13 =	vld [tilespmem:s11+$0x60]  }
0xcd: {  	[tilespmem:s11+$0xFFFFFF80] =	vst v12;
	v12 =	vld [tilespmem:$0x3460];
	v10 =	vadd.s32 v9, v15  }
0xce: {  	v14 =	vld [tilespmem:$0x3460];
	[tilespmem:s0+$0xFFFFFFC0] =	vst v10;
	v9 =	vmov v17  }
0xcf: {  	v15 =	vld [tilespmem:$0x34A0]  }
.Ltmp0:
0xd0: {  	v11 =	vadd.s32 v3, v11;
	v3 =	vmov v8;
	v8 =	vld [tilespmem:s11+$0xFFFFFFE0];
	(pc) =	sbr.rel @p0 .LBB2_2-.Ltmp0, $4  }
0xd1: {  	v10 =	vld [tilespmem:s11+$0xFFFFFFF0];
	[tilespmem:s1+$0xFFFFFFE0] =	vst v11  }
0xd2: {  	v12 =	vadd.s32 v13, v12;
	v11 =	vld [tilespmem:$0x34C0]  }
0xd3: {  	v14 =	vadd.s32 v19, v14;
	[tilespmem:s11+$0x60] =	vst v12;
	v13 =	vld [tilespmem:s11+$0x70]  }
0xd4: {  	[tilespmem:s11+$0xFFFFFF90] =	vst v14;
	v14 =	vld [tilespmem:$0x3470];
	v12 =	vadd.s32 v6, v15;
	v6 =	vmov v18  }
0xd5: {  	_ = 	snop  }
0xd6: {  	v51 =	vld [tilespmem:$0x3470];
	_ =	sdelay $0x2  }
0xd7: {  	v13 =	vadd.s32 v13, v14  }
0xd8: {  	v50 =	vld [tilespmem:s15+$0x80];
	[tilespmem:s15+$0x70] =	vst v13  }
0xd9: {  	v5 =	vadd.s32 v5, v51;
	v15 =	vld [tilespmem:$0x3480]  }
0xda: {  	[tilespmem:s15+$0xFFFFFFA0] =	vst v5  }
0xdb: {  	v5 =	vld [tilespmem:$0x3480];
	_ =	sdelay $0x2  }
0xdc: {  	v13 =	vadd.s32 v50, v15  }
0xdd: {  	v52 =	vld [tilespmem:s15+$0x90];
	[tilespmem:s15+$0x80] =	vst v13  }
0xde: {  	v5 =	vadd.s32 v7, v5;
	v53 =	vld [tilespmem:$0x3490]  }
0xdf: {  	[tilespmem:s15+$0xFFFFFFB0] =	vst v5  }
0xe0: {  	v55 =	vld [tilespmem:$0x3490];
	_ =	sdelay $0x2  }
0xe1: {  	v54 =	vadd.s32 v52, v53  }
0xe2: {  	v56 =	vld [tilespmem:s15+$0xA0];
	[tilespmem:s15+$0x90] =	vst v54  }
0xe3: {  	v7 =	vadd.s32 v9, v55;
	v57 =	vld [tilespmem:$0x34A0]  }
0xe4: {  	[tilespmem:s15+$0xFFFFFFC0] =	vst v7  }
0xe5: {  	v7 =	vld [tilespmem:$0x34A0];
	_ =	sdelay $0x2  }
0xe6: {  	v5 =	vadd.s32 v56, v57  }
0xe7: {  	v58 =	vld [tilespmem:s15+$0xB0];
	[tilespmem:s15+$0xA0] =	vst v5  }
0xe8: {  	[tilespmem:s0+$0xFFFFFFD0] =	vst v12;
	v6 =	vadd.s32 v6, v7;
	v59 =	vld [tilespmem:$0x34B0]  }
0xe9: {  	v60 =	vld [tilespmem:$0x34B0];
	[tilespmem:s15+$0xFFFFFFD0] =	vst v6  }
0xea: {  	v6 =	vld [tilespmem:$0x34B0];
	_ =	sdelay $0x2  }
0xeb: {  	v5 =	vadd.s32 v58, v59  }
0xec: {  	v61 =	vld [tilespmem:s15+$0xC0];
	v3 =	vadd.s32 v3, v60;
	[tilespmem:s15+$0xB0] =	vst v5  }
0xed: {  	[tilespmem:s0+$0xFFFFFFE0] =	vst v3;
	v3 =	vadd.s32 v8, v6;
	v62 =	vld [tilespmem:$0x34C0]  }
0xee: {  	v63 =	vld [tilespmem:$0x34C0];
	[tilespmem:s15+$0xFFFFFFE0] =	vst v3  }
0xef: {  	v3 =	vld [tilespmem:$0x34C0];
	_ =	sdelay $0x1  }
0xf0: {  	v2 =	vadd.s32 v2, v11  }
0xf1: {  	[tilespmem:s1+$0xFFFFFFF0] =	vst v2;
	v2 =	vadd.s32 v61, v62  }
0xf2: {  	[tilespmem:s15+$0xC0] =	vst v2;
	v2 =	vadd.s32 v4, v63  }
0xf3: {  	[tilespmem:s0+$0xFFFFFFF0] =	vst v2;
	v2 =	vadd.s32 v10, v3  }
0xf4: {  	s0 =	simm.s32 $0x0;
	[tilespmem:s15+$0xFFFFFFF0] =	vst v2  }
0xf5: {  	[tilespmem:s13], [sflag:$0x1] =	stream.indirect.gather [hbm4b:s4+s12], $0x8, s0, s12, $0xb8;
	[tilespmem:$0x7AD0] =	vst v63  }
0xf6: {  	_ = 	snop  }
0xf7: {  	[tilespmem:s14], [sflag:$0x2] =	stream.indirect.gather [hbm4b:s4+s12], $0x8, s12, s12, $0xb8;
	[tilespmem:$0x7AD0] =	vst v63  }
0xf8: {  	s28 =	simm.s32 $0x100  }
0xf9: {  	[tilespmem:s16], [sflag:$0x3] =	stream.indirect.gather [hbm4b:s4+s12], $0x8, s28, s12, $0xb8;
	[tilespmem:$0x7AD0] =	vst v63  }
0xfa: {  	s30 =	simm.s32 $0x180;
	s11 =	simm.s32 $0x0;
	s1 =	rddreg [dreg:$0x7]  }
0xfb: {  	[tilespmem:s18], [sflag:$0x4] =	stream.indirect.gather [hbm4b:s4+s12], $0x8, s30, s12, $0xb8;
	[tilespmem:$0x7AD0] =	vst v63  }
.LBB2_4:
0xfc: {  	_ =	swait.ge [sflag:s19], $0x400  }
0xfd: {  	s15 =	sshra.s32 s0, $0x2;
	[sflag:s19] =	ssyncset.done $0x0  }
0xfe: {  	p0 =	slt.u32 s11, $0x2;
	s17 =	sadd.s32 $0x44D0, s15;
	[sflag:s19] =	ssyncadd.s32 $0xFFFFFC00  }
0xff: {  	[tilespmem:s17], [sflag:$0x9] =	stream.indirect.gather [hbm4b:s5+s12], $0x1, s15, s12, $0xb8;
	[tilespmem:$0x7AD0] =	vst v63  }
0x100: {  	s17 =	simm.s32 @!p0 $0x9  }
0x101: {  	[hbm4b:s1+s2] =	stream.linear.scatter [tilespmem:s13], [sflag:$0x5], $0x400, $0x38;
	[tilespmem:$0x7AD0] =	vst v63  }
0x102: {  	_ =	swait.ge @!p0 [sflag:s17], $0x80  }
0x103: {  	p1 =	seq.s32 @!p0 s0, $0xC800;
	[sflag:s17] =	ssyncset.done @!p0 $0x0  }
0x104: {  	p2 =	por p0, !p1;
	[sflag:s17] =	ssyncadd.s32 @!p0 $0xFFFFFF80  }
0x105: {  	_ =	swait.ge @p2 [sflag:s23], $0x400  }
0x106: {  	[sflag:s23] =	ssyncset.done @p2 $0x0  }
0x107: {  	s30 =	sadd.s32 @p2 $0x200, s15;
	[sflag:s23] =	ssyncadd.s32 @p2 $0xFFFFFC00  }
0x108: {  	[tilespmem:s13], [sflag:$0x1] =	stream.indirect.gather @p2 [hbm4b:s4+s12], $0x8, s30, s12, $0xb8;
	[tilespmem:$0x7AD0] =	vst v63  }
0x109: {  	_ =	swait.ge [sflag:s20], $0x400  }
0x10a: {  	[sflag:s20] =	ssyncset.done $0x0  }
0x10b: {  	s9 =	sadd.s32 $0x4550, s15;
	s3 =	sadd.s32 $0x80, s15;
	[sflag:s20] =	ssyncadd.s32 $0xFFFFFC00  }
0x10c: {  	[tilespmem:s9], [sflag:$0x9] =	stream.indirect.gather [hbm4b:s5+s12], $0x1, s3, s12, $0xb8;
	[tilespmem:$0x7AD0] =	vst v63  }
0x10d: {  	s10 =	sadd.s32 $0x80, s1  }
0x10e: {  	[hbm4b:s10+s2] =	stream.linear.scatter [tilespmem:s14], [sflag:$0x6], $0x400, $0x38;
	[tilespmem:$0x7AD0] =	vst v63  }
0x10f: {  	p1 =	por @!p0 $0x1, $0x1;
	_ =	swait.ge @!p0 [sflag:s17], $0x80  }
0x110: {  	p1 =	por @p2 $0x0, $0x0;
	[sflag:s17] =	ssyncset.done @!p0 $0x0  }
0x111: {  	s3 =	simm.s32 @!p1 $0x6;
	[sflag:s17] =	ssyncadd.s32 @!p0 $0xFFFFFF80  }
0x112: {  	_ =	swait.ge @!p1 [sflag:s3], $0x400  }
0x113: {  	[sflag:s3] =	ssyncset.done @!p1 $0x0  }
0x114: {  	[sflag:s3] =	ssyncadd.s32 @!p1 $0xFFFFFC00;
	s3 =	sshra.s32 @!p1 s0, $0x2  }
0x115: {  	s6 =	simm.s32 @!p1 $0x80;
	s7 =	simm.s32 @!p1 $0x38D0;
	s30 =	sadd.s32 @!p1 $0x280, s3  }
0x116: {  	[tilespmem:s7], [sflag:$0x2] =	stream.indirect.gather @!p1 [hbm4b:s4+s6], $0x8, s30, s6, $0xb8;
	[tilespmem:$0x7AD0] =	vst v63  }
0x117: {  	_ =	swait.ge [sflag:s21], $0x400  }
0x118: {  	[sflag:s21] =	ssyncset.done $0x0  }
0x119: {  	s24 =	sadd.s32 $0x45D0, s15;
	s25 =	sadd.s32 $0x100, s15;
	[sflag:s21] =	ssyncadd.s32 $0xFFFFFC00  }
0x11a: {  	[tilespmem:s24], [sflag:$0x9] =	stream.indirect.gather [hbm4b:s5+s12], $0x1, s25, s12, $0xb8;
	[tilespmem:$0x7AD0] =	vst v63  }
0x11b: {  	s26 =	sadd.s32 $0x100, s1  }
0x11c: {  	[hbm4b:s26+s2] =	stream.linear.scatter [tilespmem:s16], [sflag:$0x7], $0x400, $0x38;
	[tilespmem:$0x7AD0] =	vst v63  }
0x11d: {  	_ =	swait.ge @!p0 [sflag:s17], $0x80  }
0x11e: {  	[sflag:s17] =	ssyncset.done @!p0 $0x0  }
0x11f: {  	s7 =	simm.s32 @!p1 $0x7;
	[sflag:s17] =	ssyncadd.s32 @!p0 $0xFFFFFF80  }
0x120: {  	_ =	swait.ge @!p1 [sflag:s7], $0x400  }
0x121: {  	[sflag:s7] =	ssyncset.done @!p1 $0x0  }
0x122: {  	s30 =	simm.s32 @!p1 $0x3CD0;
	[sflag:s7] =	ssyncadd.s32 @!p1 $0xFFFFFC00;
	s7 =	sadd.s32 @!p1 $0x300, s3  }
0x123: {  	[tilespmem:s30], [sflag:$0x3] =	stream.indirect.gather @!p1 [hbm4b:s4+s6], $0x8, s7, s6, $0xb8;
	[tilespmem:$0x7AD0] =	vst v63  }
0x124: {  	_ =	swait.ge [sflag:s22], $0x400  }
0x125: {  	[sflag:s22] =	ssyncset.done $0x0  }
0x126: {  	s28 =	sadd.s32 $0x4650, s15;
	s15 =	sadd.s32 $0x180, s15;
	[sflag:s22] =	ssyncadd.s32 $0xFFFFFC00  }
0x127: {  	[tilespmem:s28], [sflag:$0x9] =	stream.indirect.gather [hbm4b:s5+s12], $0x1, s15, s12, $0xb8;
	[tilespmem:$0x7AD0] =	vst v63  }
0x128: {  	s30 =	sadd.s32 $0x180, s1  }
0x129: {  	[hbm4b:s30+s2] =	stream.linear.scatter [tilespmem:s18], [sflag:$0x8], $0x400, $0x38;
	[tilespmem:$0x7AD0] =	vst v63  }
0x12a: {  	_ =	swait.ge @!p0 [sflag:s17], $0x80  }
0x12b: {  	s0 =	sadd.s32 $0x800, s0;
	[sflag:s17] =	ssyncset.done @!p0 $0x0  }
0x12c: {  	[sflag:s17] =	ssyncadd.s32 @!p0 $0xFFFFFF80;
	p0 =	sne.s32 s0, $0xD000  }
.Ltmp1:
0x12d: {  	s7 =	simm.s32 @!p1 $0x8;
	(pc) =	sbr.rel @p0 .LBB2_4-.Ltmp1, $4  }
0x12e: {  	_ =	swait.ge @!p1 [sflag:s7], $0x400  }
0x12f: {  	s11 =	sadd.s32 $0x1, s11;
	s3 =	sadd.s32 @!p1 $0x380, s3;
	[sflag:s7] =	ssyncset.done @!p1 $0x0  }
0x130: {  	s1 =	sadd.s32 $0x200, s1;
	[sflag:s7] =	ssyncadd.s32 @!p1 $0xFFFFFC00;
	s7 =	simm.s32 @!p1 $0x40D0  }
0x131: {  	[tilespmem:s7], [sflag:$0x4] =	stream.indirect.gather @!p1 [hbm4b:s4+s6], $0x8, s3, s6, $0xb8;
	[tilespmem:$0x7AD0] =	vst v63  }
0x132: {  	_ =	swait.ge [sflag:s23], $0x400  }
0x133: {  	[sflag:s23] =	ssyncset.done $0x0  }
0x134: {  	s0 =	simm.s32 $0x6;
	[sflag:s23] =	ssyncadd.s32 $0xFFFFFC00  }
0x135: {  	_ =	swait.ge [sflag:s0], $0x400  }
0x136: {  	[sflag:s0] =	ssyncset.done $0x0  }
0x137: {  	s17 =	simm.s32 $0x7;
	[sflag:s0] =	ssyncadd.s32 $0xFFFFFC00  }
0x138: {  	_ =	swait.ge [sflag:s17], $0x400  }
0x139: {  	[sflag:s17] =	ssyncset.done $0x0  }
0x13a: {  	s24 =	simm.s32 $0x1A0;
	s3 =	simm.s32 $0x8;
	[sflag:s17] =	ssyncadd.s32 $0xFFFFFC00  }
0x13b: {  	s1 =	simm.s32 $0x0;
	s25 =	simm.s32 $0x1A1;
	v2 =	vadd.s32 s24, v0;
	_ =	swait.ge [sflag:s3], $0x400  }
0x13c: {  	v3 =	vadd.s32 s1, v0;
	v4 =	vadd.s32 s25, v0;
	v2 =	vand.u32 $0x7FF8, v2;
	[sflag:s3] =	ssyncset.done $0x0  }
0x13d: {  	s26 =	simm.s32 $0x9;
	v3 =	vand.u32 $0x7FF8, v3;
	v2 =	vor.u32 v1, v2;
	[sflag:s3] =	ssyncadd.s32 $0xFFFFFC00  }
0x13e: {  	s28 =	simm.s32 $0x1A2;
	v3 =	vor.u32 v1, v3;
	_ =	swait.ge [sflag:s26], $0x400  }
0x13f: {  	s30 =	simm.s32 $0x1;
	v5 =	vadd.s32 s28, v0;
	[sflag:s26] =	ssyncset.done $0x0  }
0x140: {  	s6 =	simm.s32 $0x2;
	v6 =	vadd.s32 s30, v0;
	[sflag:s26] =	ssyncadd.s32 $0xFFFFFC00  }
0x141: {  	s7 =	simm.s32 $0x1A4;
	v8 =	vadd.s32 s6, v0;
	v4 =	vld.idx.msk [tilespmem:v4+s29+$0x0], $0xffff  }
0x142: {  	s8 =	simm.s32 $0x3;
	v9 =	vadd.s32 s7, v0;
	v2 =	vld.idx.msk [tilespmem:v2+s29+$0x0], $0xffff  }
0x143: {  	s9 =	simm.s32 $0x1A5;
	v10 =	vadd.s32 s8, v0;
	v3 =	vld.idx.msk [tilespmem:v3+s29+$0x0], $0xffff  }
0x144: {  	s10 =	simm.s32 $0x4;
	v11 =	vadd.s32 s9, v0;
	v5 =	vld.idx.msk [tilespmem:v5+s29+$0x0], $0xffff  }
0x145: {  	s11 =	simm.s32 $0x1A6;
	v12 =	vadd.s32 s10, v0;
	v6 =	vld.idx.msk [tilespmem:v6+s29+$0x0], $0xffff  }
0x146: {  	s15 =	simm.s32 $0x5;
	v13 =	vadd.s32 s11, v0;
	v8 =	vld.idx.msk [tilespmem:v8+s29+$0x0], $0xffff  }
0x147: {  	v14 =	vadd.s32 s15, v0;
	s24 =	simm.s32 $0x1A8;
	s17 =	simm.s32 $0x1A7;
	v9 =	vld.idx.msk [tilespmem:v9+s29+$0x0], $0xffff  }
0x148: {  	s25 =	simm.s32 $0x6;
	v16 =	vadd.s32 s24, v0;
	v15 =	vadd.s32 s17, v0;
	v10 =	vld.idx.msk [tilespmem:v10+s29+$0x0], $0xffff  }
0x149: {  	v17 =	vadd.s32 s25, v0;
	v16 =	vand.u32 $0x7FFFFFF8, v16;
	v11 =	vld.idx.msk [tilespmem:v11+s29+$0x0], $0xffff  }
0x14a: {  	v16 =	vor.u32 v1, v16;
	s3 =	simm.s32 $0x1A3;
	v12 =	vld.idx.msk [tilespmem:v12+s29+$0x0], $0xffff  }
0x14b: {  	v7 =	vadd.s32 s3, v0;
	s26 =	simm.s32 $0x7;
	v26 =	vld.idx.msk [tilespmem:v13+s29+$0x0], $0xffff  }
0x14c: {  	s30 =	simm.s32 $0x1A9;
	v18 =	vadd.s32 s26, v0;
	v27 =	vld.idx.msk [tilespmem:v14+s29+$0x0], $0xffff  }
0x14d: {  	s1 =	simm.s32 $0x1AA;
	v14 =	vadd.s32 s30, v0;
	v28 =	vld.idx.msk [tilespmem:v15+s29+$0x0], $0xffff  }
0x14e: {  	s28 =	simm.s32 $0x8;
	s3 =	simm.s32 $0x9;
	v29 =	vld.idx.msk [tilespmem:v17+s29+$0x0], $0xffff;
	v15 =	vadd.s32 s1, v0  }
0x14f: {  	s6 =	simm.s32 $0x1AB;
	v19 =	vadd.s32 s28, v0;
	v17 =	vadd.s32 s3, v0;
	v30 =	vld.idx.msk [tilespmem:v16+s29+$0x0], $0xffff  }
0x150: {  	v13 =	vand.u32 $0x7FF8, v19;
	v16 =	vadd.s32 s6, v0;
	v7 =	vld.idx.msk [tilespmem:v7+s29+$0x0], $0xffff  }
0x151: {  	s7 =	simm.s32 $0xA;
	v13 =	vor.u32 v1, v13;
	v31 =	vld.idx.msk [tilespmem:v18+s29+$0x0], $0xffff  }
0x152: {  	s9 =	simm.s32 $0xB;
	v18 =	vadd.s32 s7, v0;
	v32 =	vld.idx.msk [tilespmem:v14+s29+$0x0], $0xffff  }
0x153: {  	s10 =	simm.s32 $0x1AD;
	v14 =	vadd.s32 s9, v0;
	v34 =	vld.idx.msk [tilespmem:v15+s29+$0x0], $0xffff  }
0x154: {  	s11 =	simm.s32 $0xC;
	v35 =	vld.idx.msk [tilespmem:v17+s29+$0x0], $0xffff;
	v15 =	vadd.s32 s10, v0  }
0x155: {  	s15 =	simm.s32 $0x1AE;
	v17 =	vadd.s32 s11, v0;
	v36 =	vld.idx.msk [tilespmem:v16+s29+$0x0], $0xffff  }
0x156: {  	s8 =	simm.s32 $0x1AC;
	v16 =	vadd.s32 s15, v0;
	v33 =	vld.idx.msk [tilespmem:v13+s29+$0x0], $0xffff  }
0x157: {  	s11 =	simm.s32 $0x13;
	s15 =	simm.s32 $0x1B5;
	v13 =	vadd.s32 s8, v0;
	v37 =	vld.idx.msk [tilespmem:v18+s29+$0x0], $0xffff  }
0x158: {  	v3 =	vadd.f32 v6, v3;
	v44 =	vadd.s32 s11, v0;
	v6 =	vadd.s32 s15, v0;
	s15 =	simm.s32 $0x4E1;
	v39 =	vld.idx.msk [tilespmem:v14+s29+$0x0], $0xffff  }
0x159: {  	s17 =	simm.s32 $0xD;
	v48 =	vadd.s32 s15, v0;
	v40 =	vld.idx.msk [tilespmem:v15+s29+$0x0], $0xffff  }
0x15a: {  	s26 =	simm.s32 $0xE;
	v18 =	vadd.s32 s17, v0;
	v41 =	vld.idx.msk [tilespmem:v17+s29+$0x0], $0xffff  }
0x15b: {  	s28 =	simm.s32 $0xF;
	v19 =	vadd.s32 s26, v0;
	v42 =	vld.idx.msk [tilespmem:v16+s29+$0x0], $0xffff  }
0x15c: {  	s24 =	simm.s32 $0x1AF;
	s30 =	simm.s32 $0x10;
	v2 =	vadd.f32 v4, v2;
	v15 =	vadd.s32 s28, v0;
	v38 =	vld.idx.msk [tilespmem:v13+s29+$0x0], $0xffff  }
0x15d: {  	s3 =	simm.s32 $0x1B1;
	v3 =	vadd.f32 v8, v3;
	v17 =	vadd.s32 s30, v0;
	v13 =	vadd.s32 s24, v0;
	v8 =	vld.idx.msk [tilespmem:v44+s29+$0x0], $0xffff  }
0x15e: {  	s25 =	simm.s32 $0x1B0;
	s10 =	simm.s32 $0x1B4;
	v2 =	vadd.f32 v5, v2;
	v16 =	vand.u32 $0x7FF8, v17;
	v17 =	vadd.s32 s3, v0;
	v56 =	vld.idx.msk [tilespmem:v48+s29+$0x0], $0xffff  }
0x15f: {  	v5 =	vadd.s32 s10, v0;
	v14 =	vadd.s32 s25, v0;
	s17 =	simm.s32 $0x14;
	v25 =	vld.idx.msk [tilespmem:v18+s29+$0x0], $0xffff  }
0x160: {  	v2 =	vadd.f32 v7, v2;
	v14 =	vand.u32 $0x7FFFFFF8, v14;
	v7 =	vadd.s32 s17, v0;
	v18 =	vld.idx.msk [tilespmem:v19+s29+$0x0], $0xffff  }
0x161: {  	v14 =	vor.u32 v1, v14;
	v20 =	vor.u32 v1, v16;
	v16 =	vld.idx.msk [tilespmem:v15+s29+$0x0], $0xffff  }
0x162: {  	s8 =	simm.s32 $0x1B3;
	v3 =	vadd.f32 v10, v3;
	v24 =	vld.idx.msk [tilespmem:v13+s29+$0x0], $0xffff  }
0x163: {  	s7 =	simm.s32 $0x11;
	v4 =	vadd.s32 s8, v0;
	v22 =	vld.idx.msk [tilespmem:v17+s29+$0x0], $0xffff  }
0x164: {  	v3 =	vadd.f32 v12, v3;
	v19 =	vadd.s32 s7, v0;
	v17 =	vld.idx.msk [tilespmem:v5+s29+$0x0], $0xffff  }
0x165: {  	s6 =	simm.s32 $0x1B2;
	v7 =	vld.idx.msk [tilespmem:v7+s29+$0x0], $0xffff  }
0x166: {  	s9 =	simm.s32 $0x12;
	s11 =	simm.s32 $0x340;
	v3 =	vadd.f32 v27, v3;
	v13 =	vadd.s32 s6, v0;
	v23 =	vld.idx.msk [tilespmem:v14+s29+$0x0], $0xffff  }
0x167: {  	s26 =	simm.s32 $0x1B7;
	v43 =	vadd.s32 s9, v0;
	v47 =	vadd.s32 s11, v0;
	v2 =	vadd.f32 v9, v2;
	v15 =	vld.idx.msk [tilespmem:v20+s29+$0x0], $0xffff  }
0x168: {  	s25 =	simm.s32 $0x15;
	v3 =	vadd.f32 v29, v3;
	v29 =	vand.u32 $0x7FF8, v47;
	v5 =	vadd.s32 s26, v0;
	v20 =	vld.idx.msk [tilespmem:v4+s29+$0x0], $0xffff  }
0x169: {  	v9 =	vadd.s32 s25, v0;
	s25 =	simm.s32 $0x4E3;
	v2 =	vadd.f32 v11, v2;
	v50 =	vor.u32 v1, v29;
	v14 =	vld.idx.msk [tilespmem:v19+s29+$0x0], $0xffff  }
0x16a: {  	s24 =	simm.s32 $0x1B6;
	v57 =	vadd.s32 s25, v0;
	v19 =	vld.idx.msk [tilespmem:v6+s29+$0x0], $0xffff  }
0x16b: {  	s28 =	simm.s32 $0x1B8;
	v2 =	vadd.f32 v26, v2;
	v4 =	vadd.s32 s24, v0;
	v21 =	vld.idx.msk [tilespmem:v13+s29+$0x0], $0xffff  }
0x16c: {  	s30 =	simm.s32 $0x16;
	v10 =	vadd.s32 s28, v0;
	v13 =	vld.idx.msk [tilespmem:v43+s29+$0x0], $0xffff  }
0x16d: {  	v63 =	vadd.s32 s30, v0;
	s17 =	simm.s32 $0x4E2;
	s7 =	simm.s32 $0x17;
	s6 =	simm.s32 $0x18;
	v2 =	vadd.f32 v28, v2;
	v6 =	vand.u32 $0x7FFFFFF8, v10;
	v10 =	vld.idx.msk [tilespmem:v5+s29+$0x0], $0xffff  }
0x16e: {  	v52 =	vadd.s32 s17, v0;
	v44 =	vadd.s32 s7, v0;
	v11 =	vadd.s32 s6, v0;
	s24 =	simm.s32 $0x341;
	v26 =	vld.idx.msk [tilespmem:v50+s29+$0x0], $0xffff  }
0x16f: {  	s10 =	simm.s32 $0x4E0;
	v3 =	vadd.f32 v31, v3;
	v54 =	vadd.s32 s24, v0;
	v5 =	vadd.f32 v30, v2;
	v30 =	vld.idx.msk [tilespmem:v57+s29+$0x0], $0xffff  }
0x170: {  	s3 =	simm.s32 $0x4E5;
	v12 =	vor.u32 v1, v6;
	v6 =	vand.u32 $0x7FF8, v11;
	v2 =	vadd.s32 s10, v0;
	v11 =	vld.idx.msk [tilespmem:v4+s29+$0x0], $0xffff  }
0x171: {  	v61 =	vadd.s32 s3, v0;
	v4 =	vld.idx.msk [tilespmem:v9+s29+$0x0], $0xffff;
	v2 =	vand.u32 $0x7FF8, v2  }
0x172: {  	s6 =	simm.s32 $0x344;
	v51 =	vadd.f32 v33, v3;
	v45 =	vor.u32 v1, v6;
	v6 =	vld.idx.msk [tilespmem:v63+s29+$0x0], $0xffff;
	v49 =	vor.u32 v1, v2  }
0x173: {  	s9 =	simm.s32 $0x19;
	v62 =	vadd.s32 s6, v0;
	v2 =	vld.idx.msk [tilespmem:v44+s29+$0x0], $0xffff;
	v5 =	vadd.f32 v32, v5  }
0x174: {  	v46 =	vadd.s32 s9, v0;
	s26 =	simm.s32 $0x342;
	v55 =	vadd.f32 v35, v51;
	v32 =	vld.idx.msk [tilespmem:v52+s29+$0x0], $0xffff  }
0x175: {  	s30 =	simm.s32 $0x343;
	v58 =	vadd.s32 s26, v0;
	v33 =	vld.idx.msk [tilespmem:v54+s29+$0x0], $0xffff;
	v53 =	vadd.f32 v34, v5  }
0x176: {  	v60 =	vadd.s32 s30, v0;
	v28 =	vadd.f32 v37, v55;
	v37 =	vld.idx.msk [tilespmem:v61+s29+$0x0], $0xffff  }
0x177: {  	s28 =	simm.s32 $0x4E4;
	v27 =	vadd.f32 v36, v53;
	v31 =	vld.idx.msk [tilespmem:v49+s29+$0x0], $0xffff  }
0x178: {  	s8 =	simm.s32 $0x1B9;
	s9 =	simm.s32 $0x4E7;
	v59 =	vadd.s32 s28, v0;
	v50 =	vld.idx.msk [tilespmem:v62+s29+$0x0], $0xffff  }
0x179: {  	v47 =	vadd.s32 s9, v0;
	s7 =	simm.s32 $0x4E6;
	s10 =	simm.s32 $0x4E8;
	v9 =	vadd.s32 s8, v0;
	v5 =	vld.idx.msk [tilespmem:v46+s29+$0x0], $0xffff;
	v27 =	vadd.f32 v38, v27  }
0x17a: {  	s15 =	simm.s32 $0x347;
	s8 =	simm.s32 $0x345;
	v63 =	vadd.s32 s7, v0;
	v48 =	vadd.s32 s10, v0;
	v28 =	vadd.f32 v39, v28;
	v34 =	vld.idx.msk [tilespmem:v58+s29+$0x0], $0xffff  }
0x17b: {  	s25 =	simm.s32 $0x4EA;
	v44 =	vadd.s32 s8, v0;
	v52 =	vadd.s32 s15, v0;
	v46 =	vld.idx.msk [tilespmem:v60+s29+$0x0], $0xffff;
	v27 =	vadd.f32 v40, v27  }
0x17c: {  	v62 =	vadd.s32 s25, v0;
	v3 =	vld.idx.msk [tilespmem:v45+s29+$0x0], $0xffff;
	v28 =	vadd.f32 v41, v28;
	v29 =	vadd.f32 v56, v31  }
0x17d: {  	s11 =	simm.s32 $0x346;
	v45 =	vld.idx.msk [tilespmem:v59+s29+$0x0], $0xffff;
	v36 =	vand.u32 $0x7FFFFFF8, v48;
	v26 =	vadd.f32 v33, v26;
	v27 =	vadd.f32 v42, v27  }
0x17e: {  	s17 =	simm.s32 $0x348;
	v12 =	vld.idx.msk [tilespmem:v12+s29+$0x0], $0xffff;
	v49 =	vadd.s32 s11, v0;
	v25 =	vadd.f32 v25, v28;
	v29 =	vadd.f32 v32, v29  }
0x17f: {  	v9 =	vld.idx.msk [tilespmem:v9+s29+$0x0], $0xffff;
	v53 =	vadd.s32 s17, v0;
	v26 =	vadd.f32 v34, v26;
	v24 =	vadd.f32 v24, v27  }
0x180: {  	s24 =	simm.s32 $0x4E9;
	v54 =	vld.idx.msk [tilespmem:v63+s29+$0x0], $0xffff;
	v51 =	vor.u32 v1, v36;
	v18 =	vadd.f32 v18, v25;
	v29 =	vadd.f32 v30, v29  }
0x181: {  	v55 =	vld.idx.msk [tilespmem:v44+s29+$0x0], $0xffff;
	v56 =	vadd.s32 s24, v0;
	v30 =	vand.u32 $0x7FF8, v53;
	v23 =	vadd.f32 v23, v24  }
0x182: {  	s26 =	simm.s32 $0x349;
	v59 =	vld.idx.msk [tilespmem:v47+s29+$0x0], $0xffff;
	v60 =	vadd.f32 v46, v26;
	v58 =	vor.u32 v1, v30;
	v57 =	vadd.f32 v45, v29  }
0x183: {  	s28 =	simm.s32 $0x4EB;
	v63 =	vadd.s32 s26, v0;
	v61 =	vld.idx.msk [tilespmem:v49+s29+$0x0], $0xffff;
	v16 =	vadd.f32 v16, v18;
	v22 =	vadd.f32 v22, v23  }
0x184: {  	s8 =	simm.s32 $0x34C;
	v41 =	vadd.s32 s28, v0;
	v40 =	vld.idx.msk [tilespmem:v52+s29+$0x0], $0xffff;
	v18 =	vadd.f32 v50, v60;
	v24 =	vadd.f32 v37, v57  }
0x185: {  	s30 =	simm.s32 $0x34A;
	v47 =	vadd.s32 s8, v0;
	v15 =	vadd.f32 v15, v16;
	v37 =	vld.idx.msk [tilespmem:v51+s29+$0x0], $0xffff;
	v21 =	vadd.f32 v21, v22  }
0x186: {  	s3 =	simm.s32 $0x4EC;
	v42 =	vadd.s32 s30, v0;
	v16 =	vadd.f32 v55, v18;
	v43 =	vld.idx.msk [tilespmem:v56+s29+$0x0], $0xffff;
	v24 =	vadd.f32 v54, v24  }
0x187: {  	s6 =	simm.s32 $0x34B;
	v44 =	vadd.s32 s3, v0;
	v14 =	vadd.f32 v14, v15;
	v18 =	vld.idx.msk [tilespmem:v58+s29+$0x0], $0xffff;
	v20 =	vadd.f32 v20, v21  }
0x188: {  	s7 =	simm.s32 $0x4ED;
	v28 =	vld.idx.msk [tilespmem:v62+s29+$0x0], $0xffff;
	v15 =	vadd.f32 v61, v16;
	v45 =	vadd.s32 s6, v0;
	v24 =	vadd.f32 v59, v24  }
0x189: {  	s15 =	simm.s32 $0x4F0;
	v46 =	vadd.s32 s7, v0;
	v16 =	vld.idx.msk [tilespmem:v63+s29+$0x0], $0xffff;
	v13 =	vadd.f32 v13, v14;
	v17 =	vadd.f32 v17, v20  }
0x18a: {  	s9 =	simm.s32 $0x4EE;
	v52 =	vadd.s32 s15, v0;
	v48 =	vld.idx.msk [tilespmem:v41+s29+$0x0], $0xffff;
	v14 =	vadd.f32 v40, v15;
	v24 =	vadd.f32 v37, v24  }
0x18b: {  	s10 =	simm.s32 $0x34D;
	v49 =	vadd.s32 s9, v0;
	v27 =	vand.u32 $0x7FFFFFF8, v52;
	v15 =	vld.idx.msk [tilespmem:v42+s29+$0x0], $0xffff;
	v17 =	vadd.f32 v19, v17  }
0x18c: {  	s11 =	simm.s32 $0x4EF;
	v50 =	vld.idx.msk [tilespmem:v44+s29+$0x0], $0xffff;
	v19 =	vadd.s32 s10, v0;
	v14 =	vadd.f32 v18, v14;
	v24 =	vadd.f32 v43, v24  }
0x18d: {  	s17 =	simm.s32 $0x34E;
	v55 =	vor.u32 v1, v27;
	v51 =	vadd.s32 s11, v0;
	v8 =	vadd.f32 v8, v13;
	v18 =	vld.idx.msk [tilespmem:v45+s29+$0x0], $0xffff  }
0x18e: {  	s28 =	simm.s32 $0x4F2;
	v53 =	vadd.s32 s17, v0;
	v23 =	vld.idx.msk [tilespmem:v46+s29+$0x0], $0xffff;
	v14 =	vadd.f32 v16, v14;
	v24 =	vadd.f32 v28, v24  }
0x18f: {  	s24 =	simm.s32 $0x350;
	v58 =	vadd.s32 s28, v0;
	v7 =	vadd.f32 v7, v8;
	v11 =	vadd.f32 v11, v17;
	v16 =	vld.idx.msk [tilespmem:v47+s29+$0x0], $0xffff  }
0x190: {  	s25 =	simm.s32 $0x34F;
	v22 =	vld.idx.msk [tilespmem:v49+s29+$0x0], $0xffff;
	v54 =	vadd.s32 s24, v0;
	v14 =	vadd.f32 v15, v14;
	v24 =	vadd.f32 v48, v24  }
0x191: {  	s26 =	simm.s32 $0x4F1;
	v56 =	vand.u32 $0x7FF8, v54;
	v17 =	vadd.s32 s25, v0;
	v10 =	vadd.f32 v10, v11;
	v15 =	vld.idx.msk [tilespmem:v19+s29+$0x0], $0xffff  }
0x192: {  	v13 =	vld.idx.msk [tilespmem:v51+s29+$0x0], $0xffff;
	v19 =	vadd.s32 s26, v0;
	v14 =	vadd.f32 v18, v14;
	v57 =	vadd.f32 v50, v24  }
0x193: {  	s30 =	simm.s32 $0x351;
	v4 =	vadd.f32 v4, v7;
	v11 =	vor.u32 v1, v56;
	v10 =	vadd.f32 v12, v10;
	v18 =	vld.idx.msk [tilespmem:v53+s29+$0x0], $0xffff  }
0x194: {  	s3 =	simm.s32 $0x352;
	v8 =	vadd.s32 s30, v0;
	v62 =	vld.idx.msk [tilespmem:v58+s29+$0x0], $0xffff;
	v14 =	vadd.f32 v16, v14;
	v59 =	vadd.f32 v23, v57  }
0x195: {  	s1 =	simm.s32 $0x4F3;
	v6 =	vadd.f32 v6, v4;
	v12 =	vld.idx.msk [tilespmem:v55+s29+$0x0], $0xffff;
	v60 =	vadd.f32 v9, v10;
	v9 =	vadd.s32 s3, v0  }
0x196: {  	s6 =	simm.s32 $0x4F4;
	v16 =	vld.idx.msk [tilespmem:v17+s29+$0x0], $0xffff;
	v17 =	vadd.s32 s1, v0;
	v14 =	vadd.f32 v15, v14;
	v10 =	vadd.f32 v22, v59  }
0x197: {  	s9 =	simm.s32 $0x4F5;
	v6 =	vadd.f32 v2, v6;
	v7 =	vld.idx.msk [tilespmem:v19+s29+$0x0], $0xffff;
	v15 =	vadd.s32 s6, v0  }
0x198: {  	s7 =	simm.s32 $0x353;
	v11 =	vld.idx.msk [tilespmem:v11+s29+$0x0], $0xffff;
	v10 =	vadd.f32 v13, v10;
	v13 =	vadd.f32 v18, v14;
	v14 =	vadd.s32 s9, v0  }
0x199: {  	s8 =	simm.s32 $0x354;
	s10 =	simm.s32 $0x355;
	v8 =	vld.idx.msk [tilespmem:v8+s29+$0x0], $0xffff;
	v6 =	vadd.f32 v3, v6;
	v19 =	vadd.s32 s7, v0  }
0x19a: {  	s15 =	simm.s32 $0x4F6;
	v61 =	vadd.s32 s8, v0;
	v63 =	vld.idx.msk [tilespmem:v9+s29+$0x0], $0xffff;
	v18 =	vadd.s32 s10, v0;
	v12 =	vadd.f32 v12, v10  }
0x19b: {  	s24 =	simm.s32 $0x358;
	s25 =	simm.s32 $0x4F8;
	v6 =	vadd.f32 v5, v6;
	v17 =	vld.idx.msk [tilespmem:v17+s29+$0x0], $0xffff;
	v13 =	vadd.f32 v16, v13;
	v16 =	vadd.s32 s15, v0  }
0x19c: {  	s28 =	simm.s32 $0x4F7;
	v5 =	vadd.s32 s25, v0;
	v9 =	vadd.s32 s24, v0;
	v10 =	vld.idx.msk [tilespmem:v15+s29+$0x0], $0xffff;
	v7 =	vadd.f32 v7, v12  }
0x19d: {  	s11 =	simm.s32 $0x356;
	v3 =	vand.u32 $0x7FF8, v9;
	v12 =	vadd.f32 v11, v13;
	v9 =	vld.idx.msk [tilespmem:v14+s29+$0x0], $0xffff;
	v14 =	vadd.s32 s28, v0  }
0x19e: {  	s0 =	simm.s32 $0x78E0;
	v4 =	vadd.s32 s11, v0;
	v11 =	vld.idx.msk [tilespmem:v19+s29+$0x0], $0xffff;
	v13 =	vand.u32 $0x7FFFFFF8, v5;
	v15 =	vadd.f32 v62, v7  }
0x19f: {  	s17 =	simm.s32 $0x357;
	[tilespmem:s0+$0xFFFFFFF0] =	vst v6;
	v13 =	vor.u32 v1, v13;
	v6 =	vld.idx.msk [tilespmem:v18+s29+$0x0], $0xffff;
	v8 =	vadd.f32 v8, v12  }
0x1a0: {  	s30 =	simm.s32 $0x4F9;
	v2 =	vadd.s32 s17, v0;
	s26 =	simm.s32 $0x359;
	v3 =	vor.u32 v1, v3;
	v12 =	vld.idx.msk [tilespmem:v16+s29+$0x0], $0xffff;
	v16 =	vadd.f32 v17, v15  }
0x1a1: {  	s11 =	simm.s32 $0x839;
	s1 =	simm.s32 $0x2;
	[tilespmem:s0+$0x0] =	vst v60;
	v5 =	vadd.s32 s26, v0;
	v7 =	vld.idx.msk [tilespmem:v61+s29+$0x0], $0xffff;
	v15 =	vadd.f32 v63, v8;
	v8 =	vadd.s32 s30, v0  }
.LBB2_6:
0x1a2: {  	s3 =	sadd.s32 $0xFFFFFE47, s11;
	s6 =	sadd.s32 $0xFFFFFFE7, s11;
	s1 =	sadd.s32 $0x2, s1;
	v10 =	vadd.f32 v10, v16;
	v14 =	vld.idx.msk [tilespmem:v14+s29+$0x0], $0xffff  }
0x1a3: {  	v16 =	vadd.s32 s3, v0;
	s3 =	sadd.s32 $0xFFFFFE48, s11;
	v17 =	vadd.s32 s6, v0;
	s6 =	sadd.s32 $0xFFFFFFE8, s11;
	p0 =	slt.u32 s1, $0x1E;
	v18 =	vadd.f32 v11, v15;
	v11 =	vld.idx.msk [tilespmem:v4+s29+$0x0], $0xffff  }
0x1a4: {  	s7 =	sadd.s32 $0xFFFFFE49, s11;
	s15 =	sadd.s32 $0xFFFFFE4A, s11;
	s17 =	sadd.s32 $0xFFFFFE4B, s11;
	v4 =	vand.u32 $0x7FF8, v17;
	v15 =	vadd.s32 s6, v0;
	v9 =	vadd.f32 v9, v10;
	v10 =	vld.idx.msk [tilespmem:v13+s29+$0x0], $0xffff  }
0x1a5: {  	s30 =	sadd.s32 $0xFFFFFE4E, s11;
	v16 =	vand.u32 $0x7FF8, v16;
	v19 =	vadd.s32 s3, v0;
	s3 =	sadd.s32 $0xFFFFFE4C, s11;
	s6 =	sadd.s32 $0xFFFFFE4D, s11;
	v4 =	vor.u32 v1, v4;
	v13 =	vld.idx.msk [tilespmem:v2+s29+$0x0], $0xffff  }
0x1a6: {  	s8 =	sadd.s32 $0xFFFFFE50, s11;
	s9 =	sadd.s32 $0xFFFFFFE9, s11;
	v2 =	vor.u32 v1, v16;
	v16 =	vadd.s32 s7, v0;
	s7 =	sadd.s32 $0xFFFFFE4F, s11;
	v9 =	vadd.f32 v12, v9;
	v8 =	vld.idx.msk [tilespmem:v8+s29+$0x0], $0xffff  }
0x1a7: {  	s24 =	sadd.s32 $0xFFFFFE53, s11;
	v20 =	vadd.s32 s15, v0;
	v21 =	vadd.s32 s17, v0;
	s15 =	sadd.s32 $0xFFFFFE51, s11;
	s17 =	sadd.s32 $0xFFFFFE52, s11;
	v12 =	vadd.s32 s9, v0;
	v22 =	vld.idx.msk [tilespmem:v3+s29+$0x0], $0xffff  }
0x1a8: {  	v23 =	vadd.s32 s6, v0;
	s6 =	sadd.s32 $0xFFFFFE55, s11;
	s9 =	sadd.s32 $0xFFFFFFEA, s11;
	v3 =	vadd.s32 s3, v0;
	s3 =	sadd.s32 $0xFFFFFE54, s11;
	v17 =	vld.idx.msk [tilespmem:v5+s29+$0x0], $0xffff;
	v5 =	vadd.f32 v14, v9  }
0x1a9: {  	s25 =	sadd.s32 $0xFFFFFE58, s11;
	v24 =	vadd.s32 s30, v0;
	s30 =	sadd.s32 $0xFFFFFE57, s11;
	v26 =	vadd.s32 s9, v0;
	v9 =	vadd.s32 s7, v0;
	s7 =	sadd.s32 $0xFFFFFE56, s11;
	v25 =	vld.idx.msk [tilespmem:v15+s29+$0x0], $0xffff  }
0x1aa: {  	s26 =	sadd.s32 $0xFFFFFFEB, s11;
	v27 =	vadd.s32 s8, v0;
	s8 =	sadd.s32 $0xFFFFFE59, s11;
	s9 =	sadd.s32 $0xFFFFFE5A, s11;
	v9 =	vand.u32 $0x7FF8, v9;
	v4 =	vld.idx.msk [tilespmem:v4+s29+$0x0], $0xffff;
	v5 =	vadd.f32 v10, v5  }
0x1ab: {  	s28 =	sadd.s32 $0xFFFFFE5C, s11;
	s10 =	sadd.s32 $0xFFFFFE5D, s11;
	v29 =	vadd.s32 s15, v0;
	s15 =	sadd.s32 $0xFFFFFE5B, s11;
	v28 =	vor.u32 v1, v9;
	v9 =	vadd.s32 s26, v0;
	v2 =	vld.idx.msk [tilespmem:v2+s29+$0x0], $0xffff  }
0x1ac: {  	v31 =	vadd.s32 s24, v0;
	s24 =	sadd.s32 $0xFFFFFE5F, s11;
	v30 =	vadd.s32 s17, v0;
	s17 =	sadd.s32 $0xFFFFFE5E, s11;
	s26 =	sadd.s32 $0xFFFFFFEC, s11;
	v32 =	vld.idx.msk [tilespmem:v12+s29+$0x0], $0xffff;
	v5 =	vadd.f32 v8, v5  }
0x1ad: {  	s0 =	sadd.s32 $0x20, s0;
	v15 =	vadd.s32 s6, v0;
	v33 =	vadd.s32 s26, v0;
	v8 =	vld.idx.msk [tilespmem:v19+s29+$0x0], $0xffff;
	v19 =	vadd.s32 s3, v0;
	s3 =	sadd.s32 $0xFFFFFE60, s11  }
0x1ae: {  	v18 =	vadd.f32 v7, v18;
	v14 =	vadd.s32 s7, v0;
	s6 =	sadd.s32 $0xFFFFFFED, s11;
	v10 =	vadd.s32 s30, v0;
	v26 =	vld.idx.msk [tilespmem:v26+s29+$0x0], $0xffff;
	[tilespmem:s0+$0x0] =	vst v5  }
0x1af: {  	v34 =	vadd.s32 s6, v0;
	v7 =	vand.u32 $0x7FF8, v10;
	v12 =	vadd.s32 s25, v0;
	v5 =	vld.idx.msk [tilespmem:v16+s29+$0x0], $0xffff  }
0x1b0: {  	s7 =	sadd.s32 $0xFFFFFFEF, s11;
	s6 =	sadd.s32 $0xFFFFFFEE, s11;
	v10 =	vadd.s32 s8, v0;
	v16 =	vor.u32 v1, v7;
	v4 =	vadd.f32 v25, v4;
	v25 =	vld.idx.msk [tilespmem:v9+s29+$0x0], $0xffff  }
0x1b1: {  	v36 =	vadd.s32 s7, v0;
	v35 =	vadd.s32 s6, v0;
	v9 =	vadd.s32 s9, v0;
	v20 =	vld.idx.msk [tilespmem:v20+s29+$0x0], $0xffff  }
0x1b2: {  	v7 =	vadd.s32 s15, v0;
	v32 =	vadd.f32 v32, v4;
	v4 =	vand.u32 $0x7FFFFFF8, v36;
	v33 =	vld.idx.msk [tilespmem:v33+s29+$0x0], $0xffff  }
0x1b3: {  	v36 =	vadd.f32 v8, v2;
	v8 =	vadd.s32 s28, v0;
	v37 =	vor.u32 v1, v4;
	v21 =	vld.idx.msk [tilespmem:v21+s29+$0x0], $0xffff  }
0x1b4: {  	s6 =	sadd.s32 $0xFFFFFFF0, s11;
	v4 =	vadd.s32 s10, v0;
	v2 =	vadd.s32 s17, v0;
	v26 =	vadd.f32 v26, v32;
	v32 =	vld.idx.msk [tilespmem:v34+s29+$0x0], $0xffff  }
0x1b5: {  	v5 =	vadd.f32 v5, v36;
	v36 =	vadd.s32 s6, v0;
	v34 =	vld.idx.msk [tilespmem:v3+s29+$0x0], $0xffff;
	v3 =	vadd.s32 s24, v0  }
0x1b6: {  	v6 =	vadd.f32 v6, v18;
	s6 =	sadd.s32 $0xFFFFFFF1, s11;
	v25 =	vadd.f32 v25, v26;
	v3 =	vand.u32 $0x7FF8, v3;
	v26 =	vld.idx.msk [tilespmem:v35+s29+$0x0], $0xffff  }
0x1b7: {  	v18 =	vadd.f32 v20, v5;
	v20 =	vld.idx.msk [tilespmem:v23+s29+$0x0], $0xffff;
	v3 =	vor.u32 v1, v3;
	v23 =	vadd.s32 s6, v0  }
0x1b8: {  	v6 =	vadd.f32 v11, v6;
	v5 =	vadd.s32 s3, v0;
	s3 =	sadd.s32 $0xFFFFFFF2, s11;
	v25 =	vadd.f32 v33, v25;
	v33 =	vld.idx.msk [tilespmem:v37+s29+$0x0], $0xffff  }
0x1b9: {  	v11 =	vadd.f32 v21, v18;
	v21 =	vadd.s32 s3, v0;
	v18 =	vld.idx.msk [tilespmem:v24+s29+$0x0], $0xffff  }
0x1ba: {  	v6 =	vadd.f32 v13, v6;
	s3 =	sadd.s32 $0xFFFFFFF3, s11;
	v24 =	vadd.f32 v32, v25;
	v25 =	vld.idx.msk [tilespmem:v36+s29+$0x0], $0xffff  }
0x1bb: {  	v11 =	vadd.f32 v34, v11;
	v13 =	vld.idx.msk [tilespmem:v28+s29+$0x0], $0xffff;
	v28 =	vadd.s32 s3, v0  }
0x1bc: {  	v6 =	vadd.f32 v22, v6;
	v24 =	vadd.f32 v26, v24;
	s3 =	sadd.s32 $0xFFFFFFF4, s11;
	v23 =	vld.idx.msk [tilespmem:v23+s29+$0x0], $0xffff  }
0x1bd: {  	v11 =	vadd.f32 v20, v11;
	v22 =	vadd.s32 s3, v0;
	v20 =	vld.idx.msk [tilespmem:v27+s29+$0x0], $0xffff  }
0x1be: {  	v6 =	vadd.f32 v17, v6;
	s3 =	sadd.s32 $0xFFFFFFF5, s11;
	v24 =	vadd.f32 v33, v24;
	v21 =	vld.idx.msk [tilespmem:v21+s29+$0x0], $0xffff  }
0x1bf: {  	v11 =	vadd.f32 v18, v11;
	v18 =	vadd.s32 s3, v0;
	v17 =	vld.idx.msk [tilespmem:v29+s29+$0x0], $0xffff  }
0x1c0: {  	s6 =	sadd.s32 $0xFFFFFFF7, s11;
	s3 =	sadd.s32 $0xFFFFFFF6, s11;
	v24 =	vadd.f32 v25, v24;
	v25 =	vld.idx.msk [tilespmem:v28+s29+$0x0], $0xffff;
	[tilespmem:s0+$0xFFFFFFF0] =	vst v6  }
0x1c1: {  	v26 =	vadd.s32 s6, v0;
	v6 =	vadd.f32 v13, v11;
	v13 =	vadd.s32 s3, v0;
	v11 =	vld.idx.msk [tilespmem:v30+s29+$0x0], $0xffff  }
0x1c2: {  	v23 =	vadd.f32 v23, v24;
	v24 =	vand.u32 $0x7FFFFFF8, v26;
	v22 =	vld.idx.msk [tilespmem:v22+s29+$0x0], $0xffff  }
0x1c3: {  	v6 =	vadd.f32 v20, v6;
	v24 =	vor.u32 v1, v24;
	v20 =	vld.idx.msk [tilespmem:v31+s29+$0x0], $0xffff  }
0x1c4: {  	s3 =	sadd.s32 $0xFFFFFFF8, s11;
	v21 =	vadd.f32 v21, v23;
	v18 =	vld.idx.msk [tilespmem:v18+s29+$0x0], $0xffff  }
0x1c5: {  	v6 =	vadd.f32 v17, v6;
	v17 =	vld.idx.msk [tilespmem:v19+s29+$0x0], $0xffff;
	v19 =	vadd.s32 s3, v0  }
0x1c6: {  	v21 =	vadd.f32 v25, v21;
	s3 =	sadd.s32 $0xFFFFFFF9, s11;
	v13 =	vld.idx.msk [tilespmem:v13+s29+$0x0], $0xffff  }
0x1c7: {  	v6 =	vadd.f32 v11, v6;
	v11 =	vld.idx.msk [tilespmem:v15+s29+$0x0], $0xffff;
	v15 =	vadd.s32 s3, v0  }
0x1c8: {  	v21 =	vadd.f32 v22, v21;
	s3 =	sadd.s32 $0xFFFFFFFA, s11;
	v22 =	vld.idx.msk [tilespmem:v24+s29+$0x0], $0xffff  }
0x1c9: {  	v6 =	vadd.f32 v20, v6;
	v20 =	vadd.s32 s3, v0;
	v14 =	vld.idx.msk [tilespmem:v14+s29+$0x0], $0xffff  }
0x1ca: {  	s3 =	sadd.s32 $0xFFFFFFFB, s11;
	v18 =	vadd.f32 v18, v21;
	v19 =	vld.idx.msk [tilespmem:v19+s29+$0x0], $0xffff  }
0x1cb: {  	v6 =	vadd.f32 v17, v6;
	v17 =	vadd.s32 s3, v0;
	v16 =	vld.idx.msk [tilespmem:v16+s29+$0x0], $0xffff  }
0x1cc: {  	s3 =	sadd.s32 $0xFFFFFFFC, s11;
	v13 =	vadd.f32 v13, v18;
	v15 =	vld.idx.msk [tilespmem:v15+s29+$0x0], $0xffff  }
0x1cd: {  	v18 =	vadd.s32 s3, v0;
	v6 =	vadd.f32 v11, v6;
	v12 =	vld.idx.msk [tilespmem:v12+s29+$0x0], $0xffff  }
0x1ce: {  	s3 =	sadd.s32 $0xFFFFFFFD, s11;
	v11 =	vadd.f32 v22, v13;
	v20 =	vld.idx.msk [tilespmem:v20+s29+$0x0], $0xffff  }
0x1cf: {  	v22 =	vadd.s32 s3, v0;
	v6 =	vadd.f32 v14, v6;
	v21 =	vld.idx.msk [tilespmem:v10+s29+$0x0], $0xffff  }
0x1d0: {  	s6 =	sadd.s32 $0xFFFFFFFF, s11;
	s3 =	sadd.s32 $0xFFFFFFFE, s11;
	v13 =	vadd.f32 v19, v11;
	v10 =	vld.idx.msk [tilespmem:v17+s29+$0x0], $0xffff  }
.Ltmp2:
0x1d1: {  	v14 =	vadd.s32 s3, v0;
	v6 =	vadd.f32 v16, v6;
	v16 =	vadd.s32 s6, v0;
	v11 =	vld.idx.msk [tilespmem:v9+s29+$0x0], $0xffff;
	(pc) =	sbr.rel @p0 .LBB2_6-.Ltmp2, $4  }
0x1d2: {  	v15 =	vadd.f32 v15, v13;
	v13 =	vand.u32 $0x7FFFFFF8, v16;
	v9 =	vld.idx.msk [tilespmem:v18+s29+$0x0], $0xffff  }
0x1d3: {  	v6 =	vadd.f32 v12, v6;
	v13 =	vor.u32 v1, v13;
	v7 =	vld.idx.msk [tilespmem:v7+s29+$0x0], $0xffff  }
0x1d4: {  	v16 =	vadd.f32 v20, v15;
	v12 =	vld.idx.msk [tilespmem:v22+s29+$0x0], $0xffff  }
0x1d5: {  	v15 =	vadd.f32 v21, v6;
	v6 =	vld.idx.msk [tilespmem:v8+s29+$0x0], $0xffff;
	v8 =	vadd.s32 s11, v0;
	s11 =	sadd.s32 $0x340, s11  }
0x1d6: {  	_ =	sdelay $0x2  }
0x1d7: {  	v11 =	vadd.f32 v11, v15  }
0x1d8: {  	v10 =	vadd.f32 v10, v16;
	v4 =	vld.idx.msk [tilespmem:v4+s29+$0x0], $0xffff  }
0x1d9: {  	v14 =	vld.idx.msk [tilespmem:v14+s29+$0x0], $0xffff;
	v7 =	vadd.f32 v7, v11  }
0x1da: {  	v2 =	vld.idx.msk [tilespmem:v2+s29+$0x0], $0xffff;
	v9 =	vadd.f32 v9, v10  }
0x1db: {  	v60 =	vld.idx.msk [tilespmem:v13+s29+$0x0], $0xffff;
	v6 =	vadd.f32 v6, v7  }
0x1dc: {  	v3 =	vld.idx.msk [tilespmem:v3+s29+$0x0], $0xffff;
	v61 =	vadd.f32 v12, v9  }
0x1dd: {  	v8 =	vld.idx.msk [tilespmem:v8+s29+$0x0], $0xffff;
	v4 =	vadd.f32 v4, v6  }
0x1de: {  	v5 =	vld.idx.msk [tilespmem:v5+s29+$0x0], $0xffff;
	v62 =	vadd.f32 v14, v61  }
0x1df: {  	v2 =	vadd.f32 v2, v4  }
0x1e0: {  	v63 =	vadd.f32 v60, v62  }
0x1e1: {  	v2 =	vadd.f32 v3, v2  }
0x1e2: {  	v3 =	vadd.f32 v8, v63  }
0x1e3: {  	s0 =	sadd.s32 $0x20, s0;
	v2 =	vadd.f32 v5, v2  }
0x1e4: {  	[tilespmem:s0+$0x0] =	vst v3  }
0x1e5: {  	[tilespmem:s0+$0xFFFFFFF0] =	vst v2  }
0x1e6: {  	s1 =	simm.s32 $0x78D0;
	s0 =	rddreg [dreg:$0x5]  }
0x1e7: {  	[hbm4b:s0+s2] =	stream.linear.scatter [tilespmem:s1], [sflag:$0xA], $0x200, $0x38;
	[tilespmem:$0x7AD0] =	vst v63  }
0x1e8: {  	s1 =	simm.s32 $0xA  }
0x1e9: {  	_ =	swait.ge [sflag:s1], $0x200  }
0x1ea: {  	s31 =	sadd.s32 $0x1, s31;
	s30 =	rddreg [dreg:$0x6]  }
0x1eb: {  	p0 =	sne.s32 s31, s30  }
.Ltmp3:
0x1ec: {  	_ = 	snop;
	(pc) =	sbr.rel @p0 .LBB2_1-.Ltmp3, $3  }
0x1ed: {  	_ =	sdelay $0x1  }
0x1ee: {  	[sflag:s1] =	ssyncset.done $0x0  }
0x1ef: {  	[sflag:s1] =	ssyncadd.s32 $0xFFFFFE00  }
0x1f0: {  	_ =	sfence.sel $0x180000  }
0x1f1: {  	[bflag:$0x0] =	sbarrier.arrive $0xFFFF  }
0x1f2: {  	_ =	strace $0x9000004A  }
0x1f3: {  	s0 =	stileid.u32;
	[bflag:$0x2] =	sbarrier.arrive $0xFFFF  }
0x1f4: {  	p0 =	sne.s32 s0, $0x0;
	s0 =	rddreg [dreg:$0x2]  }
0x1f5: {  	s0 =	sadd.s32 @!p0 $0x100000, s0  }
0x1f6: {  	[sflag:s0] =	ssyncadd.tile.s32 @!p0 $0x1;
	_ =	shalt  }
.Lfunc_end2:
_tile_overlayer_lowered:
.L_overlay_start_2:
0x1f7: {  	(tag) =	ssettag $0x2  }
0x1f8: {  	s0 =	rddreg [dreg:$0x0];
	s2 =	stileid.u32  }
0x1f9: {  	s1 =	rddreg [dreg:$0x1];
	p0 =	sne.s32 s2, $0x0  }
0x1fa: {  	s3 =	rddreg [dreg:$0x2];
	[bflag:$0x3] =	sbarrier.arrive $0xFFFF;
	s2 =	simm.s32 @!p0 $0x1C0A  }
0x1fb: {  	[timem:s3], [sflag:s2] =	dma.local @!p0 [hbm:s0], s1  }
0x1fc: {  	s0 =	simm.s32 @!p0 $0xA  }
0x1fd: {  	_ =	swait.ge @!p0 [sflag:s0], s1  }
0x1fe: {  	s1 =	ssub.s32 @!p0 $0x0, s1;
	[sflag:s0] =	ssyncset.done @!p0 $0x0  }
0x1ff: {  	[sflag:s0] =	ssyncadd.s32 @!p0 s1  }
0x200: {  	[bflag:$0x3] =	sbarrier.arrive $0xFFFF  }
0x201: {  	_ =	shalt  }

</sc_bundles>
